<compile_context>
chip_gen: v7x
topology: tpu7x:2x2x1
jax: 0.10.2.dev20260603
libtpu: 0.0.44.dev20260713+nightly
codegen_flags: <defaults>
</compile_context>

<pallas_src>
import functools

import jax
import jax.numpy as jnp
from jax import lax
from jax.experimental import pallas as pl
from jax.experimental.pallas import tpu as pltpu
from jax.experimental.pallas import tpu_sc as plsc

N = 160000
B = 1024
D = 256
H = 128

R = 3200
NB = N // R

ACCW = 272
NW = 32
SPW = B // NW
CH = 128


def _score_body(bm_ref, x_ref, w1_ref, b1_ref, w2_ref, b2_ref,
                e_ref, st_ref, cnt_acc):
    g = pl.program_id(0)

    @pl.when(g == 0)
    def _init():
        cnt_acc[...] = jnp.zeros_like(cnt_acc)

    x = x_ref[...]
    h = jnp.tanh(
        lax.dot_general(x, w1_ref[...], (((1,), (0,)), ((), ())),
                        preferred_element_type=jnp.float32)
        + b1_ref[...])
    s = jnp.sum(h * w2_ref[...], axis=1, keepdims=True) + b2_ref[...]
    e = jnp.exp(jnp.clip(s, -10.0, 10.0))
    ids_f = bm_ref[0, 0, :].reshape(R, 1).astype(jnp.float32)
    e_ref[...] = jnp.concatenate(
        [jnp.broadcast_to(e, (R, 16)),
         jnp.broadcast_to(ids_f, (R, 16))], axis=1)

    ids_row = bm_ref[0, :, :]
    th = lax.broadcasted_iota(jnp.int32, (64, 1), 0) * SPW
    below = (ids_row < th).astype(jnp.int32)
    cnt = jnp.sum(below, axis=1, keepdims=True)
    cnt_acc[...] += jnp.broadcast_to(cnt, (64, 128))

    @pl.when(g == NB - 1)
    def _finish():
        st_ref[...] = cnt_acc[:, :16]


def _scores(x, batch_map, W1, b1, W2, b2):
    return pl.pallas_call(
        _score_body,
        grid=(NB,),
        in_specs=[
            pl.BlockSpec((1, 1, R), lambda g: (g, 0, 0)),
            pl.BlockSpec((R, D), lambda g: (g, 0)),
            pl.BlockSpec((D, H), lambda g: (0, 0)),
            pl.BlockSpec((1, H), lambda g: (0, 0)),
            pl.BlockSpec((1, H), lambda g: (0, 0)),
            pl.BlockSpec((1, 1), lambda g: (0, 0)),
        ],
        out_specs=[
            pl.BlockSpec((R, 32), lambda g: (g, 0)),
            pl.BlockSpec((64, 16), lambda g: (0, 0)),
        ],
        out_shape=[
            jax.ShapeDtypeStruct((N, 32), jnp.float32),
            jax.ShapeDtypeStruct((64, 16), jnp.int32),
        ],
        scratch_shapes=[pltpu.VMEM((64, 128), jnp.int32)],
    )(batch_map.reshape(NB, 1, R), x, W1, b1.reshape(1, H),
      W2.reshape(1, H), b2.reshape(1, 1))


def _sc_segment_sum(x, e_rep, starts):
    mesh = plsc.VectorSubcoreMesh(core_axis_name="c", subcore_axis_name="s")

    @functools.partial(
        pl.kernel,
        mesh=mesh,
        out_type=jax.ShapeDtypeStruct((B, ACCW), jnp.float32),
        scratch_types=[
            pltpu.VMEM((CH, D), jnp.float32),
            pltpu.VMEM((CH, D), jnp.float32),
            pltpu.VMEM((CH, 32), jnp.float32),
            pltpu.VMEM((CH, 32), jnp.float32),
            pltpu.VMEM((64, 16), jnp.int32),
            pltpu.VMEM((SPW, ACCW), jnp.float32),
            pltpu.SemaphoreType.DMA,
            pltpu.SemaphoreType.DMA,
            pltpu.SemaphoreType.DMA,
            pltpu.SemaphoreType.DMA,
        ],
    )
    def sc_kernel(x_hbm, e_hbm, st_hbm, out_hbm,
                  xva, xvb, cva, cvb, sv, acc, sxa, sxb, sca, scb):
        cid = lax.axis_index("c")
        sid = lax.axis_index("s")
        wid = cid * 16 + sid
        base_seg = wid * SPW
        lane = lax.iota(jnp.int32, 16)

        def zrow(r, _):
            for k in range(ACCW // 16):
                acc[r, k * 16:(k + 1) * 16] = jnp.zeros((16,), jnp.float32)
            return 0
        lax.fori_loop(0, SPW, zrow, 0)

        pltpu.sync_copy(st_hbm, sv)
        s0 = sv[wid, 0:16][0]
        s1 = sv[wid + 1, 0:16][0]

        nreg = ACCW // 16
        zregs = tuple(jnp.zeros((16,), jnp.float32) for _ in range(nreg))

        def flush(prev_f, regs):
            pc = jnp.clip(prev_f.astype(jnp.int32) - base_seg, 0, SPW - 1)
            for k in range(nreg):
                acc[pc, k * 16:(k + 1) * 16] += regs[k]

        base_f = base_seg.astype(jnp.float32)

        def owned(prev_f):
            return jnp.logical_and(prev_f >= base_f,
                                   prev_f < base_f + float(SPW))

        jstart = s0 // CH
        jend = (s1 + CH - 1) // CH
        npairs = (jend - jstart + 1) // 2

        def clampj(j):
            return jnp.minimum(j, N // CH - 1)

        def issue(j, xv, cv, sx, sc):
            c = clampj(j)
            pltpu.async_copy(x_hbm.at[pl.ds(c * CH, CH)], xv, sx)
            pltpu.async_copy(e_hbm.at[pl.ds(c * CH, CH)], cv, sc)

        def wait(xv, cv, sx, sc):
            pltpu.make_async_copy(x_hbm.at[pl.ds(0, CH)], xv, sx).wait()
            pltpu.make_async_copy(e_hbm.at[pl.ds(0, CH)], cv, sc).wait()

        def compute(j, xv, cv, st):
            def row_body(r, rst):
                prev = rst[0]
                regs = rst[1:]
                bm_f = cv[r, 16:32][0]
                g0 = j * CH + r
                valid = jnp.logical_and(g0 >= s0, g0 < s1)
                vf = jnp.where(valid, 1.0, 0.0)
                es = cv[r, 0:16] * jnp.full((16,), vf, jnp.float32)
                changed = bm_f != prev

                @pl.when(changed)
                def _():
                    flush(prev, regs)

                keep = jnp.full((16,), jnp.where(changed, 0.0, 1.0),
                                jnp.float32)
                new = [regs[k] * keep + xv[r, k * 16:(k + 1) * 16] * es
                       for k in range(D // 16)]
                new.append(regs[D // 16] * keep + es)
                return (bm_f, *new)

            return lax.fori_loop(0, CH, row_body, st)

        issue(jstart, xva, cva, sxa, sca)

        def pair_body(p, st):
            j0 = jstart + 2 * p
            issue(j0 + 1, xvb, cvb, sxb, scb)
            wait(xva, cva, sxa, sca)
            st = compute(j0, xva, cva, st)
            issue(j0 + 2, xva, cva, sxa, sca)
            wait(xvb, cvb, sxb, scb)
            return compute(j0 + 1, xvb, cvb, st)

        st = lax.fori_loop(0, npairs, pair_body,
                           (jnp.float32(-1.0),) + zregs)
        wait(xva, cva, sxa, sca)

        @pl.when(owned(st[0]))
        def _():
            flush(st[0], st[1:])

        def div_row(r, _):
            dv = acc[r, D:D + 16]
            inv = jnp.where(dv > 0.0, 1.0 / dv, 0.0)
            for k in range(D // 16):
                acc[r, k * 16:(k + 1) * 16] *= inv
            return 0
        lax.fori_loop(0, SPW, div_row, 0)

        pltpu.sync_copy(acc, out_hbm.at[pl.ds(base_seg, SPW)])

    return sc_kernel(x, e_rep, starts)


def kernel(x, batch_map, W1, b1, W2, b2):
    e_rep, starts = _scores(x, batch_map, W1, b1, W2, b2)
    parts = _sc_segment_sum(x, e_rep, starts)
    return parts[:, :D]

# --- scband reference (transcript-rebuilt; emitter-appended) ---
"""Pipeline reference for scband-hierarchical-gnnmodel-87342454931568 (READ-ONLY COPY).

The authoritative reference and input builder live on the scoring server;
editing this copy changes nothing except your own understanding.
"""

import jax, jax.numpy as jnp
import numpy as np

N = 160000   # total pathway vectors in batch
B = 1024     # patients in batch
D = 256      # pathway_out_channels (in_channels of AttentionPooling)
H = 128      # attention hidden_channels
MAXL = 512   # dense max pathways per patient (>= realized max count)


def setup_inputs(seed: int = 0) -> dict:
    key = jax.random.key(seed)
    k1, k2, k3, k4 = jax.random.split(key, 4)
    x = jax.random.normal(k1, (N, D), dtype=jnp.float32)
    batch_map = jnp.sort(jax.random.randint(k2, (N,), 0, B, dtype=jnp.int32))
    # AttentionPooling params: Linear(D->H), Tanh, Linear(H->1)
    W1 = jax.random.normal(k3, (D, H), dtype=jnp.float32) * (1.0 / np.sqrt(D))
    b1 = jnp.zeros((H,), dtype=jnp.float32)
    W2 = jax.random.normal(k4, (H, 1), dtype=jnp.float32) * (1.0 / np.sqrt(H))
    b2 = jnp.zeros((1,), dtype=jnp.float32)
    return {"x": x, "batch_map": batch_map, "W1": W1, "b1": b1, "W2": W2, "b2": b2}


def reference(x, batch_map, W1, b1, W2, b2):
    # to_dense_batch: ragged [N, D] with sorted segment ids -> dense [B, MAXL, D] + mask
    counts = jnp.bincount(batch_map, length=B)
    offsets = jnp.concatenate([jnp.zeros((1,), counts.dtype), jnp.cumsum(counts)[:-1]])
    pos = jnp.arange(N, dtype=counts.dtype) - offsets[batch_map]
    x_dense = jnp.zeros((B, MAXL, D), dtype=x.dtype).at[batch_map, pos].set(x)
    mask = jnp.arange(MAXL)[None, :] < counts[:, None]
    # attention_net: Linear -> Tanh -> Linear
    scores = jnp.tanh(x_dense @ W1 + b1) @ W2 + b2          # [B, MAXL, 1]
    scores = jnp.clip(scores, -10.0, 10.0)
    scores = jnp.where(mask[..., None], scores, -1e9)
    attention_weights = jax.nn.softmax(scores, axis=1)
    patient_vec = (x_dense * attention_weights).sum(axis=1)  # [B, D]
    return patient_vec

if __name__ == "__main__":
    import jax
    _d = setup_inputs()
    print(jax.jit(kernel)(*tuple(_d.values())))

</pallas_src>

<mosaic_0001>
#map = affine_map<(d0, d1) -> (0, 0)>
module attributes {stable_mosaic.version = 14 : i64} {
  func.func @sc_kernel(%arg0: i32, %arg1: i32, %arg2: memref<160000x256xf32, #tpu.memory_space<hbm>>, %arg3: memref<160000x32xf32, #tpu.memory_space<hbm>>, %arg4: memref<64x16xi32, #tpu.memory_space<hbm>>, %arg5: memref<1024x272xf32, #tpu.memory_space<hbm>>, %arg6: memref<128x256xf32, #tpu.memory_space<vmem>>, %arg7: memref<128x256xf32, #tpu.memory_space<vmem>>, %arg8: memref<128x32xf32, #tpu.memory_space<vmem>>, %arg9: memref<128x32xf32, #tpu.memory_space<vmem>>, %arg10: memref<64x16xi32, #tpu.memory_space<vmem>>, %arg11: memref<32x272xf32, #tpu.memory_space<vmem>>, %arg12: memref<!tpu.dma_semaphore, #tpu.memory_space<semaphore_mem>>, %arg13: memref<!tpu.dma_semaphore, #tpu.memory_space<semaphore_mem>>, %arg14: memref<!tpu.dma_semaphore, #tpu.memory_space<semaphore_mem>>, %arg15: memref<!tpu.dma_semaphore, #tpu.memory_space<semaphore_mem>>) attributes {dimension_semantics = [#tpu.dimension_semantics<core_parallel>, #tpu.dimension_semantics<subcore_parallel>], iteration_bounds = array<i64: 2, 16>, scalar_prefetch = 0 : i64, scratch_operands = 10 : i64, tpu.core_type = #tpu.core_type<sc_vector_subcore>, window_params = [{transform_indices = #map}, {transform_indices = #map}, {transform_indices = #map}, {transform_indices = #map}]} {
    %mul3A = arith.constant 16 : i32
    %mul3A_0 = arith.muli %arg0, %mul3A : i32
    %add3A = arith.addi %mul3A_0, %arg1 : i32
    %mul3A_1 = arith.constant 32 : i32
    %mul3A_2 = arith.muli %add3A, %mul3A_1 : i32
    %iota3A = tpu.iota {dimensions = array<i32: 0>} : vector<16xi32>
    %scan3A = arith.constant 0 : i32
    %scan3A_3 = arith.constant 0 : i32
    %scan3A_4 = arith.constant 32 : i32
    %scan3A_5 = arith.addi %scan3A_3, %scan3A_4 : i32
    %scan3A_6 = arith.constant 1 : i32
    %scan3A_7 = scf.for %scan3A_170 = %scan3A_3 to %scan3A_5 step %scan3A_6 iter_args(%scan3A_171 = %scan3A) -> (i32)  : i32 {
      %broadcast_in_dim3A_172 = arith.constant 0.000000e+00 : f32
      %broadcast_in_dim3A_173 = vector.broadcast %broadcast_in_dim3A_172 : f32 to vector<16xf32>
      %swap3A = arith.index_cast %scan3A_170 : i32 to index
      %swap3A_174 = arith.constant 0 : index
      %swap3A_175 = tpu.vector_load %arg11[%swap3A, %swap3A_174] {strides = array<i32>} : memref<32x272xf32, #tpu.memory_space<vmem>>, vector<1x16xf32>,
      %swap3A_176 = vector.shape_cast %swap3A_175 : vector<1x16xf32> to vector<16xf32>
      %swap3A_177 = vector.shape_cast %broadcast_in_dim3A_173 : vector<16xf32> to vector<1x16xf32>
      tpu.vector_store %arg11[%swap3A, %swap3A_174], %swap3A_177 {strides = array<i32>} : memref<32x272xf32, #tpu.memory_space<vmem>>, vector<1x16xf32>,
      %broadcast_in_dim3A_178 = arith.constant 0.000000e+00 : f32
      %broadcast_in_dim3A_179 = vector.broadcast %broadcast_in_dim3A_178 : f32 to vector<16xf32>
      %swap3A_180 = arith.index_cast %scan3A_170 : i32 to index
      %swap3A_181 = arith.constant 16 : index
      %swap3A_182 = tpu.vector_load %arg11[%swap3A_180, %swap3A_181] {strides = array<i32>} : memref<32x272xf32, #tpu.memory_space<vmem>>, vector<1x16xf32>,
      %swap3A_183 = vector.shape_cast %swap3A_182 : vector<1x16xf32> to vector<16xf32>
      %swap3A_184 = vector.shape_cast %broadcast_in_dim3A_179 : vector<16xf32> to vector<1x16xf32>
      tpu.vector_store %arg11[%swap3A_180, %swap3A_181], %swap3A_184 {strides = array<i32>} : memref<32x272xf32, #tpu.memory_space<vmem>>, vector<1x16xf32>,
      %broadcast_in_dim3A_185 = arith.constant 0.000000e+00 : f32
      %broadcast_in_dim3A_186 = vector.broadcast %broadcast_in_dim3A_185 : f32 to vector<16xf32>
      %swap3A_187 = arith.index_cast %scan3A_170 : i32 to index
      %swap3A_188 = arith.constant 32 : index
      %swap3A_189 = tpu.vector_load %arg11[%swap3A_187, %swap3A_188] {strides = array<i32>} : memref<32x272xf32, #tpu.memory_space<vmem>>, vector<1x16xf32>,
      %swap3A_190 = vector.shape_cast %swap3A_189 : vector<1x16xf32> to vector<16xf32>
      %swap3A_191 = vector.shape_cast %broadcast_in_dim3A_186 : vector<16xf32> to vector<1x16xf32>
      tpu.vector_store %arg11[%swap3A_187, %swap3A_188], %swap3A_191 {strides = array<i32>} : memref<32x272xf32, #tpu.memory_space<vmem>>, vector<1x16xf32>,
      %broadcast_in_dim3A_192 = arith.constant 0.000000e+00 : f32
      %broadcast_in_dim3A_193 = vector.broadcast %broadcast_in_dim3A_192 : f32 to vector<16xf32>
      %swap3A_194 = arith.index_cast %scan3A_170 : i32 to index
      %swap3A_195 = arith.constant 48 : index
      %swap3A_196 = tpu.vector_load %arg11[%swap3A_194, %swap3A_195] {strides = array<i32>} : memref<32x272xf32, #tpu.memory_space<vmem>>, vector<1x16xf32>,
      %swap3A_197 = vector.shape_cast %swap3A_196 : vector<1x16xf32> to vector<16xf32>
      %swap3A_198 = vector.shape_cast %broadcast_in_dim3A_193 : vector<16xf32> to vector<1x16xf32>
      tpu.vector_store %arg11[%swap3A_194, %swap3A_195], %swap3A_198 {strides = array<i32>} : memref<32x272xf32, #tpu.memory_space<vmem>>, vector<1x16xf32>,
      %broadcast_in_dim3A_199 = arith.constant 0.000000e+00 : f32
      %broadcast_in_dim3A_200 = vector.broadcast %broadcast_in_dim3A_199 : f32 to vector<16xf32>
      %swap3A_201 = arith.index_cast %scan3A_170 : i32 to index
      %swap3A_202 = arith.constant 64 : index
      %swap3A_203 = tpu.vector_load %arg11[%swap3A_201, %swap3A_202] {strides = array<i32>} : memref<32x272xf32, #tpu.memory_space<vmem>>, vector<1x16xf32>,
      %swap3A_204 = vector.shape_cast %swap3A_203 : vector<1x16xf32> to vector<16xf32>
      %swap3A_205 = vector.shape_cast %broadcast_in_dim3A_200 : vector<16xf32> to vector<1x16xf32>
      tpu.vector_store %arg11[%swap3A_201, %swap3A_202], %swap3A_205 {strides = array<i32>} : memref<32x272xf32, #tpu.memory_space<vmem>>, vector<1x16xf32>,
      %broadcast_in_dim3A_206 = arith.constant 0.000000e+00 : f32
      %broadcast_in_dim3A_207 = vector.broadcast %broadcast_in_dim3A_206 : f32 to vector<16xf32>
      %swap3A_208 = arith.index_cast %scan3A_170 : i32 to index
      %swap3A_209 = arith.constant 80 : index
      %swap3A_210 = tpu.vector_load %arg11[%swap3A_208, %swap3A_209] {strides = array<i32>} : memref<32x272xf32, #tpu.memory_space<vmem>>, vector<1x16xf32>,
      %swap3A_211 = vector.shape_cast %swap3A_210 : vector<1x16xf32> to vector<16xf32>
      %swap3A_212 = vector.shape_cast %broadcast_in_dim3A_207 : vector<16xf32> to vector<1x16xf32>
      tpu.vector_store %arg11[%swap3A_208, %swap3A_209], %swap3A_212 {strides = array<i32>} : memref<32x272xf32, #tpu.memory_space<vmem>>, vector<1x16xf32>,
      %broadcast_in_dim3A_213 = arith.constant 0.000000e+00 : f32
      %broadcast_in_dim3A_214 = vector.broadcast %broadcast_in_dim3A_213 : f32 to vector<16xf32>
      %swap3A_215 = arith.index_cast %scan3A_170 : i32 to index
      %swap3A_216 = arith.constant 96 : index
      %swap3A_217 = tpu.vector_load %arg11[%swap3A_215, %swap3A_216] {strides = array<i32>} : memref<32x272xf32, #tpu.memory_space<vmem>>, vector<1x16xf32>,
      %swap3A_218 = vector.shape_cast %swap3A_217 : vector<1x16xf32> to vector<16xf32>
      %swap3A_219 = vector.shape_cast %broadcast_in_dim3A_214 : vector<16xf32> to vector<1x16xf32>
      tpu.vector_store %arg11[%swap3A_215, %swap3A_216], %swap3A_219 {strides = array<i32>} : memref<32x272xf32, #tpu.memory_space<vmem>>, vector<1x16xf32>,
      %broadcast_in_dim3A_220 = arith.constant 0.000000e+00 : f32
      %broadcast_in_dim3A_221 = vector.broadcast %broadcast_in_dim3A_220 : f32 to vector<16xf32>
      %swap3A_222 = arith.index_cast %scan3A_170 : i32 to index
      %swap3A_223 = arith.constant 112 : index
      %swap3A_224 = tpu.vector_load %arg11[%swap3A_222, %swap3A_223] {strides = array<i32>} : memref<32x272xf32, #tpu.memory_space<vmem>>, vector<1x16xf32>,
      %swap3A_225 = vector.shape_cast %swap3A_224 : vector<1x16xf32> to vector<16xf32>
      %swap3A_226 = vector.shape_cast %broadcast_in_dim3A_221 : vector<16xf32> to vector<1x16xf32>
      tpu.vector_store %arg11[%swap3A_222, %swap3A_223], %swap3A_226 {strides = array<i32>} : memref<32x272xf32, #tpu.memory_space<vmem>>, vector<1x16xf32>,
      %broadcast_in_dim3A_227 = arith.constant 0.000000e+00 : f32
      %broadcast_in_dim3A_228 = vector.broadcast %broadcast_in_dim3A_227 : f32 to vector<16xf32>
      %swap3A_229 = arith.index_cast %scan3A_170 : i32 to index
      %swap3A_230 = arith.constant 128 : index
      %swap3A_231 = tpu.vector_load %arg11[%swap3A_229, %swap3A_230] {strides = array<i32>} : memref<32x272xf32, #tpu.memory_space<vmem>>, vector<1x16xf32>,
      %swap3A_232 = vector.shape_cast %swap3A_231 : vector<1x16xf32> to vector<16xf32>
      %swap3A_233 = vector.shape_cast %broadcast_in_dim3A_228 : vector<16xf32> to vector<1x16xf32>
      tpu.vector_store %arg11[%swap3A_229, %swap3A_230], %swap3A_233 {strides = array<i32>} : memref<32x272xf32, #tpu.memory_space<vmem>>, vector<1x16xf32>,
      %broadcast_in_dim3A_234 = arith.constant 0.000000e+00 : f32
      %broadcast_in_dim3A_235 = vector.broadcast %broadcast_in_dim3A_234 : f32 to vector<16xf32>
      %swap3A_236 = arith.index_cast %scan3A_170 : i32 to index
      %swap3A_237 = arith.constant 144 : index
      %swap3A_238 = tpu.vector_load %arg11[%swap3A_236, %swap3A_237] {strides = array<i32>} : memref<32x272xf32, #tpu.memory_space<vmem>>, vector<1x16xf32>,
      %swap3A_239 = vector.shape_cast %swap3A_238 : vector<1x16xf32> to vector<16xf32>
      %swap3A_240 = vector.shape_cast %broadcast_in_dim3A_235 : vector<16xf32> to vector<1x16xf32>
      tpu.vector_store %arg11[%swap3A_236, %swap3A_237], %swap3A_240 {strides = array<i32>} : memref<32x272xf32, #tpu.memory_space<vmem>>, vector<1x16xf32>,
      %broadcast_in_dim3A_241 = arith.constant 0.000000e+00 : f32
      %broadcast_in_dim3A_242 = vector.broadcast %broadcast_in_dim3A_241 : f32 to vector<16xf32>
      %swap3A_243 = arith.index_cast %scan3A_170 : i32 to index
      %swap3A_244 = arith.constant 160 : index
      %swap3A_245 = tpu.vector_load %arg11[%swap3A_243, %swap3A_244] {strides = array<i32>} : memref<32x272xf32, #tpu.memory_space<vmem>>, vector<1x16xf32>,
      %swap3A_246 = vector.shape_cast %swap3A_245 : vector<1x16xf32> to vector<16xf32>
      %swap3A_247 = vector.shape_cast %broadcast_in_dim3A_242 : vector<16xf32> to vector<1x16xf32>
      tpu.vector_store %arg11[%swap3A_243, %swap3A_244], %swap3A_247 {strides = array<i32>} : memref<32x272xf32, #tpu.memory_space<vmem>>, vector<1x16xf32>,
      %broadcast_in_dim3A_248 = arith.constant 0.000000e+00 : f32
      %broadcast_in_dim3A_249 = vector.broadcast %broadcast_in_dim3A_248 : f32 to vector<16xf32>
      %swap3A_250 = arith.index_cast %scan3A_170 : i32 to index
      %swap3A_251 = arith.constant 176 : index
      %swap3A_252 = tpu.vector_load %arg11[%swap3A_250, %swap3A_251] {strides = array<i32>} : memref<32x272xf32, #tpu.memory_space<vmem>>, vector<1x16xf32>,
      %swap3A_253 = vector.shape_cast %swap3A_252 : vector<1x16xf32> to vector<16xf32>
      %swap3A_254 = vector.shape_cast %broadcast_in_dim3A_249 : vector<16xf32> to vector<1x16xf32>
      tpu.vector_store %arg11[%swap3A_250, %swap3A_251], %swap3A_254 {strides = array<i32>} : memref<32x272xf32, #tpu.memory_space<vmem>>, vector<1x16xf32>,
      %broadcast_in_dim3A_255 = arith.constant 0.000000e+00 : f32
      %broadcast_in_dim3A_256 = vector.broadcast %broadcast_in_dim3A_255 : f32 to vector<16xf32>
      %swap3A_257 = arith.index_cast %scan3A_170 : i32 to index
      %swap3A_258 = arith.constant 192 : index
      %swap3A_259 = tpu.vector_load %arg11[%swap3A_257, %swap3A_258] {strides = array<i32>} : memref<32x272xf32, #tpu.memory_space<vmem>>, vector<1x16xf32>,
      %swap3A_260 = vector.shape_cast %swap3A_259 : vector<1x16xf32> to vector<16xf32>
      %swap3A_261 = vector.shape_cast %broadcast_in_dim3A_256 : vector<16xf32> to vector<1x16xf32>
      tpu.vector_store %arg11[%swap3A_257, %swap3A_258], %swap3A_261 {strides = array<i32>} : memref<32x272xf32, #tpu.memory_space<vmem>>, vector<1x16xf32>,
      %broadcast_in_dim3A_262 = arith.constant 0.000000e+00 : f32
      %broadcast_in_dim3A_263 = vector.broadcast %broadcast_in_dim3A_262 : f32 to vector<16xf32>
      %swap3A_264 = arith.index_cast %scan3A_170 : i32 to index
      %swap3A_265 = arith.constant 208 : index
      %swap3A_266 = tpu.vector_load %arg11[%swap3A_264, %swap3A_265] {strides = array<i32>} : memref<32x272xf32, #tpu.memory_space<vmem>>, vector<1x16xf32>,
      %swap3A_267 = vector.shape_cast %swap3A_266 : vector<1x16xf32> to vector<16xf32>
      %swap3A_268 = vector.shape_cast %broadcast_in_dim3A_263 : vector<16xf32> to vector<1x16xf32>
      tpu.vector_store %arg11[%swap3A_264, %swap3A_265], %swap3A_268 {strides = array<i32>} : memref<32x272xf32, #tpu.memory_space<vmem>>, vector<1x16xf32>,
      %broadcast_in_dim3A_269 = arith.constant 0.000000e+00 : f32
      %broadcast_in_dim3A_270 = vector.broadcast %broadcast_in_dim3A_269 : f32 to vector<16xf32>
      %swap3A_271 = arith.index_cast %scan3A_170 : i32 to index
      %swap3A_272 = arith.constant 224 : index
      %swap3A_273 = tpu.vector_load %arg11[%swap3A_271, %swap3A_272] {strides = array<i32>} : memref<32x272xf32, #tpu.memory_space<vmem>>, vector<1x16xf32>,
      %swap3A_274 = vector.shape_cast %swap3A_273 : vector<1x16xf32> to vector<16xf32>
      %swap3A_275 = vector.shape_cast %broadcast_in_dim3A_270 : vector<16xf32> to vector<1x16xf32>
      tpu.vector_store %arg11[%swap3A_271, %swap3A_272], %swap3A_275 {strides = array<i32>} : memref<32x272xf32, #tpu.memory_space<vmem>>, vector<1x16xf32>,
      %broadcast_in_dim3A_276 = arith.constant 0.000000e+00 : f32
      %broadcast_in_dim3A_277 = vector.broadcast %broadcast_in_dim3A_276 : f32 to vector<16xf32>
      %swap3A_278 = arith.index_cast %scan3A_170 : i32 to index
      %swap3A_279 = arith.constant 240 : index
      %swap3A_280 = tpu.vector_load %arg11[%swap3A_278, %swap3A_279] {strides = array<i32>} : memref<32x272xf32, #tpu.memory_space<vmem>>, vector<1x16xf32>,
      %swap3A_281 = vector.shape_cast %swap3A_280 : vector<1x16xf32> to vector<16xf32>
      %swap3A_282 = vector.shape_cast %broadcast_in_dim3A_277 : vector<16xf32> to vector<1x16xf32>
      tpu.vector_store %arg11[%swap3A_278, %swap3A_279], %swap3A_282 {strides = array<i32>} : memref<32x272xf32, #tpu.memory_space<vmem>>, vector<1x16xf32>,
      %broadcast_in_dim3A_283 = arith.constant 0.000000e+00 : f32
      %broadcast_in_dim3A_284 = vector.broadcast %broadcast_in_dim3A_283 : f32 to vector<16xf32>
      %swap3A_285 = arith.index_cast %scan3A_170 : i32 to index
      %swap3A_286 = arith.constant 256 : index
      %swap3A_287 = tpu.vector_load %arg11[%swap3A_285, %swap3A_286] {strides = array<i32>} : memref<32x272xf32, #tpu.memory_space<vmem>>, vector<1x16xf32>,
      %swap3A_288 = vector.shape_cast %swap3A_287 : vector<1x16xf32> to vector<16xf32>
      %swap3A_289 = vector.shape_cast %broadcast_in_dim3A_284 : vector<16xf32> to vector<1x16xf32>
      tpu.vector_store %arg11[%swap3A_285, %swap3A_286], %swap3A_289 {strides = array<i32>} : memref<32x272xf32, #tpu.memory_space<vmem>>, vector<1x16xf32>,
      %scan3A_290 = arith.constant 0 : i32
      scf.yield %scan3A_290 : i32
    }
    %scan3A_8 = arith.constant 32 : i32
    "tpu.region"() ({
      %run_scoped3A = tpu.sem_alloc : memref<!tpu.dma_semaphore, #tpu.memory_space<semaphore_mem>>
      tpu.enqueue_dma source(%arg4 : memref<64x16xi32, #tpu.memory_space<hbm>>) target(%arg10 : memref<64x16xi32, #tpu.memory_space<vmem>>) target_semaphore(%run_scoped3A : memref<!tpu.dma_semaphore, #tpu.memory_space<semaphore_mem>>)
      tpu.wait_dma2 semaphore(%run_scoped3A : memref<!tpu.dma_semaphore, #tpu.memory_space<semaphore_mem>>) src(%arg4 : memref<64x16xi32, #tpu.memory_space<hbm>>) dst(%arg10 : memref<64x16xi32, #tpu.memory_space<vmem>>)
      tpu.yield
    }) : () -> ()
    %get3A = arith.index_cast %add3A : i32 to index
    %get3A_9 = arith.constant 0 : index
    %get3A_10 = tpu.vector_load %arg10[%get3A, %get3A_9] {strides = array<i32>} : memref<64x16xi32, #tpu.memory_space<vmem>>, vector<1x16xi32>,
    %get3A_11 = vector.shape_cast %get3A_10 : vector<1x16xi32> to vector<16xi32>
    %slice3A = vector.extract_strided_slice %get3A_11 {offsets = [0], sizes = [1], strides = [1]} : vector<16xi32> to vector<1xi32>
    %squeeze3A = vector.extract %slice3A[0] : i32 from vector<1xi32>
    %add3A_12 = arith.constant 1 : i32
    %add3A_13 = arith.addi %add3A, %add3A_12 : i32
    %get3A_14 = arith.index_cast %add3A_13 : i32 to index
    %get3A_15 = arith.constant 0 : index
    %get3A_16 = tpu.vector_load %arg10[%get3A_14, %get3A_15] {strides = array<i32>} : memref<64x16xi32, #tpu.memory_space<vmem>>, vector<1x16xi32>,
    %get3A_17 = vector.shape_cast %get3A_16 : vector<1x16xi32> to vector<16xi32>
    %slice3A_18 = vector.extract_strided_slice %get3A_17 {offsets = [0], sizes = [1], strides = [1]} : vector<16xi32> to vector<1xi32>
    %squeeze3A_19 = vector.extract %slice3A_18[0] : i32 from vector<1xi32>
    %broadcast_in_dim3A = arith.constant 0.000000e+00 : f32
    %broadcast_in_dim3A_20 = vector.broadcast %broadcast_in_dim3A : f32 to vector<16xf32>
    %broadcast_in_dim3A_21 = arith.constant 0.000000e+00 : f32
    %broadcast_in_dim3A_22 = vector.broadcast %broadcast_in_dim3A_21 : f32 to vector<16xf32>
    %broadcast_in_dim3A_23 = arith.constant 0.000000e+00 : f32
    %broadcast_in_dim3A_24 = vector.broadcast %broadcast_in_dim3A_23 : f32 to vector<16xf32>
    %broadcast_in_dim3A_25 = arith.constant 0.000000e+00 : f32
    %broadcast_in_dim3A_26 = vector.broadcast %broadcast_in_dim3A_25 : f32 to vector<16xf32>
    %broadcast_in_dim3A_27 = arith.constant 0.000000e+00 : f32
    %broadcast_in_dim3A_28 = vector.broadcast %broadcast_in_dim3A_27 : f32 to vector<16xf32>
    %broadcast_in_dim3A_29 = arith.constant 0.000000e+00 : f32
    %broadcast_in_dim3A_30 = vector.broadcast %broadcast_in_dim3A_29 : f32 to vector<16xf32>
    %broadcast_in_dim3A_31 = arith.constant 0.000000e+00 : f32
    %broadcast_in_dim3A_32 = vector.broadcast %broadcast_in_dim3A_31 : f32 to vector<16xf32>
    %broadcast_in_dim3A_33 = arith.constant 0.000000e+00 : f32
    %broadcast_in_dim3A_34 = vector.broadcast %broadcast_in_dim3A_33 : f32 to vector<16xf32>
    %broadcast_in_dim3A_35 = arith.constant 0.000000e+00 : f32
    %broadcast_in_dim3A_36 = vector.broadcast %broadcast_in_dim3A_35 : f32 to vector<16xf32>
    %broadcast_in_dim3A_37 = arith.constant 0.000000e+00 : f32
    %broadcast_in_dim3A_38 = vector.broadcast %broadcast_in_dim3A_37 : f32 to vector<16xf32>
    %broadcast_in_dim3A_39 = arith.constant 0.000000e+00 : f32
    %broadcast_in_dim3A_40 = vector.broadcast %broadcast_in_dim3A_39 : f32 to vector<16xf32>
    %broadcast_in_dim3A_41 = arith.constant 0.000000e+00 : f32
    %broadcast_in_dim3A_42 = vector.broadcast %broadcast_in_dim3A_41 : f32 to vector<16xf32>
    %broadcast_in_dim3A_43 = arith.constant 0.000000e+00 : f32
    %broadcast_in_dim3A_44 = vector.broadcast %broadcast_in_dim3A_43 : f32 to vector<16xf32>
    %broadcast_in_dim3A_45 = arith.constant 0.000000e+00 : f32
    %broadcast_in_dim3A_46 = vector.broadcast %broadcast_in_dim3A_45 : f32 to vector<16xf32>
    %broadcast_in_dim3A_47 = arith.constant 0.000000e+00 : f32
    %broadcast_in_dim3A_48 = vector.broadcast %broadcast_in_dim3A_47 : f32 to vector<16xf32>
    %broadcast_in_dim3A_49 = arith.constant 0.000000e+00 : f32
    %broadcast_in_dim3A_50 = vector.broadcast %broadcast_in_dim3A_49 : f32 to vector<16xf32>
    %broadcast_in_dim3A_51 = arith.constant 0.000000e+00 : f32
    %broadcast_in_dim3A_52 = vector.broadcast %broadcast_in_dim3A_51 : f32 to vector<16xf32>
    %convert_element_type3A = arith.sitofp %mul3A_2 : i32 to f32
    %jit3A = arith.constant 128 : i32
    %div3A = arith.divsi %squeeze3A, %jit3A : i32
    %sign3A = arith.constant 0 : i32
    %sign3A_53 = arith.cmpi sgt, %squeeze3A, %sign3A : i32
    %sign3A_54 = arith.extui %sign3A_53 : i1 to i32
    %sign3A_55 = arith.constant 0 : i32
    %sign3A_56 = arith.cmpi slt, %squeeze3A, %sign3A_55 : i32
    %sign3A_57 = arith.extui %sign3A_56 : i1 to i32
    %sign3A_58 = arith.subi %sign3A_54, %sign3A_57 : i32
    %sign3A_59 = arith.constant 0 : i32
    %sign3A_60 = arith.cmpi sgt, %jit3A, %sign3A_59 : i32
    %sign3A_61 = arith.extui %sign3A_60 : i1 to i32
    %sign3A_62 = arith.constant 0 : i32
    %sign3A_63 = arith.cmpi slt, %jit3A, %sign3A_62 : i32
    %sign3A_64 = arith.extui %sign3A_63 : i1 to i32
    %sign3A_65 = arith.subi %sign3A_61, %sign3A_64 : i32
    %ne3A = arith.cmpi ne, %sign3A_58, %sign3A_65 : i32
    %rem3A = arith.remsi %squeeze3A, %jit3A : i32
    %ne3A_66 = arith.constant 0 : i32
    %ne3A_67 = arith.cmpi ne, %rem3A, %ne3A_66 : i32
    %and3A = arith.andi %ne3A, %ne3A_67 : i1
    %sub3A = arith.constant 1 : i32
    %sub3A_68 = arith.subi %div3A, %sub3A : i32
    %select_n3A = arith.select %and3A, %sub3A_68, %div3A : i32
    %add3A_69 = arith.constant 128 : i32
    %add3A_70 = arith.addi %squeeze3A_19, %add3A_69 : i32
    %sub3A_71 = arith.constant 1 : i32
    %sub3A_72 = arith.subi %add3A_70, %sub3A_71 : i32
    %jit3A_73 = arith.constant 128 : i32
    %div3A_74 = arith.divsi %sub3A_72, %jit3A_73 : i32
    %sign3A_75 = arith.constant 0 : i32
    %sign3A_76 = arith.cmpi sgt, %sub3A_72, %sign3A_75 : i32
    %sign3A_77 = arith.extui %sign3A_76 : i1 to i32
    %sign3A_78 = arith.constant 0 : i32
    %sign3A_79 = arith.cmpi slt, %sub3A_72, %sign3A_78 : i32
    %sign3A_80 = arith.extui %sign3A_79 : i1 to i32
    %sign3A_81 = arith.subi %sign3A_77, %sign3A_80 : i32
    %sign3A_82 = arith.constant 0 : i32
    %sign3A_83 = arith.cmpi sgt, %jit3A_73, %sign3A_82 : i32
    %sign3A_84 = arith.extui %sign3A_83 : i1 to i32
    %sign3A_85 = arith.constant 0 : i32
    %sign3A_86 = arith.cmpi slt, %jit3A_73, %sign3A_85 : i32
    %sign3A_87 = arith.extui %sign3A_86 : i1 to i32
    %sign3A_88 = arith.subi %sign3A_84, %sign3A_87 : i32
    %ne3A_89 = arith.cmpi ne, %sign3A_81, %sign3A_88 : i32
    %rem3A_90 = arith.remsi %sub3A_72, %jit3A_73 : i32
    %ne3A_91 = arith.constant 0 : i32
    %ne3A_92 = arith.cmpi ne, %rem3A_90, %ne3A_91 : i32
    %and3A_93 = arith.andi %ne3A_89, %ne3A_92 : i1
    %sub3A_94 = arith.constant 1 : i32
    %sub3A_95 = arith.subi %div3A_74, %sub3A_94 : i32
    %select_n3A_96 = arith.select %and3A_93, %sub3A_95, %div3A_74 : i32
    %sub3A_97 = arith.subi %select_n3A_96, %select_n3A : i32
    %add3A_98 = arith.constant 1 : i32
    %add3A_99 = arith.addi %sub3A_97, %add3A_98 : i32
    %jit3A_100 = arith.constant 2 : i32
    %div3A_101 = arith.divsi %add3A_99, %jit3A_100 : i32
    %sign3A_102 = arith.constant 0 : i32
    %sign3A_103 = arith.cmpi sgt, %add3A_99, %sign3A_102 : i32
    %sign3A_104 = arith.extui %sign3A_103 : i1 to i32
    %sign3A_105 = arith.constant 0 : i32
    %sign3A_106 = arith.cmpi slt, %add3A_99, %sign3A_105 : i32
    %sign3A_107 = arith.extui %sign3A_106 : i1 to i32
    %sign3A_108 = arith.subi %sign3A_104, %sign3A_107 : i32
    %sign3A_109 = arith.constant 0 : i32
    %sign3A_110 = arith.cmpi sgt, %jit3A_100, %sign3A_109 : i32
    %sign3A_111 = arith.extui %sign3A_110 : i1 to i32
    %sign3A_112 = arith.constant 0 : i32
    %sign3A_113 = arith.cmpi slt, %jit3A_100, %sign3A_112 : i32
    %sign3A_114 = arith.extui %sign3A_113 : i1 to i32
    %sign3A_115 = arith.subi %sign3A_111, %sign3A_114 : i32
    %ne3A_116 = arith.cmpi ne, %sign3A_108, %sign3A_115 : i32
    %rem3A_117 = arith.remsi %add3A_99, %jit3A_100 : i32
    %ne3A_118 = arith.constant 0 : i32
    %ne3A_119 = arith.cmpi ne, %rem3A_117, %ne3A_118 : i32
    %and3A_120 = arith.andi %ne3A_116, %ne3A_119 : i1
    %sub3A_121 = arith.constant 1 : i32
    %sub3A_122 = arith.subi %div3A_101, %sub3A_121 : i32
    %select_n3A_123 = arith.select %and3A_120, %sub3A_122, %div3A_101 : i32
    %min3A = arith.constant 1249 : i32
    %min3A_124 = arith.minsi %select_n3A, %min3A : i32
    %mul3A_125 = arith.constant 128 : i32
    %mul3A_126 = arith.muli %min3A_124, %mul3A_125 : i32
    %dma_start3A = arith.constant 0 : i32
    %dma_start3A_127 = tpu.memref_slice %arg2[%mul3A_126, %dma_start3A] : memref<160000x256xf32, #tpu.memory_space<hbm>> -> memref<128x256xf32, #tpu.memory_space<hbm>>
    %dma_start3A_128 = arith.constant 0 : i32
    %dma_start3A_129 = tpu.memref_slice %arg2[%mul3A_126, %dma_start3A_128] : memref<160000x256xf32, #tpu.memory_space<hbm>> -> memref<128x256xf32, #tpu.memory_space<hbm>>
    tpu.enqueue_dma source(%dma_start3A_129 : memref<128x256xf32, #tpu.memory_space<hbm>>) target(%arg6 : memref<128x256xf32, #tpu.memory_space<vmem>>) target_semaphore(%arg12 : memref<!tpu.dma_semaphore, #tpu.memory_space<semaphore_mem>>)
    %mul3A_130 = arith.constant 128 : i32
    %mul3A_131 = arith.muli %min3A_124, %mul3A_130 : i32
    %dma_start3A_132 = arith.constant 0 : i32
    %dma_start3A_133 = tpu.memref_slice %arg3[%mul3A_131, %dma_start3A_132] : memref<160000x32xf32, #tpu.memory_space<hbm>> -> memref<128x32xf32, #tpu.memory_space<hbm>>
    %dma_start3A_134 = arith.constant 0 : i32
    %dma_start3A_135 = tpu.memref_slice %arg3[%mul3A_131, %dma_start3A_134] : memref<160000x32xf32, #tpu.memory_space<hbm>> -> memref<128x32xf32, #tpu.memory_space<hbm>>
    tpu.enqueue_dma source(%dma_start3A_135 : memref<128x32xf32, #tpu.memory_space<hbm>>) target(%arg8 : memref<128x32xf32, #tpu.memory_space<vmem>>) target_semaphore(%arg14 : memref<!tpu.dma_semaphore, #tpu.memory_space<semaphore_mem>>)
    %while3A = arith.constant 0 : i32
    %while3A_136 = arith.constant -1.000000e+00 : f32
    %while3A_137 = arith.subi %select_n3A_123, %while3A : i32
    %while3A_138 = arith.addi %while3A, %while3A_137 : i32
    %while3A_139 = arith.constant 1 : i32
    %while3A_140 = arith.divsi %while3A_137, %while3A_139 : i32
    %while3A_141 = arith.muli %while3A_140, %while3A_139 : i32
    %while3A_142 = arith.addi %while3A, %while3A_141 : i32
    %while3A_143 = arith.constant 1 : i32
    %while3A_144:18 = scf.for %while3A_170 = %while3A to %while3A_142 step %while3A_143 iter_args(%while3A_171 = %while3A_136, %while3A_172 = %broadcast_in_dim3A_20, %while3A_173 = %broadcast_in_dim3A_22, %while3A_174 = %broadcast_in_dim3A_24, %while3A_175 = %broadcast_in_dim3A_26, %while3A_176 = %broadcast_in_dim3A_28, %while3A_177 = %broadcast_in_dim3A_30, %while3A_178 = %broadcast_in_dim3A_32, %while3A_179 = %broadcast_in_dim3A_34, %while3A_180 = %broadcast_in_dim3A_36, %while3A_181 = %broadcast_in_dim3A_38, %while3A_182 = %broadcast_in_dim3A_40, %while3A_183 = %broadcast_in_dim3A_42, %while3A_184 = %broadcast_in_dim3A_44, %while3A_185 = %broadcast_in_dim3A_46, %while3A_186 = %broadcast_in_dim3A_48, %while3A_187 = %broadcast_in_dim3A_50, %while3A_188 = %broadcast_in_dim3A_52) -> (f32, vector<16xf32>, vector<16xf32>, vector<16xf32>, vector<16xf32>, vector<16xf32>, vector<16xf32>, vector<16xf32>, vector<16xf32>, vector<16xf32>, vector<16xf32>, vector<16xf32>, vector<16xf32>, vector<16xf32>, vector<16xf32>, vector<16xf32>, vector<16xf32>, vector<16xf32>)  : i32 {
      %mul3A_189 = arith.constant 2 : i32
      %mul3A_190 = arith.muli %mul3A_189, %while3A_170 : i32
      %add3A_191 = arith.addi %select_n3A, %mul3A_190 : i32
      %add3A_192 = arith.constant 1 : i32
      %add3A_193 = arith.addi %add3A_191, %add3A_192 : i32
      %min3A_194 = arith.constant 1249 : i32
      %min3A_195 = arith.minsi %add3A_193, %min3A_194 : i32
      %mul3A_196 = arith.constant 128 : i32
      %mul3A_197 = arith.muli %min3A_195, %mul3A_196 : i32
      %dma_start3A_198 = arith.constant 0 : i32
      %dma_start3A_199 = tpu.memref_slice %arg2[%mul3A_197, %dma_start3A_198] : memref<160000x256xf32, #tpu.memory_space<hbm>> -> memref<128x256xf32, #tpu.memory_space<hbm>>
      %dma_start3A_200 = arith.constant 0 : i32
      %dma_start3A_201 = tpu.memref_slice %arg2[%mul3A_197, %dma_start3A_200] : memref<160000x256xf32, #tpu.memory_space<hbm>> -> memref<128x256xf32, #tpu.memory_space<hbm>>
      tpu.enqueue_dma source(%dma_start3A_201 : memref<128x256xf32, #tpu.memory_space<hbm>>) target(%arg7 : memref<128x256xf32, #tpu.memory_space<vmem>>) target_semaphore(%arg13 : memref<!tpu.dma_semaphore, #tpu.memory_space<semaphore_mem>>)
      %mul3A_202 = arith.constant 128 : i32
      %mul3A_203 = arith.muli %min3A_195, %mul3A_202 : i32
      %dma_start3A_204 = arith.constant 0 : i32
      %dma_start3A_205 = tpu.memref_slice %arg3[%mul3A_203, %dma_start3A_204] : memref<160000x32xf32, #tpu.memory_space<hbm>> -> memref<128x32xf32, #tpu.memory_space<hbm>>
      %dma_start3A_206 = arith.constant 0 : i32
      %dma_start3A_207 = tpu.memref_slice %arg3[%mul3A_203, %dma_start3A_206] : memref<160000x32xf32, #tpu.memory_space<hbm>> -> memref<128x32xf32, #tpu.memory_space<hbm>>
      tpu.enqueue_dma source(%dma_start3A_207 : memref<128x32xf32, #tpu.memory_space<hbm>>) target(%arg9 : memref<128x32xf32, #tpu.memory_space<vmem>>) target_semaphore(%arg15 : memref<!tpu.dma_semaphore, #tpu.memory_space<semaphore_mem>>)
      %dma_wait3A_208 = arith.constant 0 : i32
      %dma_wait3A_209 = arith.constant 0 : i32
      %dma_wait3A_210 = tpu.memref_slice %arg2[%dma_wait3A_208, %dma_wait3A_209] : memref<160000x256xf32, #tpu.memory_space<hbm>> -> memref<128x256xf32, #tpu.memory_space<hbm>>
      %dma_wait3A_211 = arith.constant 0 : i32
      %dma_wait3A_212 = arith.constant 0 : i32
      %dma_wait3A_213 = tpu.memref_slice %arg2[%dma_wait3A_211, %dma_wait3A_212] : memref<160000x256xf32, #tpu.memory_space<hbm>> -> memref<128x256xf32, #tpu.memory_space<hbm>>
      tpu.wait_dma2 semaphore(%arg12 : memref<!tpu.dma_semaphore, #tpu.memory_space<semaphore_mem>>) src(%dma_wait3A_213 : memref<128x256xf32, #tpu.memory_space<hbm>>) dst(%arg6 : memref<128x256xf32, #tpu.memory_space<vmem>>)
      %dma_wait3A_214 = arith.constant 0 : i32
      %dma_wait3A_215 = arith.constant 0 : i32
      %dma_wait3A_216 = tpu.memref_slice %arg3[%dma_wait3A_214, %dma_wait3A_215] : memref<160000x32xf32, #tpu.memory_space<hbm>> -> memref<128x32xf32, #tpu.memory_space<hbm>>
      %dma_wait3A_217 = arith.constant 0 : i32
      %dma_wait3A_218 = arith.constant 0 : i32
      %dma_wait3A_219 = tpu.memref_slice %arg3[%dma_wait3A_217, %dma_wait3A_218] : memref<160000x32xf32, #tpu.memory_space<hbm>> -> memref<128x32xf32, #tpu.memory_space<hbm>>
      tpu.wait_dma2 semaphore(%arg14 : memref<!tpu.dma_semaphore, #tpu.memory_space<semaphore_mem>>) src(%dma_wait3A_219 : memref<128x32xf32, #tpu.memory_space<hbm>>) dst(%arg8 : memref<128x32xf32, #tpu.memory_space<vmem>>)
      %scan3A_220 = arith.constant 0 : i32
      %scan3A_221 = arith.constant 128 : i32
      %scan3A_222 = arith.addi %scan3A_220, %scan3A_221 : i32
      %scan3A_223 = arith.constant 1 : i32
      %scan3A_224:18 = scf.for %scan3A_262 = %scan3A_220 to %scan3A_222 step %scan3A_223 iter_args(%scan3A_263 = %while3A_171, %scan3A_264 = %while3A_172, %scan3A_265 = %while3A_173, %scan3A_266 = %while3A_174, %scan3A_267 = %while3A_175, %scan3A_268 = %while3A_176, %scan3A_269 = %while3A_177, %scan3A_270 = %while3A_178, %scan3A_271 = %while3A_179, %scan3A_272 = %while3A_180, %scan3A_273 = %while3A_181, %scan3A_274 = %while3A_182, %scan3A_275 = %while3A_183, %scan3A_276 = %while3A_184, %scan3A_277 = %while3A_185, %scan3A_278 = %while3A_186, %scan3A_279 = %while3A_187, %scan3A_280 = %while3A_188) -> (f32, vector<16xf32>, vector<16xf32>, vector<16xf32>, vector<16xf32>, vector<16xf32>, vector<16xf32>, vector<16xf32>, vector<16xf32>, vector<16xf32>, vector<16xf32>, vector<16xf32>, vector<16xf32>, vector<16xf32>, vector<16xf32>, vector<16xf32>, vector<16xf32>, vector<16xf32>)  : i32 {
        %get3A_281 = arith.index_cast %scan3A_262 : i32 to index
        %get3A_282 = arith.constant 16 : index
        %get3A_283 = tpu.vector_load %arg8[%get3A_281, %get3A_282] {strides = array<i32>} : memref<128x32xf32, #tpu.memory_space<vmem>>, vector<1x16xf32>,
        %get3A_284 = vector.shape_cast %get3A_283 : vector<1x16xf32> to vector<16xf32>
        %slice3A_285 = vector.extract_strided_slice %get3A_284 {offsets = [0], sizes = [1], strides = [1]} : vector<16xf32> to vector<1xf32>
        %squeeze3A_286 = vector.extract %slice3A_285[0] : f32 from vector<1xf32>
        %mul3A_287 = arith.constant 128 : i32
        %mul3A_288 = arith.muli %add3A_191, %mul3A_287 : i32
        %add3A_289 = arith.addi %mul3A_288, %scan3A_262 : i32
        %ge3A_290 = arith.cmpi sge, %add3A_289, %squeeze3A : i32
        %lt3A_291 = arith.cmpi slt, %add3A_289, %squeeze3A_19 : i32
        %and3A_292 = arith.andi %ge3A_290, %lt3A_291 : i1
        %jit3A_293 = arith.constant 1.000000e+00 : f32
        %jit3A_294 = arith.constant 0.000000e+00 : f32
        %select_n3A_295 = arith.select %and3A_292, %jit3A_293, %jit3A_294 : f32
        %get3A_296 = arith.index_cast %scan3A_262 : i32 to index
        %get3A_297 = arith.constant 0 : index
        %get3A_298 = tpu.vector_load %arg8[%get3A_296, %get3A_297] {strides = array<i32>} : memref<128x32xf32, #tpu.memory_space<vmem>>, vector<1x16xf32>,
        %get3A_299 = vector.shape_cast %get3A_298 : vector<1x16xf32> to vector<16xf32>
        %broadcast_in_dim3A_300 = vector.broadcast %select_n3A_295 : f32 to vector<16xf32>
        %mul3A_301 = arith.mulf %get3A_299, %broadcast_in_dim3A_300 : vector<16xf32>
        %ne3A_302 = arith.cmpf one, %squeeze3A_286, %scan3A_263 : f32
        %convert_element_type3A_303 = arith.extui %ne3A_302 : i1 to i32
        %cond3A_304 = arith.constant 0 : i32
        %cond3A_305 = arith.cmpi ne, %convert_element_type3A_303, %cond3A_304 : i32
        scf.if %cond3A_305 {
          %convert_element_type3A_424 = arith.fptosi %scan3A_263 : f32 to i32
          %sub3A_425 = arith.subi %convert_element_type3A_424, %mul3A_2 : i32
          %jit3A_426 = arith.constant 0 : i32
          %jit3A_427 = arith.constant 31 : i32
          %max3A = arith.maxsi %jit3A_426, %sub3A_425 : i32
          %min3A_428 = arith.minsi %jit3A_427, %max3A : i32
          %get3A_429 = arith.index_cast %min3A_428 : i32 to index
          %get3A_430 = arith.constant 0 : index
          %get3A_431 = tpu.vector_load %arg11[%get3A_429, %get3A_430] {strides = array<i32>} : memref<32x272xf32, #tpu.memory_space<vmem>>, vector<1x16xf32>,
          %get3A_432 = vector.shape_cast %get3A_431 : vector<1x16xf32> to vector<16xf32>
          %add3A_433 = arith.addf %get3A_432, %scan3A_264 : vector<16xf32>
          %swap3A = arith.index_cast %min3A_428 : i32 to index
          %swap3A_434 = arith.constant 0 : index
          %swap3A_435 = tpu.vector_load %arg11[%swap3A, %swap3A_434] {strides = array<i32>} : memref<32x272xf32, #tpu.memory_space<vmem>>, vector<1x16xf32>,
          %swap3A_436 = vector.shape_cast %swap3A_435 : vector<1x16xf32> to vector<16xf32>
          %swap3A_437 = vector.shape_cast %add3A_433 : vector<16xf32> to vector<1x16xf32>
          tpu.vector_store %arg11[%swap3A, %swap3A_434], %swap3A_437 {strides = array<i32>} : memref<32x272xf32, #tpu.memory_space<vmem>>, vector<1x16xf32>,
          %get3A_438 = arith.index_cast %min3A_428 : i32 to index
          %get3A_439 = arith.constant 16 : index
          %get3A_440 = tpu.vector_load %arg11[%get3A_438, %get3A_439] {strides = array<i32>} : memref<32x272xf32, #tpu.memory_space<vmem>>, vector<1x16xf32>,
          %get3A_441 = vector.shape_cast %get3A_440 : vector<1x16xf32> to vector<16xf32>
          %add3A_442 = arith.addf %get3A_441, %scan3A_265 : vector<16xf32>
          %swap3A_443 = arith.index_cast %min3A_428 : i32 to index
          %swap3A_444 = arith.constant 16 : index
          %swap3A_445 = tpu.vector_load %arg11[%swap3A_443, %swap3A_444] {strides = array<i32>} : memref<32x272xf32, #tpu.memory_space<vmem>>, vector<1x16xf32>,
          %swap3A_446 = vector.shape_cast %swap3A_445 : vector<1x16xf32> to vector<16xf32>
          %swap3A_447 = vector.shape_cast %add3A_442 : vector<16xf32> to vector<1x16xf32>
          tpu.vector_store %arg11[%swap3A_443, %swap3A_444], %swap3A_447 {strides = array<i32>} : memref<32x272xf32, #tpu.memory_space<vmem>>, vector<1x16xf32>,
          %get3A_448 = arith.index_cast %min3A_428 : i32 to index
          %get3A_449 = arith.constant 32 : index
          %get3A_450 = tpu.vector_load %arg11[%get3A_448, %get3A_449] {strides = array<i32>} : memref<32x272xf32, #tpu.memory_space<vmem>>, vector<1x16xf32>,
          %get3A_451 = vector.shape_cast %get3A_450 : vector<1x16xf32> to vector<16xf32>
          %add3A_452 = arith.addf %get3A_451, %scan3A_266 : vector<16xf32>
          %swap3A_453 = arith.index_cast %min3A_428 : i32 to index
          %swap3A_454 = arith.constant 32 : index
          %swap3A_455 = tpu.vector_load %arg11[%swap3A_453, %swap3A_454] {strides = array<i32>} : memref<32x272xf32, #tpu.memory_space<vmem>>, vector<1x16xf32>,
          %swap3A_456 = vector.shape_cast %swap3A_455 : vector<1x16xf32> to vector<16xf32>
          %swap3A_457 = vector.shape_cast %add3A_452 : vector<16xf32> to vector<1x16xf32>
          tpu.vector_store %arg11[%swap3A_453, %swap3A_454], %swap3A_457 {strides = array<i32>} : memref<32x272xf32, #tpu.memory_space<vmem>>, vector<1x16xf32>,
          %get3A_458 = arith.index_cast %min3A_428 : i32 to index
          %get3A_459 = arith.constant 48 : index
          %get3A_460 = tpu.vector_load %arg11[%get3A_458, %get3A_459] {strides = array<i32>} : memref<32x272xf32, #tpu.memory_space<vmem>>, vector<1x16xf32>,
          %get3A_461 = vector.shape_cast %get3A_460 : vector<1x16xf32> to vector<16xf32>
          %add3A_462 = arith.addf %get3A_461, %scan3A_267 : vector<16xf32>
          %swap3A_463 = arith.index_cast %min3A_428 : i32 to index
          %swap3A_464 = arith.constant 48 : index
          %swap3A_465 = tpu.vector_load %arg11[%swap3A_463, %swap3A_464] {strides = array<i32>} : memref<32x272xf32, #tpu.memory_space<vmem>>, vector<1x16xf32>,
          %swap3A_466 = vector.shape_cast %swap3A_465 : vector<1x16xf32> to vector<16xf32>
          %swap3A_467 = vector.shape_cast %add3A_462 : vector<16xf32> to vector<1x16xf32>
          tpu.vector_store %arg11[%swap3A_463, %swap3A_464], %swap3A_467 {strides = array<i32>} : memref<32x272xf32, #tpu.memory_space<vmem>>, vector<1x16xf32>,
          %get3A_468 = arith.index_cast %min3A_428 : i32 to index
          %get3A_469 = arith.constant 64 : index
          %get3A_470 = tpu.vector_load %arg11[%get3A_468, %get3A_469] {strides = array<i32>} : memref<32x272xf32, #tpu.memory_space<vmem>>, vector<1x16xf32>,
          %get3A_471 = vector.shape_cast %get3A_470 : vector<1x16xf32> to vector<16xf32>
          %add3A_472 = arith.addf %get3A_471, %scan3A_268 : vector<16xf32>
          %swap3A_473 = arith.index_cast %min3A_428 : i32 to index
          %swap3A_474 = arith.constant 64 : index
          %swap3A_475 = tpu.vector_load %arg11[%swap3A_473, %swap3A_474] {strides = array<i32>} : memref<32x272xf32, #tpu.memory_space<vmem>>, vector<1x16xf32>,
          %swap3A_476 = vector.shape_cast %swap3A_475 : vector<1x16xf32> to vector<16xf32>
          %swap3A_477 = vector.shape_cast %add3A_472 : vector<16xf32> to vector<1x16xf32>
          tpu.vector_store %arg11[%swap3A_473, %swap3A_474], %swap3A_477 {strides = array<i32>} : memref<32x272xf32, #tpu.memory_space<vmem>>, vector<1x16xf32>,
          %get3A_478 = arith.index_cast %min3A_428 : i32 to index
          %get3A_479 = arith.constant 80 : index
          %get3A_480 = tpu.vector_load %arg11[%get3A_478, %get3A_479] {strides = array<i32>} : memref<32x272xf32, #tpu.memory_space<vmem>>, vector<1x16xf32>,
          %get3A_481 = vector.shape_cast %get3A_480 : vector<1x16xf32> to vector<16xf32>
          %add3A_482 = arith.addf %get3A_481, %scan3A_269 : vector<16xf32>
          %swap3A_483 = arith.index_cast %min3A_428 : i32 to index
          %swap3A_484 = arith.constant 80 : index
          %swap3A_485 = tpu.vector_load %arg11[%swap3A_483, %swap3A_484] {strides = array<i32>} : memref<32x272xf32, #tpu.memory_space<vmem>>, vector<1x16xf32>,
          %swap3A_486 = vector.shape_cast %swap3A_485 : vector<1x16xf32> to vector<16xf32>
          %swap3A_487 = vector.shape_cast %add3A_482 : vector<16xf32> to vector<1x16xf32>
          tpu.vector_store %arg11[%swap3A_483, %swap3A_484], %swap3A_487 {strides = array<i32>} : memref<32x272xf32, #tpu.memory_space<vmem>>, vector<1x16xf32>,
          %get3A_488 = arith.index_cast %min3A_428 : i32 to index
          %get3A_489 = arith.constant 96 : index
          %get3A_490 = tpu.vector_load %arg11[%get3A_488, %get3A_489] {strides = array<i32>} : memref<32x272xf32, #tpu.memory_space<vmem>>, vector<1x16xf32>,
          %get3A_491 = vector.shape_cast %get3A_490 : vector<1x16xf32> to vector<16xf32>
          %add3A_492 = arith.addf %get3A_491, %scan3A_270 : vector<16xf32>
          %swap3A_493 = arith.index_cast %min3A_428 : i32 to index
          %swap3A_494 = arith.constant 96 : index
          %swap3A_495 = tpu.vector_load %arg11[%swap3A_493, %swap3A_494] {strides = array<i32>} : memref<32x272xf32, #tpu.memory_space<vmem>>, vector<1x16xf32>,
          %swap3A_496 = vector.shape_cast %swap3A_495 : vector<1x16xf32> to vector<16xf32>
          %swap3A_497 = vector.shape_cast %add3A_492 : vector<16xf32> to vector<1x16xf32>
          tpu.vector_store %arg11[%swap3A_493, %swap3A_494], %swap3A_497 {strides = array<i32>} : memref<32x272xf32, #tpu.memory_space<vmem>>, vector<1x16xf32>,
          %get3A_498 = arith.index_cast %min3A_428 : i32 to index
          %get3A_499 = arith.constant 112 : index
          %get3A_500 = tpu.vector_load %arg11[%get3A_498, %get3A_499] {strides = array<i32>} : memref<32x272xf32, #tpu.memory_space<vmem>>, vector<1x16xf32>,
          %get3A_501 = vector.shape_cast %get3A_500 : vector<1x16xf32> to vector<16xf32>
          %add3A_502 = arith.addf %get3A_501, %scan3A_271 : vector<16xf32>
          %swap3A_503 = arith.index_cast %min3A_428 : i32 to index
          %swap3A_504 = arith.constant 112 : index
          %swap3A_505 = tpu.vector_load %arg11[%swap3A_503, %swap3A_504] {strides = array<i32>} : memref<32x272xf32, #tpu.memory_space<vmem>>, vector<1x16xf32>,
          %swap3A_506 = vector.shape_cast %swap3A_505 : vector<1x16xf32> to vector<16xf32>
          %swap3A_507 = vector.shape_cast %add3A_502 : vector<16xf32> to vector<1x16xf32>
          tpu.vector_store %arg11[%swap3A_503, %swap3A_504], %swap3A_507 {strides = array<i32>} : memref<32x272xf32, #tpu.memory_space<vmem>>, vector<1x16xf32>,
          %get3A_508 = arith.index_cast %min3A_428 : i32 to index
          %get3A_509 = arith.constant 128 : index
          %get3A_510 = tpu.vector_load %arg11[%get3A_508, %get3A_509] {strides = array<i32>} : memref<32x272xf32, #tpu.memory_space<vmem>>, vector<1x16xf32>,
          %get3A_511 = vector.shape_cast %get3A_510 : vector<1x16xf32> to vector<16xf32>
          %add3A_512 = arith.addf %get3A_511, %scan3A_272 : vector<16xf32>
          %swap3A_513 = arith.index_cast %min3A_428 : i32 to index
          %swap3A_514 = arith.constant 128 : index
          %swap3A_515 = tpu.vector_load %arg11[%swap3A_513, %swap3A_514] {strides = array<i32>} : memref<32x272xf32, #tpu.memory_space<vmem>>, vector<1x16xf32>,
          %swap3A_516 = vector.shape_cast %swap3A_515 : vector<1x16xf32> to vector<16xf32>
          %swap3A_517 = vector.shape_cast %add3A_512 : vector<16xf32> to vector<1x16xf32>
          tpu.vector_store %arg11[%swap3A_513, %swap3A_514], %swap3A_517 {strides = array<i32>} : memref<32x272xf32, #tpu.memory_space<vmem>>, vector<1x16xf32>,
          %get3A_518 = arith.index_cast %min3A_428 : i32 to index
          %get3A_519 = arith.constant 144 : index
          %get3A_520 = tpu.vector_load %arg11[%get3A_518, %get3A_519] {strides = array<i32>} : memref<32x272xf32, #tpu.memory_space<vmem>>, vector<1x16xf32>,
          %get3A_521 = vector.shape_cast %get3A_520 : vector<1x16xf32> to vector<16xf32>
          %add3A_522 = arith.addf %get3A_521, %scan3A_273 : vector<16xf32>
          %swap3A_523 = arith.index_cast %min3A_428 : i32 to index
          %swap3A_524 = arith.constant 144 : index
          %swap3A_525 = tpu.vector_load %arg11[%swap3A_523, %swap3A_524] {strides = array<i32>} : memref<32x272xf32, #tpu.memory_space<vmem>>, vector<1x16xf32>,
          %swap3A_526 = vector.shape_cast %swap3A_525 : vector<1x16xf32> to vector<16xf32>
          %swap3A_527 = vector.shape_cast %add3A_522 : vector<16xf32> to vector<1x16xf32>
          tpu.vector_store %arg11[%swap3A_523, %swap3A_524], %swap3A_527 {strides = array<i32>} : memref<32x272xf32, #tpu.memory_space<vmem>>, vector<1x16xf32>,
          %get3A_528 = arith.index_cast %min3A_428 : i32 to index
          %get3A_529 = arith.constant 160 : index
          %get3A_530 = tpu.vector_load %arg11[%get3A_528, %get3A_529] {strides = array<i32>} : memref<32x272xf32, #tpu.memory_space<vmem>>, vector<1x16xf32>,
          %get3A_531 = vector.shape_cast %get3A_530 : vector<1x16xf32> to vector<16xf32>
          %add3A_532 = arith.addf %get3A_531, %scan3A_274 : vector<16xf32>
          %swap3A_533 = arith.index_cast %min3A_428 : i32 to index
          %swap3A_534 = arith.constant 160 : index
          %swap3A_535 = tpu.vector_load %arg11[%swap3A_533, %swap3A_534] {strides = array<i32>} : memref<32x272xf32, #tpu.memory_space<vmem>>, vector<1x16xf32>,
          %swap3A_536 = vector.shape_cast %swap3A_535 : vector<1x16xf32> to vector<16xf32>
          %swap3A_537 = vector.shape_cast %add3A_532 : vector<16xf32> to vector<1x16xf32>
          tpu.vector_store %arg11[%swap3A_533, %swap3A_534], %swap3A_537 {strides = array<i32>} : memref<32x272xf32, #tpu.memory_space<vmem>>, vector<1x16xf32>,
          %get3A_538 = arith.index_cast %min3A_428 : i32 to index
          %get3A_539 = arith.constant 176 : index
          %get3A_540 = tpu.vector_load %arg11[%get3A_538, %get3A_539] {strides = array<i32>} : memref<32x272xf32, #tpu.memory_space<vmem>>, vector<1x16xf32>,
          %get3A_541 = vector.shape_cast %get3A_540 : vector<1x16xf32> to vector<16xf32>
          %add3A_542 = arith.addf %get3A_541, %scan3A_275 : vector<16xf32>
          %swap3A_543 = arith.index_cast %min3A_428 : i32 to index
          %swap3A_544 = arith.constant 176 : index
          %swap3A_545 = tpu.vector_load %arg11[%swap3A_543, %swap3A_544] {strides = array<i32>} : memref<32x272xf32, #tpu.memory_space<vmem>>, vector<1x16xf32>,
          %swap3A_546 = vector.shape_cast %swap3A_545 : vector<1x16xf32> to vector<16xf32>
          %swap3A_547 = vector.shape_cast %add3A_542 : vector<16xf32> to vector<1x16xf32>
          tpu.vector_store %arg11[%swap3A_543, %swap3A_544], %swap3A_547 {strides = array<i32>} : memref<32x272xf32, #tpu.memory_space<vmem>>, vector<1x16xf32>,
          %get3A_548 = arith.index_cast %min3A_428 : i32 to index
          %get3A_549 = arith.constant 192 : index
          %get3A_550 = tpu.vector_load %arg11[%get3A_548, %get3A_549] {strides = array<i32>} : memref<32x272xf32, #tpu.memory_space<vmem>>, vector<1x16xf32>,
          %get3A_551 = vector.shape_cast %get3A_550 : vector<1x16xf32> to vector<16xf32>
          %add3A_552 = arith.addf %get3A_551, %scan3A_276 : vector<16xf32>
          %swap3A_553 = arith.index_cast %min3A_428 : i32 to index
          %swap3A_554 = arith.constant 192 : index
          %swap3A_555 = tpu.vector_load %arg11[%swap3A_553, %swap3A_554] {strides = array<i32>} : memref<32x272xf32, #tpu.memory_space<vmem>>, vector<1x16xf32>,
          %swap3A_556 = vector.shape_cast %swap3A_555 : vector<1x16xf32> to vector<16xf32>
          %swap3A_557 = vector.shape_cast %add3A_552 : vector<16xf32> to vector<1x16xf32>
          tpu.vector_store %arg11[%swap3A_553, %swap3A_554], %swap3A_557 {strides = array<i32>} : memref<32x272xf32, #tpu.memory_space<vmem>>, vector<1x16xf32>,
          %get3A_558 = arith.index_cast %min3A_428 : i32 to index
          %get3A_559 = arith.constant 208 : index
          %get3A_560 = tpu.vector_load %arg11[%get3A_558, %get3A_559] {strides = array<i32>} : memref<32x272xf32, #tpu.memory_space<vmem>>, vector<1x16xf32>,
          %get3A_561 = vector.shape_cast %get3A_560 : vector<1x16xf32> to vector<16xf32>
          %add3A_562 = arith.addf %get3A_561, %scan3A_277 : vector<16xf32>
          %swap3A_563 = arith.index_cast %min3A_428 : i32 to index
          %swap3A_564 = arith.constant 208 : index
          %swap3A_565 = tpu.vector_load %arg11[%swap3A_563, %swap3A_564] {strides = array<i32>} : memref<32x272xf32, #tpu.memory_space<vmem>>, vector<1x16xf32>,
          %swap3A_566 = vector.shape_cast %swap3A_565 : vector<1x16xf32> to vector<16xf32>
          %swap3A_567 = vector.shape_cast %add3A_562 : vector<16xf32> to vector<1x16xf32>
          tpu.vector_store %arg11[%swap3A_563, %swap3A_564], %swap3A_567 {strides = array<i32>} : memref<32x272xf32, #tpu.memory_space<vmem>>, vector<1x16xf32>,
          %get3A_568 = arith.index_cast %min3A_428 : i32 to index
          %get3A_569 = arith.constant 224 : index
          %get3A_570 = tpu.vector_load %arg11[%get3A_568, %get3A_569] {strides = array<i32>} : memref<32x272xf32, #tpu.memory_space<vmem>>, vector<1x16xf32>,
          %get3A_571 = vector.shape_cast %get3A_570 : vector<1x16xf32> to vector<16xf32>
          %add3A_572 = arith.addf %get3A_571, %scan3A_278 : vector<16xf32>
          %swap3A_573 = arith.index_cast %min3A_428 : i32 to index
          %swap3A_574 = arith.constant 224 : index
          %swap3A_575 = tpu.vector_load %arg11[%swap3A_573, %swap3A_574] {strides = array<i32>} : memref<32x272xf32, #tpu.memory_space<vmem>>, vector<1x16xf32>,
          %swap3A_576 = vector.shape_cast %swap3A_575 : vector<1x16xf32> to vector<16xf32>
          %swap3A_577 = vector.shape_cast %add3A_572 : vector<16xf32> to vector<1x16xf32>
          tpu.vector_store %arg11[%swap3A_573, %swap3A_574], %swap3A_577 {strides = array<i32>} : memref<32x272xf32, #tpu.memory_space<vmem>>, vector<1x16xf32>,
          %get3A_578 = arith.index_cast %min3A_428 : i32 to index
          %get3A_579 = arith.constant 240 : index
          %get3A_580 = tpu.vector_load %arg11[%get3A_578, %get3A_579] {strides = array<i32>} : memref<32x272xf32, #tpu.memory_space<vmem>>, vector<1x16xf32>,
          %get3A_581 = vector.shape_cast %get3A_580 : vector<1x16xf32> to vector<16xf32>
          %add3A_582 = arith.addf %get3A_581, %scan3A_279 : vector<16xf32>
          %swap3A_583 = arith.index_cast %min3A_428 : i32 to index
          %swap3A_584 = arith.constant 240 : index
          %swap3A_585 = tpu.vector_load %arg11[%swap3A_583, %swap3A_584] {strides = array<i32>} : memref<32x272xf32, #tpu.memory_space<vmem>>, vector<1x16xf32>,
          %swap3A_586 = vector.shape_cast %swap3A_585 : vector<1x16xf32> to vector<16xf32>
          %swap3A_587 = vector.shape_cast %add3A_582 : vector<16xf32> to vector<1x16xf32>
          tpu.vector_store %arg11[%swap3A_583, %swap3A_584], %swap3A_587 {strides = array<i32>} : memref<32x272xf32, #tpu.memory_space<vmem>>, vector<1x16xf32>,
          %get3A_588 = arith.index_cast %min3A_428 : i32 to index
          %get3A_589 = arith.constant 256 : index
          %get3A_590 = tpu.vector_load %arg11[%get3A_588, %get3A_589] {strides = array<i32>} : memref<32x272xf32, #tpu.memory_space<vmem>>, vector<1x16xf32>,
          %get3A_591 = vector.shape_cast %get3A_590 : vector<1x16xf32> to vector<16xf32>
          %add3A_592 = arith.addf %get3A_591, %scan3A_280 : vector<16xf32>
          %swap3A_593 = arith.index_cast %min3A_428 : i32 to index
          %swap3A_594 = arith.constant 256 : index
          %swap3A_595 = tpu.vector_load %arg11[%swap3A_593, %swap3A_594] {strides = array<i32>} : memref<32x272xf32, #tpu.memory_space<vmem>>, vector<1x16xf32>,
          %swap3A_596 = vector.shape_cast %swap3A_595 : vector<1x16xf32> to vector<16xf32>
          %swap3A_597 = vector.shape_cast %add3A_592 : vector<16xf32> to vector<1x16xf32>
          tpu.vector_store %arg11[%swap3A_593, %swap3A_594], %swap3A_597 {strides = array<i32>} : memref<32x272xf32, #tpu.memory_space<vmem>>, vector<1x16xf32>,
        } else {
        }
        %jit3A_306 = arith.constant 0.000000e+00 : f32
        %jit3A_307 = arith.constant 1.000000e+00 : f32
        %select_n3A_308 = arith.select %ne3A_302, %jit3A_306, %jit3A_307 : f32
        %broadcast_in_dim3A_309 = vector.broadcast %select_n3A_308 : f32 to vector<16xf32>
        %mul3A_310 = arith.mulf %scan3A_264, %broadcast_in_dim3A_309 : vector<16xf32>
        %get3A_311 = arith.index_cast %scan3A_262 : i32 to index
        %get3A_312 = arith.constant 0 : index
        %get3A_313 = tpu.vector_load %arg6[%get3A_311, %get3A_312] {strides = array<i32>} : memref<128x256xf32, #tpu.memory_space<vmem>>, vector<1x16xf32>,
        %get3A_314 = vector.shape_cast %get3A_313 : vector<1x16xf32> to vector<16xf32>
        %mul3A_315 = arith.mulf %get3A_314, %mul3A_301 : vector<16xf32>
        %add3A_316 = arith.addf %mul3A_310, %mul3A_315 : vector<16xf32>
        %mul3A_317 = arith.mulf %scan3A_265, %broadcast_in_dim3A_309 : vector<16xf32>
        %get3A_318 = arith.index_cast %scan3A_262 : i32 to index
        %get3A_319 = arith.constant 16 : index
        %get3A_320 = tpu.vector_load %arg6[%get3A_318, %get3A_319] {strides = array<i32>} : memref<128x256xf32, #tpu.memory_space<vmem>>, vector<1x16xf32>,
        %get3A_321 = vector.shape_cast %get3A_320 : vector<1x16xf32> to vector<16xf32>
        %mul3A_322 = arith.mulf %get3A_321, %mul3A_301 : vector<16xf32>
        %add3A_323 = arith.addf %mul3A_317, %mul3A_322 : vector<16xf32>
        %mul3A_324 = arith.mulf %scan3A_266, %broadcast_in_dim3A_309 : vector<16xf32>
        %get3A_325 = arith.index_cast %scan3A_262 : i32 to index
        %get3A_326 = arith.constant 32 : index
        %get3A_327 = tpu.vector_load %arg6[%get3A_325, %get3A_326] {strides = array<i32>} : memref<128x256xf32, #tpu.memory_space<vmem>>, vector<1x16xf32>,
        %get3A_328 = vector.shape_cast %get3A_327 : vector<1x16xf32> to vector<16xf32>
        %mul3A_329 = arith.mulf %get3A_328, %mul3A_301 : vector<16xf32>
        %add3A_330 = arith.addf %mul3A_324, %mul3A_329 : vector<16xf32>
        %mul3A_331 = arith.mulf %scan3A_267, %broadcast_in_dim3A_309 : vector<16xf32>
        %get3A_332 = arith.index_cast %scan3A_262 : i32 to index
        %get3A_333 = arith.constant 48 : index
        %get3A_334 = tpu.vector_load %arg6[%get3A_332, %get3A_333] {strides = array<i32>} : memref<128x256xf32, #tpu.memory_space<vmem>>, vector<1x16xf32>,
        %get3A_335 = vector.shape_cast %get3A_334 : vector<1x16xf32> to vector<16xf32>
        %mul3A_336 = arith.mulf %get3A_335, %mul3A_301 : vector<16xf32>
        %add3A_337 = arith.addf %mul3A_331, %mul3A_336 : vector<16xf32>
        %mul3A_338 = arith.mulf %scan3A_268, %broadcast_in_dim3A_309 : vector<16xf32>
        %get3A_339 = arith.index_cast %scan3A_262 : i32 to index
        %get3A_340 = arith.constant 64 : index
        %get3A_341 = tpu.vector_load %arg6[%get3A_339, %get3A_340] {strides = array<i32>} : memref<128x256xf32, #tpu.memory_space<vmem>>, vector<1x16xf32>,
        %get3A_342 = vector.shape_cast %get3A_341 : vector<1x16xf32> to vector<16xf32>
        %mul3A_343 = arith.mulf %get3A_342, %mul3A_301 : vector<16xf32>
        %add3A_344 = arith.addf %mul3A_338, %mul3A_343 : vector<16xf32>
        %mul3A_345 = arith.mulf %scan3A_269, %broadcast_in_dim3A_309 : vector<16xf32>
        %get3A_346 = arith.index_cast %scan3A_262 : i32 to index
        %get3A_347 = arith.constant 80 : index
        %get3A_348 = tpu.vector_load %arg6[%get3A_346, %get3A_347] {strides = array<i32>} : memref<128x256xf32, #tpu.memory_space<vmem>>, vector<1x16xf32>,
        %get3A_349 = vector.shape_cast %get3A_348 : vector<1x16xf32> to vector<16xf32>
        %mul3A_350 = arith.mulf %get3A_349, %mul3A_301 : vector<16xf32>
        %add3A_351 = arith.addf %mul3A_345, %mul3A_350 : vector<16xf32>
        %mul3A_352 = arith.mulf %scan3A_270, %broadcast_in_dim3A_309 : vector<16xf32>
        %get3A_353 = arith.index_cast %scan3A_262 : i32 to index
        %get3A_354 = arith.constant 96 : index
        %get3A_355 = tpu.vector_load %arg6[%get3A_353, %get3A_354] {strides = array<i32>} : memref<128x256xf32, #tpu.memory_space<vmem>>, vector<1x16xf32>,
        %get3A_356 = vector.shape_cast %get3A_355 : vector<1x16xf32> to vector<16xf32>
        %mul3A_357 = arith.mulf %get3A_356, %mul3A_301 : vector<16xf32>
        %add3A_358 = arith.addf %mul3A_352, %mul3A_357 : vector<16xf32>
        %mul3A_359 = arith.mulf %scan3A_271, %broadcast_in_dim3A_309 : vector<16xf32>
        %get3A_360 = arith.index_cast %scan3A_262 : i32 to index
        %get3A_361 = arith.constant 112 : index
        %get3A_362 = tpu.vector_load %arg6[%get3A_360, %get3A_361] {strides = array<i32>} : memref<128x256xf32, #tpu.memory_space<vmem>>, vector<1x16xf32>,
        %get3A_363 = vector.shape_cast %get3A_362 : vector<1x16xf32> to vector<16xf32>
        %mul3A_364 = arith.mulf %get3A_363, %mul3A_301 : vector<16xf32>
        %add3A_365 = arith.addf %mul3A_359, %mul3A_364 : vector<16xf32>
        %mul3A_366 = arith.mulf %scan3A_272, %broadcast_in_dim3A_309 : vector<16xf32>
        %get3A_367 = arith.index_cast %scan3A_262 : i32 to index
        %get3A_368 = arith.constant 128 : index
        %get3A_369 = tpu.vector_load %arg6[%get3A_367, %get3A_368] {strides = array<i32>} : memref<128x256xf32, #tpu.memory_space<vmem>>, vector<1x16xf32>,
        %get3A_370 = vector.shape_cast %get3A_369 : vector<1x16xf32> to vector<16xf32>
        %mul3A_371 = arith.mulf %get3A_370, %mul3A_301 : vector<16xf32>
        %add3A_372 = arith.addf %mul3A_366, %mul3A_371 : vector<16xf32>
        %mul3A_373 = arith.mulf %scan3A_273, %broadcast_in_dim3A_309 : vector<16xf32>
        %get3A_374 = arith.index_cast %scan3A_262 : i32 to index
        %get3A_375 = arith.constant 144 : index
        %get3A_376 = tpu.vector_load %arg6[%get3A_374, %get3A_375] {strides = array<i32>} : memref<128x256xf32, #tpu.memory_space<vmem>>, vector<1x16xf32>,
        %get3A_377 = vector.shape_cast %get3A_376 : vector<1x16xf32> to vector<16xf32>
        %mul3A_378 = arith.mulf %get3A_377, %mul3A_301 : vector<16xf32>
        %add3A_379 = arith.addf %mul3A_373, %mul3A_378 : vector<16xf32>
        %mul3A_380 = arith.mulf %scan3A_274, %broadcast_in_dim3A_309 : vector<16xf32>
        %get3A_381 = arith.index_cast %scan3A_262 : i32 to index
        %get3A_382 = arith.constant 160 : index
        %get3A_383 = tpu.vector_load %arg6[%get3A_381, %get3A_382] {strides = array<i32>} : memref<128x256xf32, #tpu.memory_space<vmem>>, vector<1x16xf32>,
        %get3A_384 = vector.shape_cast %get3A_383 : vector<1x16xf32> to vector<16xf32>
        %mul3A_385 = arith.mulf %get3A_384, %mul3A_301 : vector<16xf32>
        %add3A_386 = arith.addf %mul3A_380, %mul3A_385 : vector<16xf32>
        %mul3A_387 = arith.mulf %scan3A_275, %broadcast_in_dim3A_309 : vector<16xf32>
        %get3A_388 = arith.index_cast %scan3A_262 : i32 to index
        %get3A_389 = arith.constant 176 : index
        %get3A_390 = tpu.vector_load %arg6[%get3A_388, %get3A_389] {strides = array<i32>} : memref<128x256xf32, #tpu.memory_space<vmem>>, vector<1x16xf32>,
        %get3A_391 = vector.shape_cast %get3A_390 : vector<1x16xf32> to vector<16xf32>
        %mul3A_392 = arith.mulf %get3A_391, %mul3A_301 : vector<16xf32>
        %add3A_393 = arith.addf %mul3A_387, %mul3A_392 : vector<16xf32>
        %mul3A_394 = arith.mulf %scan3A_276, %broadcast_in_dim3A_309 : vector<16xf32>
        %get3A_395 = arith.index_cast %scan3A_262 : i32 to index
        %get3A_396 = arith.constant 192 : index
        %get3A_397 = tpu.vector_load %arg6[%get3A_395, %get3A_396] {strides = array<i32>} : memref<128x256xf32, #tpu.memory_space<vmem>>, vector<1x16xf32>,
        %get3A_398 = vector.shape_cast %get3A_397 : vector<1x16xf32> to vector<16xf32>
        %mul3A_399 = arith.mulf %get3A_398, %mul3A_301 : vector<16xf32>
        %add3A_400 = arith.addf %mul3A_394, %mul3A_399 : vector<16xf32>
        %mul3A_401 = arith.mulf %scan3A_277, %broadcast_in_dim3A_309 : vector<16xf32>
        %get3A_402 = arith.index_cast %scan3A_262 : i32 to index
        %get3A_403 = arith.constant 208 : index
        %get3A_404 = tpu.vector_load %arg6[%get3A_402, %get3A_403] {strides = array<i32>} : memref<128x256xf32, #tpu.memory_space<vmem>>, vector<1x16xf32>,
        %get3A_405 = vector.shape_cast %get3A_404 : vector<1x16xf32> to vector<16xf32>
        %mul3A_406 = arith.mulf %get3A_405, %mul3A_301 : vector<16xf32>
        %add3A_407 = arith.addf %mul3A_401, %mul3A_406 : vector<16xf32>
        %mul3A_408 = arith.mulf %scan3A_278, %broadcast_in_dim3A_309 : vector<16xf32>
        %get3A_409 = arith.index_cast %scan3A_262 : i32 to index
        %get3A_410 = arith.constant 224 : index
        %get3A_411 = tpu.vector_load %arg6[%get3A_409, %get3A_410] {strides = array<i32>} : memref<128x256xf32, #tpu.memory_space<vmem>>, vector<1x16xf32>,
        %get3A_412 = vector.shape_cast %get3A_411 : vector<1x16xf32> to vector<16xf32>
        %mul3A_413 = arith.mulf %get3A_412, %mul3A_301 : vector<16xf32>
        %add3A_414 = arith.addf %mul3A_408, %mul3A_413 : vector<16xf32>
        %mul3A_415 = arith.mulf %scan3A_279, %broadcast_in_dim3A_309 : vector<16xf32>
        %get3A_416 = arith.index_cast %scan3A_262 : i32 to index
        %get3A_417 = arith.constant 240 : index
        %get3A_418 = tpu.vector_load %arg6[%get3A_416, %get3A_417] {strides = array<i32>} : memref<128x256xf32, #tpu.memory_space<vmem>>, vector<1x16xf32>,
        %get3A_419 = vector.shape_cast %get3A_418 : vector<1x16xf32> to vector<16xf32>
        %mul3A_420 = arith.mulf %get3A_419, %mul3A_301 : vector<16xf32>
        %add3A_421 = arith.addf %mul3A_415, %mul3A_420 : vector<16xf32>
        %mul3A_422 = arith.mulf %scan3A_280, %broadcast_in_dim3A_309 : vector<16xf32>
        %add3A_423 = arith.addf %mul3A_422, %mul3A_301 : vector<16xf32>
        scf.yield %squeeze3A_286, %add3A_316, %add3A_323, %add3A_330, %add3A_337, %add3A_344, %add3A_351, %add3A_358, %add3A_365, %add3A_372, %add3A_379, %add3A_386, %add3A_393, %add3A_400, %add3A_407, %add3A_414, %add3A_421, %add3A_423 : f32, vector<16xf32>, vector<16xf32>, vector<16xf32>, vector<16xf32>, vector<16xf32>, vector<16xf32>, vector<16xf32>, vector<16xf32>, vector<16xf32>, vector<16xf32>, vector<16xf32>, vector<16xf32>, vector<16xf32>, vector<16xf32>, vector<16xf32>, vector<16xf32>, vector<16xf32>
      }
      %scan3A_225 = arith.constant 128 : i32
      %add3A_226 = arith.constant 2 : i32
      %add3A_227 = arith.addi %add3A_191, %add3A_226 : i32
      %min3A_228 = arith.constant 1249 : i32
      %min3A_229 = arith.minsi %add3A_227, %min3A_228 : i32
      %mul3A_230 = arith.constant 128 : i32
      %mul3A_231 = arith.muli %min3A_229, %mul3A_230 : i32
      %dma_start3A_232 = arith.constant 0 : i32
      %dma_start3A_233 = tpu.memref_slice %arg2[%mul3A_231, %dma_start3A_232] : memref<160000x256xf32, #tpu.memory_space<hbm>> -> memref<128x256xf32, #tpu.memory_space<hbm>>
      %dma_start3A_234 = arith.constant 0 : i32
      %dma_start3A_235 = tpu.memref_slice %arg2[%mul3A_231, %dma_start3A_234] : memref<160000x256xf32, #tpu.memory_space<hbm>> -> memref<128x256xf32, #tpu.memory_space<hbm>>
      tpu.enqueue_dma source(%dma_start3A_235 : memref<128x256xf32, #tpu.memory_space<hbm>>) target(%arg6 : memref<128x256xf32, #tpu.memory_space<vmem>>) target_semaphore(%arg12 : memref<!tpu.dma_semaphore, #tpu.memory_space<semaphore_mem>>)
      %mul3A_236 = arith.constant 128 : i32
      %mul3A_237 = arith.muli %min3A_229, %mul3A_236 : i32
      %dma_start3A_238 = arith.constant 0 : i32
      %dma_start3A_239 = tpu.memref_slice %arg3[%mul3A_237, %dma_start3A_238] : memref<160000x32xf32, #tpu.memory_space<hbm>> -> memref<128x32xf32, #tpu.memory_space<hbm>>
      %dma_start3A_240 = arith.constant 0 : i32
      %dma_start3A_241 = tpu.memref_slice %arg3[%mul3A_237, %dma_start3A_240] : memref<160000x32xf32, #tpu.memory_space<hbm>> -> memref<128x32xf32, #tpu.memory_space<hbm>>
      tpu.enqueue_dma source(%dma_start3A_241 : memref<128x32xf32, #tpu.memory_space<hbm>>) target(%arg8 : memref<128x32xf32, #tpu.memory_space<vmem>>) target_semaphore(%arg14 : memref<!tpu.dma_semaphore, #tpu.memory_space<semaphore_mem>>)
      %dma_wait3A_242 = arith.constant 0 : i32
      %dma_wait3A_243 = arith.constant 0 : i32
      %dma_wait3A_244 = tpu.memref_slice %arg2[%dma_wait3A_242, %dma_wait3A_243] : memref<160000x256xf32, #tpu.memory_space<hbm>> -> memref<128x256xf32, #tpu.memory_space<hbm>>
      %dma_wait3A_245 = arith.constant 0 : i32
      %dma_wait3A_246 = arith.constant 0 : i32
      %dma_wait3A_247 = tpu.memref_slice %arg2[%dma_wait3A_245, %dma_wait3A_246] : memref<160000x256xf32, #tpu.memory_space<hbm>> -> memref<128x256xf32, #tpu.memory_space<hbm>>
      tpu.wait_dma2 semaphore(%arg13 : memref<!tpu.dma_semaphore, #tpu.memory_space<semaphore_mem>>) src(%dma_wait3A_247 : memref<128x256xf32, #tpu.memory_space<hbm>>) dst(%arg7 : memref<128x256xf32, #tpu.memory_space<vmem>>)
      %dma_wait3A_248 = arith.constant 0 : i32
      %dma_wait3A_249 = arith.constant 0 : i32
      %dma_wait3A_250 = tpu.memref_slice %arg3[%dma_wait3A_248, %dma_wait3A_249] : memref<160000x32xf32, #tpu.memory_space<hbm>> -> memref<128x32xf32, #tpu.memory_space<hbm>>
      %dma_wait3A_251 = arith.constant 0 : i32
      %dma_wait3A_252 = arith.constant 0 : i32
      %dma_wait3A_253 = tpu.memref_slice %arg3[%dma_wait3A_251, %dma_wait3A_252] : memref<160000x32xf32, #tpu.memory_space<hbm>> -> memref<128x32xf32, #tpu.memory_space<hbm>>
      tpu.wait_dma2 semaphore(%arg15 : memref<!tpu.dma_semaphore, #tpu.memory_space<semaphore_mem>>) src(%dma_wait3A_253 : memref<128x32xf32, #tpu.memory_space<hbm>>) dst(%arg9 : memref<128x32xf32, #tpu.memory_space<vmem>>)
      %add3A_254 = arith.constant 1 : i32
      %add3A_255 = arith.addi %add3A_191, %add3A_254 : i32
      %scan3A_256 = arith.constant 0 : i32
      %scan3A_257 = arith.constant 128 : i32
      %scan3A_258 = arith.addi %scan3A_256, %scan3A_257 : i32
      %scan3A_259 = arith.constant 1 : i32
      %scan3A_260:18 = scf.for %scan3A_262 = %scan3A_256 to %scan3A_258 step %scan3A_259 iter_args(%scan3A_263 = %scan3A_224#0, %scan3A_264 = %scan3A_224#1, %scan3A_265 = %scan3A_224#2, %scan3A_266 = %scan3A_224#3, %scan3A_267 = %scan3A_224#4, %scan3A_268 = %scan3A_224#5, %scan3A_269 = %scan3A_224#6, %scan3A_270 = %scan3A_224#7, %scan3A_271 = %scan3A_224#8, %scan3A_272 = %scan3A_224#9, %scan3A_273 = %scan3A_224#10, %scan3A_274 = %scan3A_224#11, %scan3A_275 = %scan3A_224#12, %scan3A_276 = %scan3A_224#13, %scan3A_277 = %scan3A_224#14, %scan3A_278 = %scan3A_224#15, %scan3A_279 = %scan3A_224#16, %scan3A_280 = %scan3A_224#17) -> (f32, vector<16xf32>, vector<16xf32>, vector<16xf32>, vector<16xf32>, vector<16xf32>, vector<16xf32>, vector<16xf32>, vector<16xf32>, vector<16xf32>, vector<16xf32>, vector<16xf32>, vector<16xf32>, vector<16xf32>, vector<16xf32>, vector<16xf32>, vector<16xf32>, vector<16xf32>)  : i32 {
        %get3A_281 = arith.index_cast %scan3A_262 : i32 to index
        %get3A_282 = arith.constant 16 : index
        %get3A_283 = tpu.vector_load %arg9[%get3A_281, %get3A_282] {strides = array<i32>} : memref<128x32xf32, #tpu.memory_space<vmem>>, vector<1x16xf32>,
        %get3A_284 = vector.shape_cast %get3A_283 : vector<1x16xf32> to vector<16xf32>
        %slice3A_285 = vector.extract_strided_slice %get3A_284 {offsets = [0], sizes = [1], strides = [1]} : vector<16xf32> to vector<1xf32>
        %squeeze3A_286 = vector.extract %slice3A_285[0] : f32 from vector<1xf32>
        %mul3A_287 = arith.constant 128 : i32
        %mul3A_288 = arith.muli %add3A_255, %mul3A_287 : i32
        %add3A_289 = arith.addi %mul3A_288, %scan3A_262 : i32
        %ge3A_290 = arith.cmpi sge, %add3A_289, %squeeze3A : i32
        %lt3A_291 = arith.cmpi slt, %add3A_289, %squeeze3A_19 : i32
        %and3A_292 = arith.andi %ge3A_290, %lt3A_291 : i1
        %jit3A_293 = arith.constant 1.000000e+00 : f32
        %jit3A_294 = arith.constant 0.000000e+00 : f32
        %select_n3A_295 = arith.select %and3A_292, %jit3A_293, %jit3A_294 : f32
        %get3A_296 = arith.index_cast %scan3A_262 : i32 to index
        %get3A_297 = arith.constant 0 : index
        %get3A_298 = tpu.vector_load %arg9[%get3A_296, %get3A_297] {strides = array<i32>} : memref<128x32xf32, #tpu.memory_space<vmem>>, vector<1x16xf32>,
        %get3A_299 = vector.shape_cast %get3A_298 : vector<1x16xf32> to vector<16xf32>
        %broadcast_in_dim3A_300 = vector.broadcast %select_n3A_295 : f32 to vector<16xf32>
        %mul3A_301 = arith.mulf %get3A_299, %broadcast_in_dim3A_300 : vector<16xf32>
        %ne3A_302 = arith.cmpf one, %squeeze3A_286, %scan3A_263 : f32
        %convert_element_type3A_303 = arith.extui %ne3A_302 : i1 to i32
        %cond3A_304 = arith.constant 0 : i32
        %cond3A_305 = arith.cmpi ne, %convert_element_type3A_303, %cond3A_304 : i32
        scf.if %cond3A_305 {
          %convert_element_type3A_424 = arith.fptosi %scan3A_263 : f32 to i32
          %sub3A_425 = arith.subi %convert_element_type3A_424, %mul3A_2 : i32
          %jit3A_426 = arith.constant 0 : i32
          %jit3A_427 = arith.constant 31 : i32
          %max3A = arith.maxsi %jit3A_426, %sub3A_425 : i32
          %min3A_428 = arith.minsi %jit3A_427, %max3A : i32
          %get3A_429 = arith.index_cast %min3A_428 : i32 to index
          %get3A_430 = arith.constant 0 : index
          %get3A_431 = tpu.vector_load %arg11[%get3A_429, %get3A_430] {strides = array<i32>} : memref<32x272xf32, #tpu.memory_space<vmem>>, vector<1x16xf32>,
          %get3A_432 = vector.shape_cast %get3A_431 : vector<1x16xf32> to vector<16xf32>
          %add3A_433 = arith.addf %get3A_432, %scan3A_264 : vector<16xf32>
          %swap3A = arith.index_cast %min3A_428 : i32 to index
          %swap3A_434 = arith.constant 0 : index
          %swap3A_435 = tpu.vector_load %arg11[%swap3A, %swap3A_434] {strides = array<i32>} : memref<32x272xf32, #tpu.memory_space<vmem>>, vector<1x16xf32>,
          %swap3A_436 = vector.shape_cast %swap3A_435 : vector<1x16xf32> to vector<16xf32>
          %swap3A_437 = vector.shape_cast %add3A_433 : vector<16xf32> to vector<1x16xf32>
          tpu.vector_store %arg11[%swap3A, %swap3A_434], %swap3A_437 {strides = array<i32>} : memref<32x272xf32, #tpu.memory_space<vmem>>, vector<1x16xf32>,
          %get3A_438 = arith.index_cast %min3A_428 : i32 to index
          %get3A_439 = arith.constant 16 : index
          %get3A_440 = tpu.vector_load %arg11[%get3A_438, %get3A_439] {strides = array<i32>} : memref<32x272xf32, #tpu.memory_space<vmem>>, vector<1x16xf32>,
          %get3A_441 = vector.shape_cast %get3A_440 : vector<1x16xf32> to vector<16xf32>
          %add3A_442 = arith.addf %get3A_441, %scan3A_265 : vector<16xf32>
          %swap3A_443 = arith.index_cast %min3A_428 : i32 to index
          %swap3A_444 = arith.constant 16 : index
          %swap3A_445 = tpu.vector_load %arg11[%swap3A_443, %swap3A_444] {strides = array<i32>} : memref<32x272xf32, #tpu.memory_space<vmem>>, vector<1x16xf32>,
          %swap3A_446 = vector.shape_cast %swap3A_445 : vector<1x16xf32> to vector<16xf32>
          %swap3A_447 = vector.shape_cast %add3A_442 : vector<16xf32> to vector<1x16xf32>
          tpu.vector_store %arg11[%swap3A_443, %swap3A_444], %swap3A_447 {strides = array<i32>} : memref<32x272xf32, #tpu.memory_space<vmem>>, vector<1x16xf32>,
          %get3A_448 = arith.index_cast %min3A_428 : i32 to index
          %get3A_449 = arith.constant 32 : index
          %get3A_450 = tpu.vector_load %arg11[%get3A_448, %get3A_449] {strides = array<i32>} : memref<32x272xf32, #tpu.memory_space<vmem>>, vector<1x16xf32>,
          %get3A_451 = vector.shape_cast %get3A_450 : vector<1x16xf32> to vector<16xf32>
          %add3A_452 = arith.addf %get3A_451, %scan3A_266 : vector<16xf32>
          %swap3A_453 = arith.index_cast %min3A_428 : i32 to index
          %swap3A_454 = arith.constant 32 : index
          %swap3A_455 = tpu.vector_load %arg11[%swap3A_453, %swap3A_454] {strides = array<i32>} : memref<32x272xf32, #tpu.memory_space<vmem>>, vector<1x16xf32>,
          %swap3A_456 = vector.shape_cast %swap3A_455 : vector<1x16xf32> to vector<16xf32>
          %swap3A_457 = vector.shape_cast %add3A_452 : vector<16xf32> to vector<1x16xf32>
          tpu.vector_store %arg11[%swap3A_453, %swap3A_454], %swap3A_457 {strides = array<i32>} : memref<32x272xf32, #tpu.memory_space<vmem>>, vector<1x16xf32>,
          %get3A_458 = arith.index_cast %min3A_428 : i32 to index
          %get3A_459 = arith.constant 48 : index
          %get3A_460 = tpu.vector_load %arg11[%get3A_458, %get3A_459] {strides = array<i32>} : memref<32x272xf32, #tpu.memory_space<vmem>>, vector<1x16xf32>,
          %get3A_461 = vector.shape_cast %get3A_460 : vector<1x16xf32> to vector<16xf32>
          %add3A_462 = arith.addf %get3A_461, %scan3A_267 : vector<16xf32>
          %swap3A_463 = arith.index_cast %min3A_428 : i32 to index
          %swap3A_464 = arith.constant 48 : index
          %swap3A_465 = tpu.vector_load %arg11[%swap3A_463, %swap3A_464] {strides = array<i32>} : memref<32x272xf32, #tpu.memory_space<vmem>>, vector<1x16xf32>,
          %swap3A_466 = vector.shape_cast %swap3A_465 : vector<1x16xf32> to vector<16xf32>
          %swap3A_467 = vector.shape_cast %add3A_462 : vector<16xf32> to vector<1x16xf32>
          tpu.vector_store %arg11[%swap3A_463, %swap3A_464], %swap3A_467 {strides = array<i32>} : memref<32x272xf32, #tpu.memory_space<vmem>>, vector<1x16xf32>,
          %get3A_468 = arith.index_cast %min3A_428 : i32 to index
          %get3A_469 = arith.constant 64 : index
          %get3A_470 = tpu.vector_load %arg11[%get3A_468, %get3A_469] {strides = array<i32>} : memref<32x272xf32, #tpu.memory_space<vmem>>, vector<1x16xf32>,
          %get3A_471 = vector.shape_cast %get3A_470 : vector<1x16xf32> to vector<16xf32>
          %add3A_472 = arith.addf %get3A_471, %scan3A_268 : vector<16xf32>
          %swap3A_473 = arith.index_cast %min3A_428 : i32 to index
          %swap3A_474 = arith.constant 64 : index
          %swap3A_475 = tpu.vector_load %arg11[%swap3A_473, %swap3A_474] {strides = array<i32>} : memref<32x272xf32, #tpu.memory_space<vmem>>, vector<1x16xf32>,
          %swap3A_476 = vector.shape_cast %swap3A_475 : vector<1x16xf32> to vector<16xf32>
          %swap3A_477 = vector.shape_cast %add3A_472 : vector<16xf32> to vector<1x16xf32>
          tpu.vector_store %arg11[%swap3A_473, %swap3A_474], %swap3A_477 {strides = array<i32>} : memref<32x272xf32, #tpu.memory_space<vmem>>, vector<1x16xf32>,
          %get3A_478 = arith.index_cast %min3A_428 : i32 to index
          %get3A_479 = arith.constant 80 : index
          %get3A_480 = tpu.vector_load %arg11[%get3A_478, %get3A_479] {strides = array<i32>} : memref<32x272xf32, #tpu.memory_space<vmem>>, vector<1x16xf32>,
          %get3A_481 = vector.shape_cast %get3A_480 : vector<1x16xf32> to vector<16xf32>
          %add3A_482 = arith.addf %get3A_481, %scan3A_269 : vector<16xf32>
          %swap3A_483 = arith.index_cast %min3A_428 : i32 to index
          %swap3A_484 = arith.constant 80 : index
          %swap3A_485 = tpu.vector_load %arg11[%swap3A_483, %swap3A_484] {strides = array<i32>} : memref<32x272xf32, #tpu.memory_space<vmem>>, vector<1x16xf32>,
          %swap3A_486 = vector.shape_cast %swap3A_485 : vector<1x16xf32> to vector<16xf32>
          %swap3A_487 = vector.shape_cast %add3A_482 : vector<16xf32> to vector<1x16xf32>
          tpu.vector_store %arg11[%swap3A_483, %swap3A_484], %swap3A_487 {strides = array<i32>} : memref<32x272xf32, #tpu.memory_space<vmem>>, vector<1x16xf32>,
          %get3A_488 = arith.index_cast %min3A_428 : i32 to index
          %get3A_489 = arith.constant 96 : index
          %get3A_490 = tpu.vector_load %arg11[%get3A_488, %get3A_489] {strides = array<i32>} : memref<32x272xf32, #tpu.memory_space<vmem>>, vector<1x16xf32>,
          %get3A_491 = vector.shape_cast %get3A_490 : vector<1x16xf32> to vector<16xf32>
          %add3A_492 = arith.addf %get3A_491, %scan3A_270 : vector<16xf32>
          %swap3A_493 = arith.index_cast %min3A_428 : i32 to index
          %swap3A_494 = arith.constant 96 : index
          %swap3A_495 = tpu.vector_load %arg11[%swap3A_493, %swap3A_494] {strides = array<i32>} : memref<32x272xf32, #tpu.memory_space<vmem>>, vector<1x16xf32>,
          %swap3A_496 = vector.shape_cast %swap3A_495 : vector<1x16xf32> to vector<16xf32>
          %swap3A_497 = vector.shape_cast %add3A_492 : vector<16xf32> to vector<1x16xf32>
          tpu.vector_store %arg11[%swap3A_493, %swap3A_494], %swap3A_497 {strides = array<i32>} : memref<32x272xf32, #tpu.memory_space<vmem>>, vector<1x16xf32>,
          %get3A_498 = arith.index_cast %min3A_428 : i32 to index
          %get3A_499 = arith.constant 112 : index
          %get3A_500 = tpu.vector_load %arg11[%get3A_498, %get3A_499] {strides = array<i32>} : memref<32x272xf32, #tpu.memory_space<vmem>>, vector<1x16xf32>,
          %get3A_501 = vector.shape_cast %get3A_500 : vector<1x16xf32> to vector<16xf32>
          %add3A_502 = arith.addf %get3A_501, %scan3A_271 : vector<16xf32>
          %swap3A_503 = arith.index_cast %min3A_428 : i32 to index
          %swap3A_504 = arith.constant 112 : index
          %swap3A_505 = tpu.vector_load %arg11[%swap3A_503, %swap3A_504] {strides = array<i32>} : memref<32x272xf32, #tpu.memory_space<vmem>>, vector<1x16xf32>,
          %swap3A_506 = vector.shape_cast %swap3A_505 : vector<1x16xf32> to vector<16xf32>
          %swap3A_507 = vector.shape_cast %add3A_502 : vector<16xf32> to vector<1x16xf32>
          tpu.vector_store %arg11[%swap3A_503, %swap3A_504], %swap3A_507 {strides = array<i32>} : memref<32x272xf32, #tpu.memory_space<vmem>>, vector<1x16xf32>,
          %get3A_508 = arith.index_cast %min3A_428 : i32 to index
          %get3A_509 = arith.constant 128 : index
          %get3A_510 = tpu.vector_load %arg11[%get3A_508, %get3A_509] {strides = array<i32>} : memref<32x272xf32, #tpu.memory_space<vmem>>, vector<1x16xf32>,
          %get3A_511 = vector.shape_cast %get3A_510 : vector<1x16xf32> to vector<16xf32>
          %add3A_512 = arith.addf %get3A_511, %scan3A_272 : vector<16xf32>
          %swap3A_513 = arith.index_cast %min3A_428 : i32 to index
          %swap3A_514 = arith.constant 128 : index
          %swap3A_515 = tpu.vector_load %arg11[%swap3A_513, %swap3A_514] {strides = array<i32>} : memref<32x272xf32, #tpu.memory_space<vmem>>, vector<1x16xf32>,
          %swap3A_516 = vector.shape_cast %swap3A_515 : vector<1x16xf32> to vector<16xf32>
          %swap3A_517 = vector.shape_cast %add3A_512 : vector<16xf32> to vector<1x16xf32>
          tpu.vector_store %arg11[%swap3A_513, %swap3A_514], %swap3A_517 {strides = array<i32>} : memref<32x272xf32, #tpu.memory_space<vmem>>, vector<1x16xf32>,
          %get3A_518 = arith.index_cast %min3A_428 : i32 to index
          %get3A_519 = arith.constant 144 : index
          %get3A_520 = tpu.vector_load %arg11[%get3A_518, %get3A_519] {strides = array<i32>} : memref<32x272xf32, #tpu.memory_space<vmem>>, vector<1x16xf32>,
          %get3A_521 = vector.shape_cast %get3A_520 : vector<1x16xf32> to vector<16xf32>
          %add3A_522 = arith.addf %get3A_521, %scan3A_273 : vector<16xf32>
          %swap3A_523 = arith.index_cast %min3A_428 : i32 to index
          %swap3A_524 = arith.constant 144 : index
          %swap3A_525 = tpu.vector_load %arg11[%swap3A_523, %swap3A_524] {strides = array<i32>} : memref<32x272xf32, #tpu.memory_space<vmem>>, vector<1x16xf32>,
          %swap3A_526 = vector.shape_cast %swap3A_525 : vector<1x16xf32> to vector<16xf32>
          %swap3A_527 = vector.shape_cast %add3A_522 : vector<16xf32> to vector<1x16xf32>
          tpu.vector_store %arg11[%swap3A_523, %swap3A_524], %swap3A_527 {strides = array<i32>} : memref<32x272xf32, #tpu.memory_space<vmem>>, vector<1x16xf32>,
          %get3A_528 = arith.index_cast %min3A_428 : i32 to index
          %get3A_529 = arith.constant 160 : index
          %get3A_530 = tpu.vector_load %arg11[%get3A_528, %get3A_529] {strides = array<i32>} : memref<32x272xf32, #tpu.memory_space<vmem>>, vector<1x16xf32>,
          %get3A_531 = vector.shape_cast %get3A_530 : vector<1x16xf32> to vector<16xf32>
          %add3A_532 = arith.addf %get3A_531, %scan3A_274 : vector<16xf32>
          %swap3A_533 = arith.index_cast %min3A_428 : i32 to index
          %swap3A_534 = arith.constant 160 : index
          %swap3A_535 = tpu.vector_load %arg11[%swap3A_533, %swap3A_534] {strides = array<i32>} : memref<32x272xf32, #tpu.memory_space<vmem>>, vector<1x16xf32>,
          %swap3A_536 = vector.shape_cast %swap3A_535 : vector<1x16xf32> to vector<16xf32>
          %swap3A_537 = vector.shape_cast %add3A_532 : vector<16xf32> to vector<1x16xf32>
          tpu.vector_store %arg11[%swap3A_533, %swap3A_534], %swap3A_537 {strides = array<i32>} : memref<32x272xf32, #tpu.memory_space<vmem>>, vector<1x16xf32>,
          %get3A_538 = arith.index_cast %min3A_428 : i32 to index
          %get3A_539 = arith.constant 176 : index
          %get3A_540 = tpu.vector_load %arg11[%get3A_538, %get3A_539] {strides = array<i32>} : memref<32x272xf32, #tpu.memory_space<vmem>>, vector<1x16xf32>,
          %get3A_541 = vector.shape_cast %get3A_540 : vector<1x16xf32> to vector<16xf32>
          %add3A_542 = arith.addf %get3A_541, %scan3A_275 : vector<16xf32>
          %swap3A_543 = arith.index_cast %min3A_428 : i32 to index
          %swap3A_544 = arith.constant 176 : index
          %swap3A_545 = tpu.vector_load %arg11[%swap3A_543, %swap3A_544] {strides = array<i32>} : memref<32x272xf32, #tpu.memory_space<vmem>>, vector<1x16xf32>,
          %swap3A_546 = vector.shape_cast %swap3A_545 : vector<1x16xf32> to vector<16xf32>
          %swap3A_547 = vector.shape_cast %add3A_542 : vector<16xf32> to vector<1x16xf32>
          tpu.vector_store %arg11[%swap3A_543, %swap3A_544], %swap3A_547 {strides = array<i32>} : memref<32x272xf32, #tpu.memory_space<vmem>>, vector<1x16xf32>,
          %get3A_548 = arith.index_cast %min3A_428 : i32 to index
          %get3A_549 = arith.constant 192 : index
          %get3A_550 = tpu.vector_load %arg11[%get3A_548, %get3A_549] {strides = array<i32>} : memref<32x272xf32, #tpu.memory_space<vmem>>, vector<1x16xf32>,
          %get3A_551 = vector.shape_cast %get3A_550 : vector<1x16xf32> to vector<16xf32>
          %add3A_552 = arith.addf %get3A_551, %scan3A_276 : vector<16xf32>
          %swap3A_553 = arith.index_cast %min3A_428 : i32 to index
          %swap3A_554 = arith.constant 192 : index
          %swap3A_555 = tpu.vector_load %arg11[%swap3A_553, %swap3A_554] {strides = array<i32>} : memref<32x272xf32, #tpu.memory_space<vmem>>, vector<1x16xf32>,
          %swap3A_556 = vector.shape_cast %swap3A_555 : vector<1x16xf32> to vector<16xf32>
          %swap3A_557 = vector.shape_cast %add3A_552 : vector<16xf32> to vector<1x16xf32>
          tpu.vector_store %arg11[%swap3A_553, %swap3A_554], %swap3A_557 {strides = array<i32>} : memref<32x272xf32, #tpu.memory_space<vmem>>, vector<1x16xf32>,
          %get3A_558 = arith.index_cast %min3A_428 : i32 to index
          %get3A_559 = arith.constant 208 : index
          %get3A_560 = tpu.vector_load %arg11[%get3A_558, %get3A_559] {strides = array<i32>} : memref<32x272xf32, #tpu.memory_space<vmem>>, vector<1x16xf32>,
          %get3A_561 = vector.shape_cast %get3A_560 : vector<1x16xf32> to vector<16xf32>
          %add3A_562 = arith.addf %get3A_561, %scan3A_277 : vector<16xf32>
          %swap3A_563 = arith.index_cast %min3A_428 : i32 to index
          %swap3A_564 = arith.constant 208 : index
          %swap3A_565 = tpu.vector_load %arg11[%swap3A_563, %swap3A_564] {strides = array<i32>} : memref<32x272xf32, #tpu.memory_space<vmem>>, vector<1x16xf32>,
          %swap3A_566 = vector.shape_cast %swap3A_565 : vector<1x16xf32> to vector<16xf32>
          %swap3A_567 = vector.shape_cast %add3A_562 : vector<16xf32> to vector<1x16xf32>
          tpu.vector_store %arg11[%swap3A_563, %swap3A_564], %swap3A_567 {strides = array<i32>} : memref<32x272xf32, #tpu.memory_space<vmem>>, vector<1x16xf32>,
          %get3A_568 = arith.index_cast %min3A_428 : i32 to index
          %get3A_569 = arith.constant 224 : index
          %get3A_570 = tpu.vector_load %arg11[%get3A_568, %get3A_569] {strides = array<i32>} : memref<32x272xf32, #tpu.memory_space<vmem>>, vector<1x16xf32>,
          %get3A_571 = vector.shape_cast %get3A_570 : vector<1x16xf32> to vector<16xf32>
          %add3A_572 = arith.addf %get3A_571, %scan3A_278 : vector<16xf32>
          %swap3A_573 = arith.index_cast %min3A_428 : i32 to index
          %swap3A_574 = arith.constant 224 : index
          %swap3A_575 = tpu.vector_load %arg11[%swap3A_573, %swap3A_574] {strides = array<i32>} : memref<32x272xf32, #tpu.memory_space<vmem>>, vector<1x16xf32>,
          %swap3A_576 = vector.shape_cast %swap3A_575 : vector<1x16xf32> to vector<16xf32>
          %swap3A_577 = vector.shape_cast %add3A_572 : vector<16xf32> to vector<1x16xf32>
          tpu.vector_store %arg11[%swap3A_573, %swap3A_574], %swap3A_577 {strides = array<i32>} : memref<32x272xf32, #tpu.memory_space<vmem>>, vector<1x16xf32>,
          %get3A_578 = arith.index_cast %min3A_428 : i32 to index
          %get3A_579 = arith.constant 240 : index
          %get3A_580 = tpu.vector_load %arg11[%get3A_578, %get3A_579] {strides = array<i32>} : memref<32x272xf32, #tpu.memory_space<vmem>>, vector<1x16xf32>,
          %get3A_581 = vector.shape_cast %get3A_580 : vector<1x16xf32> to vector<16xf32>
          %add3A_582 = arith.addf %get3A_581, %scan3A_279 : vector<16xf32>
          %swap3A_583 = arith.index_cast %min3A_428 : i32 to index
          %swap3A_584 = arith.constant 240 : index
          %swap3A_585 = tpu.vector_load %arg11[%swap3A_583, %swap3A_584] {strides = array<i32>} : memref<32x272xf32, #tpu.memory_space<vmem>>, vector<1x16xf32>,
          %swap3A_586 = vector.shape_cast %swap3A_585 : vector<1x16xf32> to vector<16xf32>
          %swap3A_587 = vector.shape_cast %add3A_582 : vector<16xf32> to vector<1x16xf32>
          tpu.vector_store %arg11[%swap3A_583, %swap3A_584], %swap3A_587 {strides = array<i32>} : memref<32x272xf32, #tpu.memory_space<vmem>>, vector<1x16xf32>,
          %get3A_588 = arith.index_cast %min3A_428 : i32 to index
          %get3A_589 = arith.constant 256 : index
          %get3A_590 = tpu.vector_load %arg11[%get3A_588, %get3A_589] {strides = array<i32>} : memref<32x272xf32, #tpu.memory_space<vmem>>, vector<1x16xf32>,
          %get3A_591 = vector.shape_cast %get3A_590 : vector<1x16xf32> to vector<16xf32>
          %add3A_592 = arith.addf %get3A_591, %scan3A_280 : vector<16xf32>
          %swap3A_593 = arith.index_cast %min3A_428 : i32 to index
          %swap3A_594 = arith.constant 256 : index
          %swap3A_595 = tpu.vector_load %arg11[%swap3A_593, %swap3A_594] {strides = array<i32>} : memref<32x272xf32, #tpu.memory_space<vmem>>, vector<1x16xf32>,
          %swap3A_596 = vector.shape_cast %swap3A_595 : vector<1x16xf32> to vector<16xf32>
          %swap3A_597 = vector.shape_cast %add3A_592 : vector<16xf32> to vector<1x16xf32>
          tpu.vector_store %arg11[%swap3A_593, %swap3A_594], %swap3A_597 {strides = array<i32>} : memref<32x272xf32, #tpu.memory_space<vmem>>, vector<1x16xf32>,
        } else {
        }
        %jit3A_306 = arith.constant 0.000000e+00 : f32
        %jit3A_307 = arith.constant 1.000000e+00 : f32
        %select_n3A_308 = arith.select %ne3A_302, %jit3A_306, %jit3A_307 : f32
        %broadcast_in_dim3A_309 = vector.broadcast %select_n3A_308 : f32 to vector<16xf32>
        %mul3A_310 = arith.mulf %scan3A_264, %broadcast_in_dim3A_309 : vector<16xf32>
        %get3A_311 = arith.index_cast %scan3A_262 : i32 to index
        %get3A_312 = arith.constant 0 : index
        %get3A_313 = tpu.vector_load %arg7[%get3A_311, %get3A_312] {strides = array<i32>} : memref<128x256xf32, #tpu.memory_space<vmem>>, vector<1x16xf32>,
        %get3A_314 = vector.shape_cast %get3A_313 : vector<1x16xf32> to vector<16xf32>
        %mul3A_315 = arith.mulf %get3A_314, %mul3A_301 : vector<16xf32>
        %add3A_316 = arith.addf %mul3A_310, %mul3A_315 : vector<16xf32>
        %mul3A_317 = arith.mulf %scan3A_265, %broadcast_in_dim3A_309 : vector<16xf32>
        %get3A_318 = arith.index_cast %scan3A_262 : i32 to index
        %get3A_319 = arith.constant 16 : index
        %get3A_320 = tpu.vector_load %arg7[%get3A_318, %get3A_319] {strides = array<i32>} : memref<128x256xf32, #tpu.memory_space<vmem>>, vector<1x16xf32>,
        %get3A_321 = vector.shape_cast %get3A_320 : vector<1x16xf32> to vector<16xf32>
        %mul3A_322 = arith.mulf %get3A_321, %mul3A_301 : vector<16xf32>
        %add3A_323 = arith.addf %mul3A_317, %mul3A_322 : vector<16xf32>
        %mul3A_324 = arith.mulf %scan3A_266, %broadcast_in_dim3A_309 : vector<16xf32>
        %get3A_325 = arith.index_cast %scan3A_262 : i32 to index
        %get3A_326 = arith.constant 32 : index
        %get3A_327 = tpu.vector_load %arg7[%get3A_325, %get3A_326] {strides = array<i32>} : memref<128x256xf32, #tpu.memory_space<vmem>>, vector<1x16xf32>,
        %get3A_328 = vector.shape_cast %get3A_327 : vector<1x16xf32> to vector<16xf32>
        %mul3A_329 = arith.mulf %get3A_328, %mul3A_301 : vector<16xf32>
        %add3A_330 = arith.addf %mul3A_324, %mul3A_329 : vector<16xf32>
        %mul3A_331 = arith.mulf %scan3A_267, %broadcast_in_dim3A_309 : vector<16xf32>
        %get3A_332 = arith.index_cast %scan3A_262 : i32 to index
        %get3A_333 = arith.constant 48 : index
        %get3A_334 = tpu.vector_load %arg7[%get3A_332, %get3A_333] {strides = array<i32>} : memref<128x256xf32, #tpu.memory_space<vmem>>, vector<1x16xf32>,
        %get3A_335 = vector.shape_cast %get3A_334 : vector<1x16xf32> to vector<16xf32>
        %mul3A_336 = arith.mulf %get3A_335, %mul3A_301 : vector<16xf32>
        %add3A_337 = arith.addf %mul3A_331, %mul3A_336 : vector<16xf32>
        %mul3A_338 = arith.mulf %scan3A_268, %broadcast_in_dim3A_309 : vector<16xf32>
        %get3A_339 = arith.index_cast %scan3A_262 : i32 to index
        %get3A_340 = arith.constant 64 : index
        %get3A_341 = tpu.vector_load %arg7[%get3A_339, %get3A_340] {strides = array<i32>} : memref<128x256xf32, #tpu.memory_space<vmem>>, vector<1x16xf32>,
        %get3A_342 = vector.shape_cast %get3A_341 : vector<1x16xf32> to vector<16xf32>
        %mul3A_343 = arith.mulf %get3A_342, %mul3A_301 : vector<16xf32>
        %add3A_344 = arith.addf %mul3A_338, %mul3A_343 : vector<16xf32>
        %mul3A_345 = arith.mulf %scan3A_269, %broadcast_in_dim3A_309 : vector<16xf32>
        %get3A_346 = arith.index_cast %scan3A_262 : i32 to index
        %get3A_347 = arith.constant 80 : index
        %get3A_348 = tpu.vector_load %arg7[%get3A_346, %get3A_347] {strides = array<i32>} : memref<128x256xf32, #tpu.memory_space<vmem>>, vector<1x16xf32>,
        %get3A_349 = vector.shape_cast %get3A_348 : vector<1x16xf32> to vector<16xf32>
        %mul3A_350 = arith.mulf %get3A_349, %mul3A_301 : vector<16xf32>
        %add3A_351 = arith.addf %mul3A_345, %mul3A_350 : vector<16xf32>
        %mul3A_352 = arith.mulf %scan3A_270, %broadcast_in_dim3A_309 : vector<16xf32>
        %get3A_353 = arith.index_cast %scan3A_262 : i32 to index
        %get3A_354 = arith.constant 96 : index
        %get3A_355 = tpu.vector_load %arg7[%get3A_353, %get3A_354] {strides = array<i32>} : memref<128x256xf32, #tpu.memory_space<vmem>>, vector<1x16xf32>,
        %get3A_356 = vector.shape_cast %get3A_355 : vector<1x16xf32> to vector<16xf32>
        %mul3A_357 = arith.mulf %get3A_356, %mul3A_301 : vector<16xf32>
        %add3A_358 = arith.addf %mul3A_352, %mul3A_357 : vector<16xf32>
        %mul3A_359 = arith.mulf %scan3A_271, %broadcast_in_dim3A_309 : vector<16xf32>
        %get3A_360 = arith.index_cast %scan3A_262 : i32 to index
        %get3A_361 = arith.constant 112 : index
        %get3A_362 = tpu.vector_load %arg7[%get3A_360, %get3A_361] {strides = array<i32>} : memref<128x256xf32, #tpu.memory_space<vmem>>, vector<1x16xf32>,
        %get3A_363 = vector.shape_cast %get3A_362 : vector<1x16xf32> to vector<16xf32>
        %mul3A_364 = arith.mulf %get3A_363, %mul3A_301 : vector<16xf32>
        %add3A_365 = arith.addf %mul3A_359, %mul3A_364 : vector<16xf32>
        %mul3A_366 = arith.mulf %scan3A_272, %broadcast_in_dim3A_309 : vector<16xf32>
        %get3A_367 = arith.index_cast %scan3A_262 : i32 to index
        %get3A_368 = arith.constant 128 : index
        %get3A_369 = tpu.vector_load %arg7[%get3A_367, %get3A_368] {strides = array<i32>} : memref<128x256xf32, #tpu.memory_space<vmem>>, vector<1x16xf32>,
        %get3A_370 = vector.shape_cast %get3A_369 : vector<1x16xf32> to vector<16xf32>
        %mul3A_371 = arith.mulf %get3A_370, %mul3A_301 : vector<16xf32>
        %add3A_372 = arith.addf %mul3A_366, %mul3A_371 : vector<16xf32>
        %mul3A_373 = arith.mulf %scan3A_273, %broadcast_in_dim3A_309 : vector<16xf32>
        %get3A_374 = arith.index_cast %scan3A_262 : i32 to index
        %get3A_375 = arith.constant 144 : index
        %get3A_376 = tpu.vector_load %arg7[%get3A_374, %get3A_375] {strides = array<i32>} : memref<128x256xf32, #tpu.memory_space<vmem>>, vector<1x16xf32>,
        %get3A_377 = vector.shape_cast %get3A_376 : vector<1x16xf32> to vector<16xf32>
        %mul3A_378 = arith.mulf %get3A_377, %mul3A_301 : vector<16xf32>
        %add3A_379 = arith.addf %mul3A_373, %mul3A_378 : vector<16xf32>
        %mul3A_380 = arith.mulf %scan3A_274, %broadcast_in_dim3A_309 : vector<16xf32>
        %get3A_381 = arith.index_cast %scan3A_262 : i32 to index
        %get3A_382 = arith.constant 160 : index
        %get3A_383 = tpu.vector_load %arg7[%get3A_381, %get3A_382] {strides = array<i32>} : memref<128x256xf32, #tpu.memory_space<vmem>>, vector<1x16xf32>,
        %get3A_384 = vector.shape_cast %get3A_383 : vector<1x16xf32> to vector<16xf32>
        %mul3A_385 = arith.mulf %get3A_384, %mul3A_301 : vector<16xf32>
        %add3A_386 = arith.addf %mul3A_380, %mul3A_385 : vector<16xf32>
        %mul3A_387 = arith.mulf %scan3A_275, %broadcast_in_dim3A_309 : vector<16xf32>
        %get3A_388 = arith.index_cast %scan3A_262 : i32 to index
        %get3A_389 = arith.constant 176 : index
        %get3A_390 = tpu.vector_load %arg7[%get3A_388, %get3A_389] {strides = array<i32>} : memref<128x256xf32, #tpu.memory_space<vmem>>, vector<1x16xf32>,
        %get3A_391 = vector.shape_cast %get3A_390 : vector<1x16xf32> to vector<16xf32>
        %mul3A_392 = arith.mulf %get3A_391, %mul3A_301 : vector<16xf32>
        %add3A_393 = arith.addf %mul3A_387, %mul3A_392 : vector<16xf32>
        %mul3A_394 = arith.mulf %scan3A_276, %broadcast_in_dim3A_309 : vector<16xf32>
        %get3A_395 = arith.index_cast %scan3A_262 : i32 to index
        %get3A_396 = arith.constant 192 : index
        %get3A_397 = tpu.vector_load %arg7[%get3A_395, %get3A_396] {strides = array<i32>} : memref<128x256xf32, #tpu.memory_space<vmem>>, vector<1x16xf32>,
        %get3A_398 = vector.shape_cast %get3A_397 : vector<1x16xf32> to vector<16xf32>
        %mul3A_399 = arith.mulf %get3A_398, %mul3A_301 : vector<16xf32>
        %add3A_400 = arith.addf %mul3A_394, %mul3A_399 : vector<16xf32>
        %mul3A_401 = arith.mulf %scan3A_277, %broadcast_in_dim3A_309 : vector<16xf32>
        %get3A_402 = arith.index_cast %scan3A_262 : i32 to index
        %get3A_403 = arith.constant 208 : index
        %get3A_404 = tpu.vector_load %arg7[%get3A_402, %get3A_403] {strides = array<i32>} : memref<128x256xf32, #tpu.memory_space<vmem>>, vector<1x16xf32>,
        %get3A_405 = vector.shape_cast %get3A_404 : vector<1x16xf32> to vector<16xf32>
        %mul3A_406 = arith.mulf %get3A_405, %mul3A_301 : vector<16xf32>
        %add3A_407 = arith.addf %mul3A_401, %mul3A_406 : vector<16xf32>
        %mul3A_408 = arith.mulf %scan3A_278, %broadcast_in_dim3A_309 : vector<16xf32>
        %get3A_409 = arith.index_cast %scan3A_262 : i32 to index
        %get3A_410 = arith.constant 224 : index
        %get3A_411 = tpu.vector_load %arg7[%get3A_409, %get3A_410] {strides = array<i32>} : memref<128x256xf32, #tpu.memory_space<vmem>>, vector<1x16xf32>,
        %get3A_412 = vector.shape_cast %get3A_411 : vector<1x16xf32> to vector<16xf32>
        %mul3A_413 = arith.mulf %get3A_412, %mul3A_301 : vector<16xf32>
        %add3A_414 = arith.addf %mul3A_408, %mul3A_413 : vector<16xf32>
        %mul3A_415 = arith.mulf %scan3A_279, %broadcast_in_dim3A_309 : vector<16xf32>
        %get3A_416 = arith.index_cast %scan3A_262 : i32 to index
        %get3A_417 = arith.constant 240 : index
        %get3A_418 = tpu.vector_load %arg7[%get3A_416, %get3A_417] {strides = array<i32>} : memref<128x256xf32, #tpu.memory_space<vmem>>, vector<1x16xf32>,
        %get3A_419 = vector.shape_cast %get3A_418 : vector<1x16xf32> to vector<16xf32>
        %mul3A_420 = arith.mulf %get3A_419, %mul3A_301 : vector<16xf32>
        %add3A_421 = arith.addf %mul3A_415, %mul3A_420 : vector<16xf32>
        %mul3A_422 = arith.mulf %scan3A_280, %broadcast_in_dim3A_309 : vector<16xf32>
        %add3A_423 = arith.addf %mul3A_422, %mul3A_301 : vector<16xf32>
        scf.yield %squeeze3A_286, %add3A_316, %add3A_323, %add3A_330, %add3A_337, %add3A_344, %add3A_351, %add3A_358, %add3A_365, %add3A_372, %add3A_379, %add3A_386, %add3A_393, %add3A_400, %add3A_407, %add3A_414, %add3A_421, %add3A_423 : f32, vector<16xf32>, vector<16xf32>, vector<16xf32>, vector<16xf32>, vector<16xf32>, vector<16xf32>, vector<16xf32>, vector<16xf32>, vector<16xf32>, vector<16xf32>, vector<16xf32>, vector<16xf32>, vector<16xf32>, vector<16xf32>, vector<16xf32>, vector<16xf32>, vector<16xf32>
      }
      %scan3A_261 = arith.constant 128 : i32
      scf.yield %scan3A_260#0, %scan3A_260#1, %scan3A_260#2, %scan3A_260#3, %scan3A_260#4, %scan3A_260#5, %scan3A_260#6, %scan3A_260#7, %scan3A_260#8, %scan3A_260#9, %scan3A_260#10, %scan3A_260#11, %scan3A_260#12, %scan3A_260#13, %scan3A_260#14, %scan3A_260#15, %scan3A_260#16, %scan3A_260#17 : f32, vector<16xf32>, vector<16xf32>, vector<16xf32>, vector<16xf32>, vector<16xf32>, vector<16xf32>, vector<16xf32>, vector<16xf32>, vector<16xf32>, vector<16xf32>, vector<16xf32>, vector<16xf32>, vector<16xf32>, vector<16xf32>, vector<16xf32>, vector<16xf32>, vector<16xf32>
    }
    %while3A_145 = arith.constant 1 : i32
    %while3A_146:18 = scf.for %while3A_170 = %while3A_142 to %while3A_138 step %while3A_145 iter_args(%while3A_171 = %while3A_144#0, %while3A_172 = %while3A_144#1, %while3A_173 = %while3A_144#2, %while3A_174 = %while3A_144#3, %while3A_175 = %while3A_144#4, %while3A_176 = %while3A_144#5, %while3A_177 = %while3A_144#6, %while3A_178 = %while3A_144#7, %while3A_179 = %while3A_144#8, %while3A_180 = %while3A_144#9, %while3A_181 = %while3A_144#10, %while3A_182 = %while3A_144#11, %while3A_183 = %while3A_144#12, %while3A_184 = %while3A_144#13, %while3A_185 = %while3A_144#14, %while3A_186 = %while3A_144#15, %while3A_187 = %while3A_144#16, %while3A_188 = %while3A_144#17) -> (f32, vector<16xf32>, vector<16xf32>, vector<16xf32>, vector<16xf32>, vector<16xf32>, vector<16xf32>, vector<16xf32>, vector<16xf32>, vector<16xf32>, vector<16xf32>, vector<16xf32>, vector<16xf32>, vector<16xf32>, vector<16xf32>, vector<16xf32>, vector<16xf32>, vector<16xf32>)  : i32 {
      %mul3A_189 = arith.constant 2 : i32
      %mul3A_190 = arith.muli %mul3A_189, %while3A_170 : i32
      %add3A_191 = arith.addi %select_n3A, %mul3A_190 : i32
      %add3A_192 = arith.constant 1 : i32
      %add3A_193 = arith.addi %add3A_191, %add3A_192 : i32
      %min3A_194 = arith.constant 1249 : i32
      %min3A_195 = arith.minsi %add3A_193, %min3A_194 : i32
      %mul3A_196 = arith.constant 128 : i32
      %mul3A_197 = arith.muli %min3A_195, %mul3A_196 : i32
      %dma_start3A_198 = arith.constant 0 : i32
      %dma_start3A_199 = tpu.memref_slice %arg2[%mul3A_197, %dma_start3A_198] : memref<160000x256xf32, #tpu.memory_space<hbm>> -> memref<128x256xf32, #tpu.memory_space<hbm>>
      %dma_start3A_200 = arith.constant 0 : i32
      %dma_start3A_201 = tpu.memref_slice %arg2[%mul3A_197, %dma_start3A_200] : memref<160000x256xf32, #tpu.memory_space<hbm>> -> memref<128x256xf32, #tpu.memory_space<hbm>>
      tpu.enqueue_dma source(%dma_start3A_201 : memref<128x256xf32, #tpu.memory_space<hbm>>) target(%arg7 : memref<128x256xf32, #tpu.memory_space<vmem>>) target_semaphore(%arg13 : memref<!tpu.dma_semaphore, #tpu.memory_space<semaphore_mem>>)
      %mul3A_202 = arith.constant 128 : i32
      %mul3A_203 = arith.muli %min3A_195, %mul3A_202 : i32
      %dma_start3A_204 = arith.constant 0 : i32
      %dma_start3A_205 = tpu.memref_slice %arg3[%mul3A_203, %dma_start3A_204] : memref<160000x32xf32, #tpu.memory_space<hbm>> -> memref<128x32xf32, #tpu.memory_space<hbm>>
      %dma_start3A_206 = arith.constant 0 : i32
      %dma_start3A_207 = tpu.memref_slice %arg3[%mul3A_203, %dma_start3A_206] : memref<160000x32xf32, #tpu.memory_space<hbm>> -> memref<128x32xf32, #tpu.memory_space<hbm>>
      tpu.enqueue_dma source(%dma_start3A_207 : memref<128x32xf32, #tpu.memory_space<hbm>>) target(%arg9 : memref<128x32xf32, #tpu.memory_space<vmem>>) target_semaphore(%arg15 : memref<!tpu.dma_semaphore, #tpu.memory_space<semaphore_mem>>)
      %dma_wait3A_208 = arith.constant 0 : i32
      %dma_wait3A_209 = arith.constant 0 : i32
      %dma_wait3A_210 = tpu.memref_slice %arg2[%dma_wait3A_208, %dma_wait3A_209] : memref<160000x256xf32, #tpu.memory_space<hbm>> -> memref<128x256xf32, #tpu.memory_space<hbm>>
      %dma_wait3A_211 = arith.constant 0 : i32
      %dma_wait3A_212 = arith.constant 0 : i32
      %dma_wait3A_213 = tpu.memref_slice %arg2[%dma_wait3A_211, %dma_wait3A_212] : memref<160000x256xf32, #tpu.memory_space<hbm>> -> memref<128x256xf32, #tpu.memory_space<hbm>>
      tpu.wait_dma2 semaphore(%arg12 : memref<!tpu.dma_semaphore, #tpu.memory_space<semaphore_mem>>) src(%dma_wait3A_213 : memref<128x256xf32, #tpu.memory_space<hbm>>) dst(%arg6 : memref<128x256xf32, #tpu.memory_space<vmem>>)
      %dma_wait3A_214 = arith.constant 0 : i32
      %dma_wait3A_215 = arith.constant 0 : i32
      %dma_wait3A_216 = tpu.memref_slice %arg3[%dma_wait3A_214, %dma_wait3A_215] : memref<160000x32xf32, #tpu.memory_space<hbm>> -> memref<128x32xf32, #tpu.memory_space<hbm>>
      %dma_wait3A_217 = arith.constant 0 : i32
      %dma_wait3A_218 = arith.constant 0 : i32
      %dma_wait3A_219 = tpu.memref_slice %arg3[%dma_wait3A_217, %dma_wait3A_218] : memref<160000x32xf32, #tpu.memory_space<hbm>> -> memref<128x32xf32, #tpu.memory_space<hbm>>
      tpu.wait_dma2 semaphore(%arg14 : memref<!tpu.dma_semaphore, #tpu.memory_space<semaphore_mem>>) src(%dma_wait3A_219 : memref<128x32xf32, #tpu.memory_space<hbm>>) dst(%arg8 : memref<128x32xf32, #tpu.memory_space<vmem>>)
      %scan3A_220 = arith.constant 0 : i32
      %scan3A_221 = arith.constant 128 : i32
      %scan3A_222 = arith.addi %scan3A_220, %scan3A_221 : i32
      %scan3A_223 = arith.constant 1 : i32
      %scan3A_224:18 = scf.for %scan3A_262 = %scan3A_220 to %scan3A_222 step %scan3A_223 iter_args(%scan3A_263 = %while3A_171, %scan3A_264 = %while3A_172, %scan3A_265 = %while3A_173, %scan3A_266 = %while3A_174, %scan3A_267 = %while3A_175, %scan3A_268 = %while3A_176, %scan3A_269 = %while3A_177, %scan3A_270 = %while3A_178, %scan3A_271 = %while3A_179, %scan3A_272 = %while3A_180, %scan3A_273 = %while3A_181, %scan3A_274 = %while3A_182, %scan3A_275 = %while3A_183, %scan3A_276 = %while3A_184, %scan3A_277 = %while3A_185, %scan3A_278 = %while3A_186, %scan3A_279 = %while3A_187, %scan3A_280 = %while3A_188) -> (f32, vector<16xf32>, vector<16xf32>, vector<16xf32>, vector<16xf32>, vector<16xf32>, vector<16xf32>, vector<16xf32>, vector<16xf32>, vector<16xf32>, vector<16xf32>, vector<16xf32>, vector<16xf32>, vector<16xf32>, vector<16xf32>, vector<16xf32>, vector<16xf32>, vector<16xf32>)  : i32 {
        %get3A_281 = arith.index_cast %scan3A_262 : i32 to index
        %get3A_282 = arith.constant 16 : index
        %get3A_283 = tpu.vector_load %arg8[%get3A_281, %get3A_282] {strides = array<i32>} : memref<128x32xf32, #tpu.memory_space<vmem>>, vector<1x16xf32>,
        %get3A_284 = vector.shape_cast %get3A_283 : vector<1x16xf32> to vector<16xf32>
        %slice3A_285 = vector.extract_strided_slice %get3A_284 {offsets = [0], sizes = [1], strides = [1]} : vector<16xf32> to vector<1xf32>
        %squeeze3A_286 = vector.extract %slice3A_285[0] : f32 from vector<1xf32>
        %mul3A_287 = arith.constant 128 : i32
        %mul3A_288 = arith.muli %add3A_191, %mul3A_287 : i32
        %add3A_289 = arith.addi %mul3A_288, %scan3A_262 : i32
        %ge3A_290 = arith.cmpi sge, %add3A_289, %squeeze3A : i32
        %lt3A_291 = arith.cmpi slt, %add3A_289, %squeeze3A_19 : i32
        %and3A_292 = arith.andi %ge3A_290, %lt3A_291 : i1
        %jit3A_293 = arith.constant 1.000000e+00 : f32
        %jit3A_294 = arith.constant 0.000000e+00 : f32
        %select_n3A_295 = arith.select %and3A_292, %jit3A_293, %jit3A_294 : f32
        %get3A_296 = arith.index_cast %scan3A_262 : i32 to index
        %get3A_297 = arith.constant 0 : index
        %get3A_298 = tpu.vector_load %arg8[%get3A_296, %get3A_297] {strides = array<i32>} : memref<128x32xf32, #tpu.memory_space<vmem>>, vector<1x16xf32>,
        %get3A_299 = vector.shape_cast %get3A_298 : vector<1x16xf32> to vector<16xf32>
        %broadcast_in_dim3A_300 = vector.broadcast %select_n3A_295 : f32 to vector<16xf32>
        %mul3A_301 = arith.mulf %get3A_299, %broadcast_in_dim3A_300 : vector<16xf32>
        %ne3A_302 = arith.cmpf one, %squeeze3A_286, %scan3A_263 : f32
        %convert_element_type3A_303 = arith.extui %ne3A_302 : i1 to i32
        %cond3A_304 = arith.constant 0 : i32
        %cond3A_305 = arith.cmpi ne, %convert_element_type3A_303, %cond3A_304 : i32
        scf.if %cond3A_305 {
          %convert_element_type3A_424 = arith.fptosi %scan3A_263 : f32 to i32
          %sub3A_425 = arith.subi %convert_element_type3A_424, %mul3A_2 : i32
          %jit3A_426 = arith.constant 0 : i32
          %jit3A_427 = arith.constant 31 : i32
          %max3A = arith.maxsi %jit3A_426, %sub3A_425 : i32
          %min3A_428 = arith.minsi %jit3A_427, %max3A : i32
          %get3A_429 = arith.index_cast %min3A_428 : i32 to index
          %get3A_430 = arith.constant 0 : index
          %get3A_431 = tpu.vector_load %arg11[%get3A_429, %get3A_430] {strides = array<i32>} : memref<32x272xf32, #tpu.memory_space<vmem>>, vector<1x16xf32>,
          %get3A_432 = vector.shape_cast %get3A_431 : vector<1x16xf32> to vector<16xf32>
          %add3A_433 = arith.addf %get3A_432, %scan3A_264 : vector<16xf32>
          %swap3A = arith.index_cast %min3A_428 : i32 to index
          %swap3A_434 = arith.constant 0 : index
          %swap3A_435 = tpu.vector_load %arg11[%swap3A, %swap3A_434] {strides = array<i32>} : memref<32x272xf32, #tpu.memory_space<vmem>>, vector<1x16xf32>,
          %swap3A_436 = vector.shape_cast %swap3A_435 : vector<1x16xf32> to vector<16xf32>
          %swap3A_437 = vector.shape_cast %add3A_433 : vector<16xf32> to vector<1x16xf32>
          tpu.vector_store %arg11[%swap3A, %swap3A_434], %swap3A_437 {strides = array<i32>} : memref<32x272xf32, #tpu.memory_space<vmem>>, vector<1x16xf32>,
          %get3A_438 = arith.index_cast %min3A_428 : i32 to index
          %get3A_439 = arith.constant 16 : index
          %get3A_440 = tpu.vector_load %arg11[%get3A_438, %get3A_439] {strides = array<i32>} : memref<32x272xf32, #tpu.memory_space<vmem>>, vector<1x16xf32>,
          %get3A_441 = vector.shape_cast %get3A_440 : vector<1x16xf32> to vector<16xf32>
          %add3A_442 = arith.addf %get3A_441, %scan3A_265 : vector<16xf32>
          %swap3A_443 = arith.index_cast %min3A_428 : i32 to index
          %swap3A_444 = arith.constant 16 : index
          %swap3A_445 = tpu.vector_load %arg11[%swap3A_443, %swap3A_444] {strides = array<i32>} : memref<32x272xf32, #tpu.memory_space<vmem>>, vector<1x16xf32>,
          %swap3A_446 = vector.shape_cast %swap3A_445 : vector<1x16xf32> to vector<16xf32>
          %swap3A_447 = vector.shape_cast %add3A_442 : vector<16xf32> to vector<1x16xf32>
          tpu.vector_store %arg11[%swap3A_443, %swap3A_444], %swap3A_447 {strides = array<i32>} : memref<32x272xf32, #tpu.memory_space<vmem>>, vector<1x16xf32>,
          %get3A_448 = arith.index_cast %min3A_428 : i32 to index
          %get3A_449 = arith.constant 32 : index
          %get3A_450 = tpu.vector_load %arg11[%get3A_448, %get3A_449] {strides = array<i32>} : memref<32x272xf32, #tpu.memory_space<vmem>>, vector<1x16xf32>,
          %get3A_451 = vector.shape_cast %get3A_450 : vector<1x16xf32> to vector<16xf32>
          %add3A_452 = arith.addf %get3A_451, %scan3A_266 : vector<16xf32>
          %swap3A_453 = arith.index_cast %min3A_428 : i32 to index
          %swap3A_454 = arith.constant 32 : index
          %swap3A_455 = tpu.vector_load %arg11[%swap3A_453, %swap3A_454] {strides = array<i32>} : memref<32x272xf32, #tpu.memory_space<vmem>>, vector<1x16xf32>,
          %swap3A_456 = vector.shape_cast %swap3A_455 : vector<1x16xf32> to vector<16xf32>
          %swap3A_457 = vector.shape_cast %add3A_452 : vector<16xf32> to vector<1x16xf32>
          tpu.vector_store %arg11[%swap3A_453, %swap3A_454], %swap3A_457 {strides = array<i32>} : memref<32x272xf32, #tpu.memory_space<vmem>>, vector<1x16xf32>,
          %get3A_458 = arith.index_cast %min3A_428 : i32 to index
          %get3A_459 = arith.constant 48 : index
          %get3A_460 = tpu.vector_load %arg11[%get3A_458, %get3A_459] {strides = array<i32>} : memref<32x272xf32, #tpu.memory_space<vmem>>, vector<1x16xf32>,
          %get3A_461 = vector.shape_cast %get3A_460 : vector<1x16xf32> to vector<16xf32>
          %add3A_462 = arith.addf %get3A_461, %scan3A_267 : vector<16xf32>
          %swap3A_463 = arith.index_cast %min3A_428 : i32 to index
          %swap3A_464 = arith.constant 48 : index
          %swap3A_465 = tpu.vector_load %arg11[%swap3A_463, %swap3A_464] {strides = array<i32>} : memref<32x272xf32, #tpu.memory_space<vmem>>, vector<1x16xf32>,
          %swap3A_466 = vector.shape_cast %swap3A_465 : vector<1x16xf32> to vector<16xf32>
          %swap3A_467 = vector.shape_cast %add3A_462 : vector<16xf32> to vector<1x16xf32>
          tpu.vector_store %arg11[%swap3A_463, %swap3A_464], %swap3A_467 {strides = array<i32>} : memref<32x272xf32, #tpu.memory_space<vmem>>, vector<1x16xf32>,
          %get3A_468 = arith.index_cast %min3A_428 : i32 to index
          %get3A_469 = arith.constant 64 : index
          %get3A_470 = tpu.vector_load %arg11[%get3A_468, %get3A_469] {strides = array<i32>} : memref<32x272xf32, #tpu.memory_space<vmem>>, vector<1x16xf32>,
          %get3A_471 = vector.shape_cast %get3A_470 : vector<1x16xf32> to vector<16xf32>
          %add3A_472 = arith.addf %get3A_471, %scan3A_268 : vector<16xf32>
          %swap3A_473 = arith.index_cast %min3A_428 : i32 to index
          %swap3A_474 = arith.constant 64 : index
          %swap3A_475 = tpu.vector_load %arg11[%swap3A_473, %swap3A_474] {strides = array<i32>} : memref<32x272xf32, #tpu.memory_space<vmem>>, vector<1x16xf32>,
          %swap3A_476 = vector.shape_cast %swap3A_475 : vector<1x16xf32> to vector<16xf32>
          %swap3A_477 = vector.shape_cast %add3A_472 : vector<16xf32> to vector<1x16xf32>
          tpu.vector_store %arg11[%swap3A_473, %swap3A_474], %swap3A_477 {strides = array<i32>} : memref<32x272xf32, #tpu.memory_space<vmem>>, vector<1x16xf32>,
          %get3A_478 = arith.index_cast %min3A_428 : i32 to index
          %get3A_479 = arith.constant 80 : index
          %get3A_480 = tpu.vector_load %arg11[%get3A_478, %get3A_479] {strides = array<i32>} : memref<32x272xf32, #tpu.memory_space<vmem>>, vector<1x16xf32>,
          %get3A_481 = vector.shape_cast %get3A_480 : vector<1x16xf32> to vector<16xf32>
          %add3A_482 = arith.addf %get3A_481, %scan3A_269 : vector<16xf32>
          %swap3A_483 = arith.index_cast %min3A_428 : i32 to index
          %swap3A_484 = arith.constant 80 : index
          %swap3A_485 = tpu.vector_load %arg11[%swap3A_483, %swap3A_484] {strides = array<i32>} : memref<32x272xf32, #tpu.memory_space<vmem>>, vector<1x16xf32>,
          %swap3A_486 = vector.shape_cast %swap3A_485 : vector<1x16xf32> to vector<16xf32>
          %swap3A_487 = vector.shape_cast %add3A_482 : vector<16xf32> to vector<1x16xf32>
          tpu.vector_store %arg11[%swap3A_483, %swap3A_484], %swap3A_487 {strides = array<i32>} : memref<32x272xf32, #tpu.memory_space<vmem>>, vector<1x16xf32>,
          %get3A_488 = arith.index_cast %min3A_428 : i32 to index
          %get3A_489 = arith.constant 96 : index
          %get3A_490 = tpu.vector_load %arg11[%get3A_488, %get3A_489] {strides = array<i32>} : memref<32x272xf32, #tpu.memory_space<vmem>>, vector<1x16xf32>,
          %get3A_491 = vector.shape_cast %get3A_490 : vector<1x16xf32> to vector<16xf32>
          %add3A_492 = arith.addf %get3A_491, %scan3A_270 : vector<16xf32>
          %swap3A_493 = arith.index_cast %min3A_428 : i32 to index
          %swap3A_494 = arith.constant 96 : index
          %swap3A_495 = tpu.vector_load %arg11[%swap3A_493, %swap3A_494] {strides = array<i32>} : memref<32x272xf32, #tpu.memory_space<vmem>>, vector<1x16xf32>,
          %swap3A_496 = vector.shape_cast %swap3A_495 : vector<1x16xf32> to vector<16xf32>
          %swap3A_497 = vector.shape_cast %add3A_492 : vector<16xf32> to vector<1x16xf32>
          tpu.vector_store %arg11[%swap3A_493, %swap3A_494], %swap3A_497 {strides = array<i32>} : memref<32x272xf32, #tpu.memory_space<vmem>>, vector<1x16xf32>,
          %get3A_498 = arith.index_cast %min3A_428 : i32 to index
          %get3A_499 = arith.constant 112 : index
          %get3A_500 = tpu.vector_load %arg11[%get3A_498, %get3A_499] {strides = array<i32>} : memref<32x272xf32, #tpu.memory_space<vmem>>, vector<1x16xf32>,
          %get3A_501 = vector.shape_cast %get3A_500 : vector<1x16xf32> to vector<16xf32>
          %add3A_502 = arith.addf %get3A_501, %scan3A_271 : vector<16xf32>
          %swap3A_503 = arith.index_cast %min3A_428 : i32 to index
          %swap3A_504 = arith.constant 112 : index
          %swap3A_505 = tpu.vector_load %arg11[%swap3A_503, %swap3A_504] {strides = array<i32>} : memref<32x272xf32, #tpu.memory_space<vmem>>, vector<1x16xf32>,
          %swap3A_506 = vector.shape_cast %swap3A_505 : vector<1x16xf32> to vector<16xf32>
          %swap3A_507 = vector.shape_cast %add3A_502 : vector<16xf32> to vector<1x16xf32>
          tpu.vector_store %arg11[%swap3A_503, %swap3A_504], %swap3A_507 {strides = array<i32>} : memref<32x272xf32, #tpu.memory_space<vmem>>, vector<1x16xf32>,
          %get3A_508 = arith.index_cast %min3A_428 : i32 to index
          %get3A_509 = arith.constant 128 : index
          %get3A_510 = tpu.vector_load %arg11[%get3A_508, %get3A_509] {strides = array<i32>} : memref<32x272xf32, #tpu.memory_space<vmem>>, vector<1x16xf32>,
          %get3A_511 = vector.shape_cast %get3A_510 : vector<1x16xf32> to vector<16xf32>
          %add3A_512 = arith.addf %get3A_511, %scan3A_272 : vector<16xf32>
          %swap3A_513 = arith.index_cast %min3A_428 : i32 to index
          %swap3A_514 = arith.constant 128 : index
          %swap3A_515 = tpu.vector_load %arg11[%swap3A_513, %swap3A_514] {strides = array<i32>} : memref<32x272xf32, #tpu.memory_space<vmem>>, vector<1x16xf32>,
          %swap3A_516 = vector.shape_cast %swap3A_515 : vector<1x16xf32> to vector<16xf32>
          %swap3A_517 = vector.shape_cast %add3A_512 : vector<16xf32> to vector<1x16xf32>
          tpu.vector_store %arg11[%swap3A_513, %swap3A_514], %swap3A_517 {strides = array<i32>} : memref<32x272xf32, #tpu.memory_space<vmem>>, vector<1x16xf32>,
          %get3A_518 = arith.index_cast %min3A_428 : i32 to index
          %get3A_519 = arith.constant 144 : index
          %get3A_520 = tpu.vector_load %arg11[%get3A_518, %get3A_519] {strides = array<i32>} : memref<32x272xf32, #tpu.memory_space<vmem>>, vector<1x16xf32>,
          %get3A_521 = vector.shape_cast %get3A_520 : vector<1x16xf32> to vector<16xf32>
          %add3A_522 = arith.addf %get3A_521, %scan3A_273 : vector<16xf32>
          %swap3A_523 = arith.index_cast %min3A_428 : i32 to index
          %swap3A_524 = arith.constant 144 : index
          %swap3A_525 = tpu.vector_load %arg11[%swap3A_523, %swap3A_524] {strides = array<i32>} : memref<32x272xf32, #tpu.memory_space<vmem>>, vector<1x16xf32>,
          %swap3A_526 = vector.shape_cast %swap3A_525 : vector<1x16xf32> to vector<16xf32>
          %swap3A_527 = vector.shape_cast %add3A_522 : vector<16xf32> to vector<1x16xf32>
          tpu.vector_store %arg11[%swap3A_523, %swap3A_524], %swap3A_527 {strides = array<i32>} : memref<32x272xf32, #tpu.memory_space<vmem>>, vector<1x16xf32>,
          %get3A_528 = arith.index_cast %min3A_428 : i32 to index
          %get3A_529 = arith.constant 160 : index
          %get3A_530 = tpu.vector_load %arg11[%get3A_528, %get3A_529] {strides = array<i32>} : memref<32x272xf32, #tpu.memory_space<vmem>>, vector<1x16xf32>,
          %get3A_531 = vector.shape_cast %get3A_530 : vector<1x16xf32> to vector<16xf32>
          %add3A_532 = arith.addf %get3A_531, %scan3A_274 : vector<16xf32>
          %swap3A_533 = arith.index_cast %min3A_428 : i32 to index
          %swap3A_534 = arith.constant 160 : index
          %swap3A_535 = tpu.vector_load %arg11[%swap3A_533, %swap3A_534] {strides = array<i32>} : memref<32x272xf32, #tpu.memory_space<vmem>>, vector<1x16xf32>,
          %swap3A_536 = vector.shape_cast %swap3A_535 : vector<1x16xf32> to vector<16xf32>
          %swap3A_537 = vector.shape_cast %add3A_532 : vector<16xf32> to vector<1x16xf32>
          tpu.vector_store %arg11[%swap3A_533, %swap3A_534], %swap3A_537 {strides = array<i32>} : memref<32x272xf32, #tpu.memory_space<vmem>>, vector<1x16xf32>,
          %get3A_538 = arith.index_cast %min3A_428 : i32 to index
          %get3A_539 = arith.constant 176 : index
          %get3A_540 = tpu.vector_load %arg11[%get3A_538, %get3A_539] {strides = array<i32>} : memref<32x272xf32, #tpu.memory_space<vmem>>, vector<1x16xf32>,
          %get3A_541 = vector.shape_cast %get3A_540 : vector<1x16xf32> to vector<16xf32>
          %add3A_542 = arith.addf %get3A_541, %scan3A_275 : vector<16xf32>
          %swap3A_543 = arith.index_cast %min3A_428 : i32 to index
          %swap3A_544 = arith.constant 176 : index
          %swap3A_545 = tpu.vector_load %arg11[%swap3A_543, %swap3A_544] {strides = array<i32>} : memref<32x272xf32, #tpu.memory_space<vmem>>, vector<1x16xf32>,
          %swap3A_546 = vector.shape_cast %swap3A_545 : vector<1x16xf32> to vector<16xf32>
          %swap3A_547 = vector.shape_cast %add3A_542 : vector<16xf32> to vector<1x16xf32>
          tpu.vector_store %arg11[%swap3A_543, %swap3A_544], %swap3A_547 {strides = array<i32>} : memref<32x272xf32, #tpu.memory_space<vmem>>, vector<1x16xf32>,
          %get3A_548 = arith.index_cast %min3A_428 : i32 to index
          %get3A_549 = arith.constant 192 : index
          %get3A_550 = tpu.vector_load %arg11[%get3A_548, %get3A_549] {strides = array<i32>} : memref<32x272xf32, #tpu.memory_space<vmem>>, vector<1x16xf32>,
          %get3A_551 = vector.shape_cast %get3A_550 : vector<1x16xf32> to vector<16xf32>
          %add3A_552 = arith.addf %get3A_551, %scan3A_276 : vector<16xf32>
          %swap3A_553 = arith.index_cast %min3A_428 : i32 to index
          %swap3A_554 = arith.constant 192 : index
          %swap3A_555 = tpu.vector_load %arg11[%swap3A_553, %swap3A_554] {strides = array<i32>} : memref<32x272xf32, #tpu.memory_space<vmem>>, vector<1x16xf32>,
          %swap3A_556 = vector.shape_cast %swap3A_555 : vector<1x16xf32> to vector<16xf32>
          %swap3A_557 = vector.shape_cast %add3A_552 : vector<16xf32> to vector<1x16xf32>
          tpu.vector_store %arg11[%swap3A_553, %swap3A_554], %swap3A_557 {strides = array<i32>} : memref<32x272xf32, #tpu.memory_space<vmem>>, vector<1x16xf32>,
          %get3A_558 = arith.index_cast %min3A_428 : i32 to index
          %get3A_559 = arith.constant 208 : index
          %get3A_560 = tpu.vector_load %arg11[%get3A_558, %get3A_559] {strides = array<i32>} : memref<32x272xf32, #tpu.memory_space<vmem>>, vector<1x16xf32>,
          %get3A_561 = vector.shape_cast %get3A_560 : vector<1x16xf32> to vector<16xf32>
          %add3A_562 = arith.addf %get3A_561, %scan3A_277 : vector<16xf32>
          %swap3A_563 = arith.index_cast %min3A_428 : i32 to index
          %swap3A_564 = arith.constant 208 : index
          %swap3A_565 = tpu.vector_load %arg11[%swap3A_563, %swap3A_564] {strides = array<i32>} : memref<32x272xf32, #tpu.memory_space<vmem>>, vector<1x16xf32>,
          %swap3A_566 = vector.shape_cast %swap3A_565 : vector<1x16xf32> to vector<16xf32>
          %swap3A_567 = vector.shape_cast %add3A_562 : vector<16xf32> to vector<1x16xf32>
          tpu.vector_store %arg11[%swap3A_563, %swap3A_564], %swap3A_567 {strides = array<i32>} : memref<32x272xf32, #tpu.memory_space<vmem>>, vector<1x16xf32>,
          %get3A_568 = arith.index_cast %min3A_428 : i32 to index
          %get3A_569 = arith.constant 224 : index
          %get3A_570 = tpu.vector_load %arg11[%get3A_568, %get3A_569] {strides = array<i32>} : memref<32x272xf32, #tpu.memory_space<vmem>>, vector<1x16xf32>,
          %get3A_571 = vector.shape_cast %get3A_570 : vector<1x16xf32> to vector<16xf32>
          %add3A_572 = arith.addf %get3A_571, %scan3A_278 : vector<16xf32>
          %swap3A_573 = arith.index_cast %min3A_428 : i32 to index
          %swap3A_574 = arith.constant 224 : index
          %swap3A_575 = tpu.vector_load %arg11[%swap3A_573, %swap3A_574] {strides = array<i32>} : memref<32x272xf32, #tpu.memory_space<vmem>>, vector<1x16xf32>,
          %swap3A_576 = vector.shape_cast %swap3A_575 : vector<1x16xf32> to vector<16xf32>
          %swap3A_577 = vector.shape_cast %add3A_572 : vector<16xf32> to vector<1x16xf32>
          tpu.vector_store %arg11[%swap3A_573, %swap3A_574], %swap3A_577 {strides = array<i32>} : memref<32x272xf32, #tpu.memory_space<vmem>>, vector<1x16xf32>,
          %get3A_578 = arith.index_cast %min3A_428 : i32 to index
          %get3A_579 = arith.constant 240 : index
          %get3A_580 = tpu.vector_load %arg11[%get3A_578, %get3A_579] {strides = array<i32>} : memref<32x272xf32, #tpu.memory_space<vmem>>, vector<1x16xf32>,
          %get3A_581 = vector.shape_cast %get3A_580 : vector<1x16xf32> to vector<16xf32>
          %add3A_582 = arith.addf %get3A_581, %scan3A_279 : vector<16xf32>
          %swap3A_583 = arith.index_cast %min3A_428 : i32 to index
          %swap3A_584 = arith.constant 240 : index
          %swap3A_585 = tpu.vector_load %arg11[%swap3A_583, %swap3A_584] {strides = array<i32>} : memref<32x272xf32, #tpu.memory_space<vmem>>, vector<1x16xf32>,
          %swap3A_586 = vector.shape_cast %swap3A_585 : vector<1x16xf32> to vector<16xf32>
          %swap3A_587 = vector.shape_cast %add3A_582 : vector<16xf32> to vector<1x16xf32>
          tpu.vector_store %arg11[%swap3A_583, %swap3A_584], %swap3A_587 {strides = array<i32>} : memref<32x272xf32, #tpu.memory_space<vmem>>, vector<1x16xf32>,
          %get3A_588 = arith.index_cast %min3A_428 : i32 to index
          %get3A_589 = arith.constant 256 : index
          %get3A_590 = tpu.vector_load %arg11[%get3A_588, %get3A_589] {strides = array<i32>} : memref<32x272xf32, #tpu.memory_space<vmem>>, vector<1x16xf32>,
          %get3A_591 = vector.shape_cast %get3A_590 : vector<1x16xf32> to vector<16xf32>
          %add3A_592 = arith.addf %get3A_591, %scan3A_280 : vector<16xf32>
          %swap3A_593 = arith.index_cast %min3A_428 : i32 to index
          %swap3A_594 = arith.constant 256 : index
          %swap3A_595 = tpu.vector_load %arg11[%swap3A_593, %swap3A_594] {strides = array<i32>} : memref<32x272xf32, #tpu.memory_space<vmem>>, vector<1x16xf32>,
          %swap3A_596 = vector.shape_cast %swap3A_595 : vector<1x16xf32> to vector<16xf32>
          %swap3A_597 = vector.shape_cast %add3A_592 : vector<16xf32> to vector<1x16xf32>
          tpu.vector_store %arg11[%swap3A_593, %swap3A_594], %swap3A_597 {strides = array<i32>} : memref<32x272xf32, #tpu.memory_space<vmem>>, vector<1x16xf32>,
        } else {
        }
        %jit3A_306 = arith.constant 0.000000e+00 : f32
        %jit3A_307 = arith.constant 1.000000e+00 : f32
        %select_n3A_308 = arith.select %ne3A_302, %jit3A_306, %jit3A_307 : f32
        %broadcast_in_dim3A_309 = vector.broadcast %select_n3A_308 : f32 to vector<16xf32>
        %mul3A_310 = arith.mulf %scan3A_264, %broadcast_in_dim3A_309 : vector<16xf32>
        %get3A_311 = arith.index_cast %scan3A_262 : i32 to index
        %get3A_312 = arith.constant 0 : index
        %get3A_313 = tpu.vector_load %arg6[%get3A_311, %get3A_312] {strides = array<i32>} : memref<128x256xf32, #tpu.memory_space<vmem>>, vector<1x16xf32>,
        %get3A_314 = vector.shape_cast %get3A_313 : vector<1x16xf32> to vector<16xf32>
        %mul3A_315 = arith.mulf %get3A_314, %mul3A_301 : vector<16xf32>
        %add3A_316 = arith.addf %mul3A_310, %mul3A_315 : vector<16xf32>
        %mul3A_317 = arith.mulf %scan3A_265, %broadcast_in_dim3A_309 : vector<16xf32>
        %get3A_318 = arith.index_cast %scan3A_262 : i32 to index
        %get3A_319 = arith.constant 16 : index
        %get3A_320 = tpu.vector_load %arg6[%get3A_318, %get3A_319] {strides = array<i32>} : memref<128x256xf32, #tpu.memory_space<vmem>>, vector<1x16xf32>,
        %get3A_321 = vector.shape_cast %get3A_320 : vector<1x16xf32> to vector<16xf32>
        %mul3A_322 = arith.mulf %get3A_321, %mul3A_301 : vector<16xf32>
        %add3A_323 = arith.addf %mul3A_317, %mul3A_322 : vector<16xf32>
        %mul3A_324 = arith.mulf %scan3A_266, %broadcast_in_dim3A_309 : vector<16xf32>
        %get3A_325 = arith.index_cast %scan3A_262 : i32 to index
        %get3A_326 = arith.constant 32 : index
        %get3A_327 = tpu.vector_load %arg6[%get3A_325, %get3A_326] {strides = array<i32>} : memref<128x256xf32, #tpu.memory_space<vmem>>, vector<1x16xf32>,
        %get3A_328 = vector.shape_cast %get3A_327 : vector<1x16xf32> to vector<16xf32>
        %mul3A_329 = arith.mulf %get3A_328, %mul3A_301 : vector<16xf32>
        %add3A_330 = arith.addf %mul3A_324, %mul3A_329 : vector<16xf32>
        %mul3A_331 = arith.mulf %scan3A_267, %broadcast_in_dim3A_309 : vector<16xf32>
        %get3A_332 = arith.index_cast %scan3A_262 : i32 to index
        %get3A_333 = arith.constant 48 : index
        %get3A_334 = tpu.vector_load %arg6[%get3A_332, %get3A_333] {strides = array<i32>} : memref<128x256xf32, #tpu.memory_space<vmem>>, vector<1x16xf32>,
        %get3A_335 = vector.shape_cast %get3A_334 : vector<1x16xf32> to vector<16xf32>
        %mul3A_336 = arith.mulf %get3A_335, %mul3A_301 : vector<16xf32>
        %add3A_337 = arith.addf %mul3A_331, %mul3A_336 : vector<16xf32>
        %mul3A_338 = arith.mulf %scan3A_268, %broadcast_in_dim3A_309 : vector<16xf32>
        %get3A_339 = arith.index_cast %scan3A_262 : i32 to index
        %get3A_340 = arith.constant 64 : index
        %get3A_341 = tpu.vector_load %arg6[%get3A_339, %get3A_340] {strides = array<i32>} : memref<128x256xf32, #tpu.memory_space<vmem>>, vector<1x16xf32>,
        %get3A_342 = vector.shape_cast %get3A_341 : vector<1x16xf32> to vector<16xf32>
        %mul3A_343 = arith.mulf %get3A_342, %mul3A_301 : vector<16xf32>
        %add3A_344 = arith.addf %mul3A_338, %mul3A_343 : vector<16xf32>
        %mul3A_345 = arith.mulf %scan3A_269, %broadcast_in_dim3A_309 : vector<16xf32>
        %get3A_346 = arith.index_cast %scan3A_262 : i32 to index
        %get3A_347 = arith.constant 80 : index
        %get3A_348 = tpu.vector_load %arg6[%get3A_346, %get3A_347] {strides = array<i32>} : memref<128x256xf32, #tpu.memory_space<vmem>>, vector<1x16xf32>,
        %get3A_349 = vector.shape_cast %get3A_348 : vector<1x16xf32> to vector<16xf32>
        %mul3A_350 = arith.mulf %get3A_349, %mul3A_301 : vector<16xf32>
        %add3A_351 = arith.addf %mul3A_345, %mul3A_350 : vector<16xf32>
        %mul3A_352 = arith.mulf %scan3A_270, %broadcast_in_dim3A_309 : vector<16xf32>
        %get3A_353 = arith.index_cast %scan3A_262 : i32 to index
        %get3A_354 = arith.constant 96 : index
        %get3A_355 = tpu.vector_load %arg6[%get3A_353, %get3A_354] {strides = array<i32>} : memref<128x256xf32, #tpu.memory_space<vmem>>, vector<1x16xf32>,
        %get3A_356 = vector.shape_cast %get3A_355 : vector<1x16xf32> to vector<16xf32>
        %mul3A_357 = arith.mulf %get3A_356, %mul3A_301 : vector<16xf32>
        %add3A_358 = arith.addf %mul3A_352, %mul3A_357 : vector<16xf32>
        %mul3A_359 = arith.mulf %scan3A_271, %broadcast_in_dim3A_309 : vector<16xf32>
        %get3A_360 = arith.index_cast %scan3A_262 : i32 to index
        %get3A_361 = arith.constant 112 : index
        %get3A_362 = tpu.vector_load %arg6[%get3A_360, %get3A_361] {strides = array<i32>} : memref<128x256xf32, #tpu.memory_space<vmem>>, vector<1x16xf32>,
        %get3A_363 = vector.shape_cast %get3A_362 : vector<1x16xf32> to vector<16xf32>
        %mul3A_364 = arith.mulf %get3A_363, %mul3A_301 : vector<16xf32>
        %add3A_365 = arith.addf %mul3A_359, %mul3A_364 : vector<16xf32>
        %mul3A_366 = arith.mulf %scan3A_272, %broadcast_in_dim3A_309 : vector<16xf32>
        %get3A_367 = arith.index_cast %scan3A_262 : i32 to index
        %get3A_368 = arith.constant 128 : index
        %get3A_369 = tpu.vector_load %arg6[%get3A_367, %get3A_368] {strides = array<i32>} : memref<128x256xf32, #tpu.memory_space<vmem>>, vector<1x16xf32>,
        %get3A_370 = vector.shape_cast %get3A_369 : vector<1x16xf32> to vector<16xf32>
        %mul3A_371 = arith.mulf %get3A_370, %mul3A_301 : vector<16xf32>
        %add3A_372 = arith.addf %mul3A_366, %mul3A_371 : vector<16xf32>
        %mul3A_373 = arith.mulf %scan3A_273, %broadcast_in_dim3A_309 : vector<16xf32>
        %get3A_374 = arith.index_cast %scan3A_262 : i32 to index
        %get3A_375 = arith.constant 144 : index
        %get3A_376 = tpu.vector_load %arg6[%get3A_374, %get3A_375] {strides = array<i32>} : memref<128x256xf32, #tpu.memory_space<vmem>>, vector<1x16xf32>,
        %get3A_377 = vector.shape_cast %get3A_376 : vector<1x16xf32> to vector<16xf32>
        %mul3A_378 = arith.mulf %get3A_377, %mul3A_301 : vector<16xf32>
        %add3A_379 = arith.addf %mul3A_373, %mul3A_378 : vector<16xf32>
        %mul3A_380 = arith.mulf %scan3A_274, %broadcast_in_dim3A_309 : vector<16xf32>
        %get3A_381 = arith.index_cast %scan3A_262 : i32 to index
        %get3A_382 = arith.constant 160 : index
        %get3A_383 = tpu.vector_load %arg6[%get3A_381, %get3A_382] {strides = array<i32>} : memref<128x256xf32, #tpu.memory_space<vmem>>, vector<1x16xf32>,
        %get3A_384 = vector.shape_cast %get3A_383 : vector<1x16xf32> to vector<16xf32>
        %mul3A_385 = arith.mulf %get3A_384, %mul3A_301 : vector<16xf32>
        %add3A_386 = arith.addf %mul3A_380, %mul3A_385 : vector<16xf32>
        %mul3A_387 = arith.mulf %scan3A_275, %broadcast_in_dim3A_309 : vector<16xf32>
        %get3A_388 = arith.index_cast %scan3A_262 : i32 to index
        %get3A_389 = arith.constant 176 : index
        %get3A_390 = tpu.vector_load %arg6[%get3A_388, %get3A_389] {strides = array<i32>} : memref<128x256xf32, #tpu.memory_space<vmem>>, vector<1x16xf32>,
        %get3A_391 = vector.shape_cast %get3A_390 : vector<1x16xf32> to vector<16xf32>
        %mul3A_392 = arith.mulf %get3A_391, %mul3A_301 : vector<16xf32>
        %add3A_393 = arith.addf %mul3A_387, %mul3A_392 : vector<16xf32>
        %mul3A_394 = arith.mulf %scan3A_276, %broadcast_in_dim3A_309 : vector<16xf32>
        %get3A_395 = arith.index_cast %scan3A_262 : i32 to index
        %get3A_396 = arith.constant 192 : index
        %get3A_397 = tpu.vector_load %arg6[%get3A_395, %get3A_396] {strides = array<i32>} : memref<128x256xf32, #tpu.memory_space<vmem>>, vector<1x16xf32>,
        %get3A_398 = vector.shape_cast %get3A_397 : vector<1x16xf32> to vector<16xf32>
        %mul3A_399 = arith.mulf %get3A_398, %mul3A_301 : vector<16xf32>
        %add3A_400 = arith.addf %mul3A_394, %mul3A_399 : vector<16xf32>
        %mul3A_401 = arith.mulf %scan3A_277, %broadcast_in_dim3A_309 : vector<16xf32>
        %get3A_402 = arith.index_cast %scan3A_262 : i32 to index
        %get3A_403 = arith.constant 208 : index
        %get3A_404 = tpu.vector_load %arg6[%get3A_402, %get3A_403] {strides = array<i32>} : memref<128x256xf32, #tpu.memory_space<vmem>>, vector<1x16xf32>,
        %get3A_405 = vector.shape_cast %get3A_404 : vector<1x16xf32> to vector<16xf32>
        %mul3A_406 = arith.mulf %get3A_405, %mul3A_301 : vector<16xf32>
        %add3A_407 = arith.addf %mul3A_401, %mul3A_406 : vector<16xf32>
        %mul3A_408 = arith.mulf %scan3A_278, %broadcast_in_dim3A_309 : vector<16xf32>
        %get3A_409 = arith.index_cast %scan3A_262 : i32 to index
        %get3A_410 = arith.constant 224 : index
        %get3A_411 = tpu.vector_load %arg6[%get3A_409, %get3A_410] {strides = array<i32>} : memref<128x256xf32, #tpu.memory_space<vmem>>, vector<1x16xf32>,
        %get3A_412 = vector.shape_cast %get3A_411 : vector<1x16xf32> to vector<16xf32>
        %mul3A_413 = arith.mulf %get3A_412, %mul3A_301 : vector<16xf32>
        %add3A_414 = arith.addf %mul3A_408, %mul3A_413 : vector<16xf32>
        %mul3A_415 = arith.mulf %scan3A_279, %broadcast_in_dim3A_309 : vector<16xf32>
        %get3A_416 = arith.index_cast %scan3A_262 : i32 to index
        %get3A_417 = arith.constant 240 : index
        %get3A_418 = tpu.vector_load %arg6[%get3A_416, %get3A_417] {strides = array<i32>} : memref<128x256xf32, #tpu.memory_space<vmem>>, vector<1x16xf32>,
        %get3A_419 = vector.shape_cast %get3A_418 : vector<1x16xf32> to vector<16xf32>
        %mul3A_420 = arith.mulf %get3A_419, %mul3A_301 : vector<16xf32>
        %add3A_421 = arith.addf %mul3A_415, %mul3A_420 : vector<16xf32>
        %mul3A_422 = arith.mulf %scan3A_280, %broadcast_in_dim3A_309 : vector<16xf32>
        %add3A_423 = arith.addf %mul3A_422, %mul3A_301 : vector<16xf32>
        scf.yield %squeeze3A_286, %add3A_316, %add3A_323, %add3A_330, %add3A_337, %add3A_344, %add3A_351, %add3A_358, %add3A_365, %add3A_372, %add3A_379, %add3A_386, %add3A_393, %add3A_400, %add3A_407, %add3A_414, %add3A_421, %add3A_423 : f32, vector<16xf32>, vector<16xf32>, vector<16xf32>, vector<16xf32>, vector<16xf32>, vector<16xf32>, vector<16xf32>, vector<16xf32>, vector<16xf32>, vector<16xf32>, vector<16xf32>, vector<16xf32>, vector<16xf32>, vector<16xf32>, vector<16xf32>, vector<16xf32>, vector<16xf32>
      }
      %scan3A_225 = arith.constant 128 : i32
      %add3A_226 = arith.constant 2 : i32
      %add3A_227 = arith.addi %add3A_191, %add3A_226 : i32
      %min3A_228 = arith.constant 1249 : i32
      %min3A_229 = arith.minsi %add3A_227, %min3A_228 : i32
      %mul3A_230 = arith.constant 128 : i32
      %mul3A_231 = arith.muli %min3A_229, %mul3A_230 : i32
      %dma_start3A_232 = arith.constant 0 : i32
      %dma_start3A_233 = tpu.memref_slice %arg2[%mul3A_231, %dma_start3A_232] : memref<160000x256xf32, #tpu.memory_space<hbm>> -> memref<128x256xf32, #tpu.memory_space<hbm>>
      %dma_start3A_234 = arith.constant 0 : i32
      %dma_start3A_235 = tpu.memref_slice %arg2[%mul3A_231, %dma_start3A_234] : memref<160000x256xf32, #tpu.memory_space<hbm>> -> memref<128x256xf32, #tpu.memory_space<hbm>>
      tpu.enqueue_dma source(%dma_start3A_235 : memref<128x256xf32, #tpu.memory_space<hbm>>) target(%arg6 : memref<128x256xf32, #tpu.memory_space<vmem>>) target_semaphore(%arg12 : memref<!tpu.dma_semaphore, #tpu.memory_space<semaphore_mem>>)
      %mul3A_236 = arith.constant 128 : i32
      %mul3A_237 = arith.muli %min3A_229, %mul3A_236 : i32
      %dma_start3A_238 = arith.constant 0 : i32
      %dma_start3A_239 = tpu.memref_slice %arg3[%mul3A_237, %dma_start3A_238] : memref<160000x32xf32, #tpu.memory_space<hbm>> -> memref<128x32xf32, #tpu.memory_space<hbm>>
      %dma_start3A_240 = arith.constant 0 : i32
      %dma_start3A_241 = tpu.memref_slice %arg3[%mul3A_237, %dma_start3A_240] : memref<160000x32xf32, #tpu.memory_space<hbm>> -> memref<128x32xf32, #tpu.memory_space<hbm>>
      tpu.enqueue_dma source(%dma_start3A_241 : memref<128x32xf32, #tpu.memory_space<hbm>>) target(%arg8 : memref<128x32xf32, #tpu.memory_space<vmem>>) target_semaphore(%arg14 : memref<!tpu.dma_semaphore, #tpu.memory_space<semaphore_mem>>)
      %dma_wait3A_242 = arith.constant 0 : i32
      %dma_wait3A_243 = arith.constant 0 : i32
      %dma_wait3A_244 = tpu.memref_slice %arg2[%dma_wait3A_242, %dma_wait3A_243] : memref<160000x256xf32, #tpu.memory_space<hbm>> -> memref<128x256xf32, #tpu.memory_space<hbm>>
      %dma_wait3A_245 = arith.constant 0 : i32
      %dma_wait3A_246 = arith.constant 0 : i32
      %dma_wait3A_247 = tpu.memref_slice %arg2[%dma_wait3A_245, %dma_wait3A_246] : memref<160000x256xf32, #tpu.memory_space<hbm>> -> memref<128x256xf32, #tpu.memory_space<hbm>>
      tpu.wait_dma2 semaphore(%arg13 : memref<!tpu.dma_semaphore, #tpu.memory_space<semaphore_mem>>) src(%dma_wait3A_247 : memref<128x256xf32, #tpu.memory_space<hbm>>) dst(%arg7 : memref<128x256xf32, #tpu.memory_space<vmem>>)
      %dma_wait3A_248 = arith.constant 0 : i32
      %dma_wait3A_249 = arith.constant 0 : i32
      %dma_wait3A_250 = tpu.memref_slice %arg3[%dma_wait3A_248, %dma_wait3A_249] : memref<160000x32xf32, #tpu.memory_space<hbm>> -> memref<128x32xf32, #tpu.memory_space<hbm>>
      %dma_wait3A_251 = arith.constant 0 : i32
      %dma_wait3A_252 = arith.constant 0 : i32
      %dma_wait3A_253 = tpu.memref_slice %arg3[%dma_wait3A_251, %dma_wait3A_252] : memref<160000x32xf32, #tpu.memory_space<hbm>> -> memref<128x32xf32, #tpu.memory_space<hbm>>
      tpu.wait_dma2 semaphore(%arg15 : memref<!tpu.dma_semaphore, #tpu.memory_space<semaphore_mem>>) src(%dma_wait3A_253 : memref<128x32xf32, #tpu.memory_space<hbm>>) dst(%arg9 : memref<128x32xf32, #tpu.memory_space<vmem>>)
      %add3A_254 = arith.constant 1 : i32
      %add3A_255 = arith.addi %add3A_191, %add3A_254 : i32
      %scan3A_256 = arith.constant 0 : i32
      %scan3A_257 = arith.constant 128 : i32
      %scan3A_258 = arith.addi %scan3A_256, %scan3A_257 : i32
      %scan3A_259 = arith.constant 1 : i32
      %scan3A_260:18 = scf.for %scan3A_262 = %scan3A_256 to %scan3A_258 step %scan3A_259 iter_args(%scan3A_263 = %scan3A_224#0, %scan3A_264 = %scan3A_224#1, %scan3A_265 = %scan3A_224#2, %scan3A_266 = %scan3A_224#3, %scan3A_267 = %scan3A_224#4, %scan3A_268 = %scan3A_224#5, %scan3A_269 = %scan3A_224#6, %scan3A_270 = %scan3A_224#7, %scan3A_271 = %scan3A_224#8, %scan3A_272 = %scan3A_224#9, %scan3A_273 = %scan3A_224#10, %scan3A_274 = %scan3A_224#11, %scan3A_275 = %scan3A_224#12, %scan3A_276 = %scan3A_224#13, %scan3A_277 = %scan3A_224#14, %scan3A_278 = %scan3A_224#15, %scan3A_279 = %scan3A_224#16, %scan3A_280 = %scan3A_224#17) -> (f32, vector<16xf32>, vector<16xf32>, vector<16xf32>, vector<16xf32>, vector<16xf32>, vector<16xf32>, vector<16xf32>, vector<16xf32>, vector<16xf32>, vector<16xf32>, vector<16xf32>, vector<16xf32>, vector<16xf32>, vector<16xf32>, vector<16xf32>, vector<16xf32>, vector<16xf32>)  : i32 {
        %get3A_281 = arith.index_cast %scan3A_262 : i32 to index
        %get3A_282 = arith.constant 16 : index
        %get3A_283 = tpu.vector_load %arg9[%get3A_281, %get3A_282] {strides = array<i32>} : memref<128x32xf32, #tpu.memory_space<vmem>>, vector<1x16xf32>,
        %get3A_284 = vector.shape_cast %get3A_283 : vector<1x16xf32> to vector<16xf32>
        %slice3A_285 = vector.extract_strided_slice %get3A_284 {offsets = [0], sizes = [1], strides = [1]} : vector<16xf32> to vector<1xf32>
        %squeeze3A_286 = vector.extract %slice3A_285[0] : f32 from vector<1xf32>
        %mul3A_287 = arith.constant 128 : i32
        %mul3A_288 = arith.muli %add3A_255, %mul3A_287 : i32
        %add3A_289 = arith.addi %mul3A_288, %scan3A_262 : i32
        %ge3A_290 = arith.cmpi sge, %add3A_289, %squeeze3A : i32
        %lt3A_291 = arith.cmpi slt, %add3A_289, %squeeze3A_19 : i32
        %and3A_292 = arith.andi %ge3A_290, %lt3A_291 : i1
        %jit3A_293 = arith.constant 1.000000e+00 : f32
        %jit3A_294 = arith.constant 0.000000e+00 : f32
        %select_n3A_295 = arith.select %and3A_292, %jit3A_293, %jit3A_294 : f32
        %get3A_296 = arith.index_cast %scan3A_262 : i32 to index
        %get3A_297 = arith.constant 0 : index
        %get3A_298 = tpu.vector_load %arg9[%get3A_296, %get3A_297] {strides = array<i32>} : memref<128x32xf32, #tpu.memory_space<vmem>>, vector<1x16xf32>,
        %get3A_299 = vector.shape_cast %get3A_298 : vector<1x16xf32> to vector<16xf32>
        %broadcast_in_dim3A_300 = vector.broadcast %select_n3A_295 : f32 to vector<16xf32>
        %mul3A_301 = arith.mulf %get3A_299, %broadcast_in_dim3A_300 : vector<16xf32>
        %ne3A_302 = arith.cmpf one, %squeeze3A_286, %scan3A_263 : f32
        %convert_element_type3A_303 = arith.extui %ne3A_302 : i1 to i32
        %cond3A_304 = arith.constant 0 : i32
        %cond3A_305 = arith.cmpi ne, %convert_element_type3A_303, %cond3A_304 : i32
        scf.if %cond3A_305 {
          %convert_element_type3A_424 = arith.fptosi %scan3A_263 : f32 to i32
          %sub3A_425 = arith.subi %convert_element_type3A_424, %mul3A_2 : i32
          %jit3A_426 = arith.constant 0 : i32
          %jit3A_427 = arith.constant 31 : i32
          %max3A = arith.maxsi %jit3A_426, %sub3A_425 : i32
          %min3A_428 = arith.minsi %jit3A_427, %max3A : i32
          %get3A_429 = arith.index_cast %min3A_428 : i32 to index
          %get3A_430 = arith.constant 0 : index
          %get3A_431 = tpu.vector_load %arg11[%get3A_429, %get3A_430] {strides = array<i32>} : memref<32x272xf32, #tpu.memory_space<vmem>>, vector<1x16xf32>,
          %get3A_432 = vector.shape_cast %get3A_431 : vector<1x16xf32> to vector<16xf32>
          %add3A_433 = arith.addf %get3A_432, %scan3A_264 : vector<16xf32>
          %swap3A = arith.index_cast %min3A_428 : i32 to index
          %swap3A_434 = arith.constant 0 : index
          %swap3A_435 = tpu.vector_load %arg11[%swap3A, %swap3A_434] {strides = array<i32>} : memref<32x272xf32, #tpu.memory_space<vmem>>, vector<1x16xf32>,
          %swap3A_436 = vector.shape_cast %swap3A_435 : vector<1x16xf32> to vector<16xf32>
          %swap3A_437 = vector.shape_cast %add3A_433 : vector<16xf32> to vector<1x16xf32>
          tpu.vector_store %arg11[%swap3A, %swap3A_434], %swap3A_437 {strides = array<i32>} : memref<32x272xf32, #tpu.memory_space<vmem>>, vector<1x16xf32>,
          %get3A_438 = arith.index_cast %min3A_428 : i32 to index
          %get3A_439 = arith.constant 16 : index
          %get3A_440 = tpu.vector_load %arg11[%get3A_438, %get3A_439] {strides = array<i32>} : memref<32x272xf32, #tpu.memory_space<vmem>>, vector<1x16xf32>,
          %get3A_441 = vector.shape_cast %get3A_440 : vector<1x16xf32> to vector<16xf32>
          %add3A_442 = arith.addf %get3A_441, %scan3A_265 : vector<16xf32>
          %swap3A_443 = arith.index_cast %min3A_428 : i32 to index
          %swap3A_444 = arith.constant 16 : index
          %swap3A_445 = tpu.vector_load %arg11[%swap3A_443, %swap3A_444] {strides = array<i32>} : memref<32x272xf32, #tpu.memory_space<vmem>>, vector<1x16xf32>,
          %swap3A_446 = vector.shape_cast %swap3A_445 : vector<1x16xf32> to vector<16xf32>
          %swap3A_447 = vector.shape_cast %add3A_442 : vector<16xf32> to vector<1x16xf32>
          tpu.vector_store %arg11[%swap3A_443, %swap3A_444], %swap3A_447 {strides = array<i32>} : memref<32x272xf32, #tpu.memory_space<vmem>>, vector<1x16xf32>,
          %get3A_448 = arith.index_cast %min3A_428 : i32 to index
          %get3A_449 = arith.constant 32 : index
          %get3A_450 = tpu.vector_load %arg11[%get3A_448, %get3A_449] {strides = array<i32>} : memref<32x272xf32, #tpu.memory_space<vmem>>, vector<1x16xf32>,
          %get3A_451 = vector.shape_cast %get3A_450 : vector<1x16xf32> to vector<16xf32>
          %add3A_452 = arith.addf %get3A_451, %scan3A_266 : vector<16xf32>
          %swap3A_453 = arith.index_cast %min3A_428 : i32 to index
          %swap3A_454 = arith.constant 32 : index
          %swap3A_455 = tpu.vector_load %arg11[%swap3A_453, %swap3A_454] {strides = array<i32>} : memref<32x272xf32, #tpu.memory_space<vmem>>, vector<1x16xf32>,
          %swap3A_456 = vector.shape_cast %swap3A_455 : vector<1x16xf32> to vector<16xf32>
          %swap3A_457 = vector.shape_cast %add3A_452 : vector<16xf32> to vector<1x16xf32>
          tpu.vector_store %arg11[%swap3A_453, %swap3A_454], %swap3A_457 {strides = array<i32>} : memref<32x272xf32, #tpu.memory_space<vmem>>, vector<1x16xf32>,
          %get3A_458 = arith.index_cast %min3A_428 : i32 to index
          %get3A_459 = arith.constant 48 : index
          %get3A_460 = tpu.vector_load %arg11[%get3A_458, %get3A_459] {strides = array<i32>} : memref<32x272xf32, #tpu.memory_space<vmem>>, vector<1x16xf32>,
          %get3A_461 = vector.shape_cast %get3A_460 : vector<1x16xf32> to vector<16xf32>
          %add3A_462 = arith.addf %get3A_461, %scan3A_267 : vector<16xf32>
          %swap3A_463 = arith.index_cast %min3A_428 : i32 to index
          %swap3A_464 = arith.constant 48 : index
          %swap3A_465 = tpu.vector_load %arg11[%swap3A_463, %swap3A_464] {strides = array<i32>} : memref<32x272xf32, #tpu.memory_space<vmem>>, vector<1x16xf32>,
          %swap3A_466 = vector.shape_cast %swap3A_465 : vector<1x16xf32> to vector<16xf32>
          %swap3A_467 = vector.shape_cast %add3A_462 : vector<16xf32> to vector<1x16xf32>
          tpu.vector_store %arg11[%swap3A_463, %swap3A_464], %swap3A_467 {strides = array<i32>} : memref<32x272xf32, #tpu.memory_space<vmem>>, vector<1x16xf32>,
          %get3A_468 = arith.index_cast %min3A_428 : i32 to index
          %get3A_469 = arith.constant 64 : index
          %get3A_470 = tpu.vector_load %arg11[%get3A_468, %get3A_469] {strides = array<i32>} : memref<32x272xf32, #tpu.memory_space<vmem>>, vector<1x16xf32>,
          %get3A_471 = vector.shape_cast %get3A_470 : vector<1x16xf32> to vector<16xf32>
          %add3A_472 = arith.addf %get3A_471, %scan3A_268 : vector<16xf32>
          %swap3A_473 = arith.index_cast %min3A_428 : i32 to index
          %swap3A_474 = arith.constant 64 : index
          %swap3A_475 = tpu.vector_load %arg11[%swap3A_473, %swap3A_474] {strides = array<i32>} : memref<32x272xf32, #tpu.memory_space<vmem>>, vector<1x16xf32>,
          %swap3A_476 = vector.shape_cast %swap3A_475 : vector<1x16xf32> to vector<16xf32>
          %swap3A_477 = vector.shape_cast %add3A_472 : vector<16xf32> to vector<1x16xf32>
          tpu.vector_store %arg11[%swap3A_473, %swap3A_474], %swap3A_477 {strides = array<i32>} : memref<32x272xf32, #tpu.memory_space<vmem>>, vector<1x16xf32>,
          %get3A_478 = arith.index_cast %min3A_428 : i32 to index
          %get3A_479 = arith.constant 80 : index
          %get3A_480 = tpu.vector_load %arg11[%get3A_478, %get3A_479] {strides = array<i32>} : memref<32x272xf32, #tpu.memory_space<vmem>>, vector<1x16xf32>,
          %get3A_481 = vector.shape_cast %get3A_480 : vector<1x16xf32> to vector<16xf32>
          %add3A_482 = arith.addf %get3A_481, %scan3A_269 : vector<16xf32>
          %swap3A_483 = arith.index_cast %min3A_428 : i32 to index
          %swap3A_484 = arith.constant 80 : index
          %swap3A_485 = tpu.vector_load %arg11[%swap3A_483, %swap3A_484] {strides = array<i32>} : memref<32x272xf32, #tpu.memory_space<vmem>>, vector<1x16xf32>,
          %swap3A_486 = vector.shape_cast %swap3A_485 : vector<1x16xf32> to vector<16xf32>
          %swap3A_487 = vector.shape_cast %add3A_482 : vector<16xf32> to vector<1x16xf32>
          tpu.vector_store %arg11[%swap3A_483, %swap3A_484], %swap3A_487 {strides = array<i32>} : memref<32x272xf32, #tpu.memory_space<vmem>>, vector<1x16xf32>,
          %get3A_488 = arith.index_cast %min3A_428 : i32 to index
          %get3A_489 = arith.constant 96 : index
          %get3A_490 = tpu.vector_load %arg11[%get3A_488, %get3A_489] {strides = array<i32>} : memref<32x272xf32, #tpu.memory_space<vmem>>, vector<1x16xf32>,
          %get3A_491 = vector.shape_cast %get3A_490 : vector<1x16xf32> to vector<16xf32>
          %add3A_492 = arith.addf %get3A_491, %scan3A_270 : vector<16xf32>
          %swap3A_493 = arith.index_cast %min3A_428 : i32 to index
          %swap3A_494 = arith.constant 96 : index
          %swap3A_495 = tpu.vector_load %arg11[%swap3A_493, %swap3A_494] {strides = array<i32>} : memref<32x272xf32, #tpu.memory_space<vmem>>, vector<1x16xf32>,
          %swap3A_496 = vector.shape_cast %swap3A_495 : vector<1x16xf32> to vector<16xf32>
          %swap3A_497 = vector.shape_cast %add3A_492 : vector<16xf32> to vector<1x16xf32>
          tpu.vector_store %arg11[%swap3A_493, %swap3A_494], %swap3A_497 {strides = array<i32>} : memref<32x272xf32, #tpu.memory_space<vmem>>, vector<1x16xf32>,
          %get3A_498 = arith.index_cast %min3A_428 : i32 to index
          %get3A_499 = arith.constant 112 : index
          %get3A_500 = tpu.vector_load %arg11[%get3A_498, %get3A_499] {strides = array<i32>} : memref<32x272xf32, #tpu.memory_space<vmem>>, vector<1x16xf32>,
          %get3A_501 = vector.shape_cast %get3A_500 : vector<1x16xf32> to vector<16xf32>
          %add3A_502 = arith.addf %get3A_501, %scan3A_271 : vector<16xf32>
          %swap3A_503 = arith.index_cast %min3A_428 : i32 to index
          %swap3A_504 = arith.constant 112 : index
          %swap3A_505 = tpu.vector_load %arg11[%swap3A_503, %swap3A_504] {strides = array<i32>} : memref<32x272xf32, #tpu.memory_space<vmem>>, vector<1x16xf32>,
          %swap3A_506 = vector.shape_cast %swap3A_505 : vector<1x16xf32> to vector<16xf32>
          %swap3A_507 = vector.shape_cast %add3A_502 : vector<16xf32> to vector<1x16xf32>
          tpu.vector_store %arg11[%swap3A_503, %swap3A_504], %swap3A_507 {strides = array<i32>} : memref<32x272xf32, #tpu.memory_space<vmem>>, vector<1x16xf32>,
          %get3A_508 = arith.index_cast %min3A_428 : i32 to index
          %get3A_509 = arith.constant 128 : index
          %get3A_510 = tpu.vector_load %arg11[%get3A_508, %get3A_509] {strides = array<i32>} : memref<32x272xf32, #tpu.memory_space<vmem>>, vector<1x16xf32>,
          %get3A_511 = vector.shape_cast %get3A_510 : vector<1x16xf32> to vector<16xf32>
          %add3A_512 = arith.addf %get3A_511, %scan3A_272 : vector<16xf32>
          %swap3A_513 = arith.index_cast %min3A_428 : i32 to index
          %swap3A_514 = arith.constant 128 : index
          %swap3A_515 = tpu.vector_load %arg11[%swap3A_513, %swap3A_514] {strides = array<i32>} : memref<32x272xf32, #tpu.memory_space<vmem>>, vector<1x16xf32>,
          %swap3A_516 = vector.shape_cast %swap3A_515 : vector<1x16xf32> to vector<16xf32>
          %swap3A_517 = vector.shape_cast %add3A_512 : vector<16xf32> to vector<1x16xf32>
          tpu.vector_store %arg11[%swap3A_513, %swap3A_514], %swap3A_517 {strides = array<i32>} : memref<32x272xf32, #tpu.memory_space<vmem>>, vector<1x16xf32>,
          %get3A_518 = arith.index_cast %min3A_428 : i32 to index
          %get3A_519 = arith.constant 144 : index
          %get3A_520 = tpu.vector_load %arg11[%get3A_518, %get3A_519] {strides = array<i32>} : memref<32x272xf32, #tpu.memory_space<vmem>>, vector<1x16xf32>,
          %get3A_521 = vector.shape_cast %get3A_520 : vector<1x16xf32> to vector<16xf32>
          %add3A_522 = arith.addf %get3A_521, %scan3A_273 : vector<16xf32>
          %swap3A_523 = arith.index_cast %min3A_428 : i32 to index
          %swap3A_524 = arith.constant 144 : index
          %swap3A_525 = tpu.vector_load %arg11[%swap3A_523, %swap3A_524] {strides = array<i32>} : memref<32x272xf32, #tpu.memory_space<vmem>>, vector<1x16xf32>,
          %swap3A_526 = vector.shape_cast %swap3A_525 : vector<1x16xf32> to vector<16xf32>
          %swap3A_527 = vector.shape_cast %add3A_522 : vector<16xf32> to vector<1x16xf32>
          tpu.vector_store %arg11[%swap3A_523, %swap3A_524], %swap3A_527 {strides = array<i32>} : memref<32x272xf32, #tpu.memory_space<vmem>>, vector<1x16xf32>,
          %get3A_528 = arith.index_cast %min3A_428 : i32 to index
          %get3A_529 = arith.constant 160 : index
          %get3A_530 = tpu.vector_load %arg11[%get3A_528, %get3A_529] {strides = array<i32>} : memref<32x272xf32, #tpu.memory_space<vmem>>, vector<1x16xf32>,
          %get3A_531 = vector.shape_cast %get3A_530 : vector<1x16xf32> to vector<16xf32>
          %add3A_532 = arith.addf %get3A_531, %scan3A_274 : vector<16xf32>
          %swap3A_533 = arith.index_cast %min3A_428 : i32 to index
          %swap3A_534 = arith.constant 160 : index
          %swap3A_535 = tpu.vector_load %arg11[%swap3A_533, %swap3A_534] {strides = array<i32>} : memref<32x272xf32, #tpu.memory_space<vmem>>, vector<1x16xf32>,
          %swap3A_536 = vector.shape_cast %swap3A_535 : vector<1x16xf32> to vector<16xf32>
          %swap3A_537 = vector.shape_cast %add3A_532 : vector<16xf32> to vector<1x16xf32>
          tpu.vector_store %arg11[%swap3A_533, %swap3A_534], %swap3A_537 {strides = array<i32>} : memref<32x272xf32, #tpu.memory_space<vmem>>, vector<1x16xf32>,
          %get3A_538 = arith.index_cast %min3A_428 : i32 to index
          %get3A_539 = arith.constant 176 : index
          %get3A_540 = tpu.vector_load %arg11[%get3A_538, %get3A_539] {strides = array<i32>} : memref<32x272xf32, #tpu.memory_space<vmem>>, vector<1x16xf32>,
          %get3A_541 = vector.shape_cast %get3A_540 : vector<1x16xf32> to vector<16xf32>
          %add3A_542 = arith.addf %get3A_541, %scan3A_275 : vector<16xf32>
          %swap3A_543 = arith.index_cast %min3A_428 : i32 to index
          %swap3A_544 = arith.constant 176 : index
          %swap3A_545 = tpu.vector_load %arg11[%swap3A_543, %swap3A_544] {strides = array<i32>} : memref<32x272xf32, #tpu.memory_space<vmem>>, vector<1x16xf32>,
          %swap3A_546 = vector.shape_cast %swap3A_545 : vector<1x16xf32> to vector<16xf32>
          %swap3A_547 = vector.shape_cast %add3A_542 : vector<16xf32> to vector<1x16xf32>
          tpu.vector_store %arg11[%swap3A_543, %swap3A_544], %swap3A_547 {strides = array<i32>} : memref<32x272xf32, #tpu.memory_space<vmem>>, vector<1x16xf32>,
          %get3A_548 = arith.index_cast %min3A_428 : i32 to index
          %get3A_549 = arith.constant 192 : index
          %get3A_550 = tpu.vector_load %arg11[%get3A_548, %get3A_549] {strides = array<i32>} : memref<32x272xf32, #tpu.memory_space<vmem>>, vector<1x16xf32>,
          %get3A_551 = vector.shape_cast %get3A_550 : vector<1x16xf32> to vector<16xf32>
          %add3A_552 = arith.addf %get3A_551, %scan3A_276 : vector<16xf32>
          %swap3A_553 = arith.index_cast %min3A_428 : i32 to index
          %swap3A_554 = arith.constant 192 : index
          %swap3A_555 = tpu.vector_load %arg11[%swap3A_553, %swap3A_554] {strides = array<i32>} : memref<32x272xf32, #tpu.memory_space<vmem>>, vector<1x16xf32>,
          %swap3A_556 = vector.shape_cast %swap3A_555 : vector<1x16xf32> to vector<16xf32>
          %swap3A_557 = vector.shape_cast %add3A_552 : vector<16xf32> to vector<1x16xf32>
          tpu.vector_store %arg11[%swap3A_553, %swap3A_554], %swap3A_557 {strides = array<i32>} : memref<32x272xf32, #tpu.memory_space<vmem>>, vector<1x16xf32>,
          %get3A_558 = arith.index_cast %min3A_428 : i32 to index
          %get3A_559 = arith.constant 208 : index
          %get3A_560 = tpu.vector_load %arg11[%get3A_558, %get3A_559] {strides = array<i32>} : memref<32x272xf32, #tpu.memory_space<vmem>>, vector<1x16xf32>,
          %get3A_561 = vector.shape_cast %get3A_560 : vector<1x16xf32> to vector<16xf32>
          %add3A_562 = arith.addf %get3A_561, %scan3A_277 : vector<16xf32>
          %swap3A_563 = arith.index_cast %min3A_428 : i32 to index
          %swap3A_564 = arith.constant 208 : index
          %swap3A_565 = tpu.vector_load %arg11[%swap3A_563, %swap3A_564] {strides = array<i32>} : memref<32x272xf32, #tpu.memory_space<vmem>>, vector<1x16xf32>,
          %swap3A_566 = vector.shape_cast %swap3A_565 : vector<1x16xf32> to vector<16xf32>
          %swap3A_567 = vector.shape_cast %add3A_562 : vector<16xf32> to vector<1x16xf32>
          tpu.vector_store %arg11[%swap3A_563, %swap3A_564], %swap3A_567 {strides = array<i32>} : memref<32x272xf32, #tpu.memory_space<vmem>>, vector<1x16xf32>,
          %get3A_568 = arith.index_cast %min3A_428 : i32 to index
          %get3A_569 = arith.constant 224 : index
          %get3A_570 = tpu.vector_load %arg11[%get3A_568, %get3A_569] {strides = array<i32>} : memref<32x272xf32, #tpu.memory_space<vmem>>, vector<1x16xf32>,
          %get3A_571 = vector.shape_cast %get3A_570 : vector<1x16xf32> to vector<16xf32>
          %add3A_572 = arith.addf %get3A_571, %scan3A_278 : vector<16xf32>
          %swap3A_573 = arith.index_cast %min3A_428 : i32 to index
          %swap3A_574 = arith.constant 224 : index
          %swap3A_575 = tpu.vector_load %arg11[%swap3A_573, %swap3A_574] {strides = array<i32>} : memref<32x272xf32, #tpu.memory_space<vmem>>, vector<1x16xf32>,
          %swap3A_576 = vector.shape_cast %swap3A_575 : vector<1x16xf32> to vector<16xf32>
          %swap3A_577 = vector.shape_cast %add3A_572 : vector<16xf32> to vector<1x16xf32>
          tpu.vector_store %arg11[%swap3A_573, %swap3A_574], %swap3A_577 {strides = array<i32>} : memref<32x272xf32, #tpu.memory_space<vmem>>, vector<1x16xf32>,
          %get3A_578 = arith.index_cast %min3A_428 : i32 to index
          %get3A_579 = arith.constant 240 : index
          %get3A_580 = tpu.vector_load %arg11[%get3A_578, %get3A_579] {strides = array<i32>} : memref<32x272xf32, #tpu.memory_space<vmem>>, vector<1x16xf32>,
          %get3A_581 = vector.shape_cast %get3A_580 : vector<1x16xf32> to vector<16xf32>
          %add3A_582 = arith.addf %get3A_581, %scan3A_279 : vector<16xf32>
          %swap3A_583 = arith.index_cast %min3A_428 : i32 to index
          %swap3A_584 = arith.constant 240 : index
          %swap3A_585 = tpu.vector_load %arg11[%swap3A_583, %swap3A_584] {strides = array<i32>} : memref<32x272xf32, #tpu.memory_space<vmem>>, vector<1x16xf32>,
          %swap3A_586 = vector.shape_cast %swap3A_585 : vector<1x16xf32> to vector<16xf32>
          %swap3A_587 = vector.shape_cast %add3A_582 : vector<16xf32> to vector<1x16xf32>
          tpu.vector_store %arg11[%swap3A_583, %swap3A_584], %swap3A_587 {strides = array<i32>} : memref<32x272xf32, #tpu.memory_space<vmem>>, vector<1x16xf32>,
          %get3A_588 = arith.index_cast %min3A_428 : i32 to index
          %get3A_589 = arith.constant 256 : index
          %get3A_590 = tpu.vector_load %arg11[%get3A_588, %get3A_589] {strides = array<i32>} : memref<32x272xf32, #tpu.memory_space<vmem>>, vector<1x16xf32>,
          %get3A_591 = vector.shape_cast %get3A_590 : vector<1x16xf32> to vector<16xf32>
          %add3A_592 = arith.addf %get3A_591, %scan3A_280 : vector<16xf32>
          %swap3A_593 = arith.index_cast %min3A_428 : i32 to index
          %swap3A_594 = arith.constant 256 : index
          %swap3A_595 = tpu.vector_load %arg11[%swap3A_593, %swap3A_594] {strides = array<i32>} : memref<32x272xf32, #tpu.memory_space<vmem>>, vector<1x16xf32>,
          %swap3A_596 = vector.shape_cast %swap3A_595 : vector<1x16xf32> to vector<16xf32>
          %swap3A_597 = vector.shape_cast %add3A_592 : vector<16xf32> to vector<1x16xf32>
          tpu.vector_store %arg11[%swap3A_593, %swap3A_594], %swap3A_597 {strides = array<i32>} : memref<32x272xf32, #tpu.memory_space<vmem>>, vector<1x16xf32>,
        } else {
        }
        %jit3A_306 = arith.constant 0.000000e+00 : f32
        %jit3A_307 = arith.constant 1.000000e+00 : f32
        %select_n3A_308 = arith.select %ne3A_302, %jit3A_306, %jit3A_307 : f32
        %broadcast_in_dim3A_309 = vector.broadcast %select_n3A_308 : f32 to vector<16xf32>
        %mul3A_310 = arith.mulf %scan3A_264, %broadcast_in_dim3A_309 : vector<16xf32>
        %get3A_311 = arith.index_cast %scan3A_262 : i32 to index
        %get3A_312 = arith.constant 0 : index
        %get3A_313 = tpu.vector_load %arg7[%get3A_311, %get3A_312] {strides = array<i32>} : memref<128x256xf32, #tpu.memory_space<vmem>>, vector<1x16xf32>,
        %get3A_314 = vector.shape_cast %get3A_313 : vector<1x16xf32> to vector<16xf32>
        %mul3A_315 = arith.mulf %get3A_314, %mul3A_301 : vector<16xf32>
        %add3A_316 = arith.addf %mul3A_310, %mul3A_315 : vector<16xf32>
        %mul3A_317 = arith.mulf %scan3A_265, %broadcast_in_dim3A_309 : vector<16xf32>
        %get3A_318 = arith.index_cast %scan3A_262 : i32 to index
        %get3A_319 = arith.constant 16 : index
        %get3A_320 = tpu.vector_load %arg7[%get3A_318, %get3A_319] {strides = array<i32>} : memref<128x256xf32, #tpu.memory_space<vmem>>, vector<1x16xf32>,
        %get3A_321 = vector.shape_cast %get3A_320 : vector<1x16xf32> to vector<16xf32>
        %mul3A_322 = arith.mulf %get3A_321, %mul3A_301 : vector<16xf32>
        %add3A_323 = arith.addf %mul3A_317, %mul3A_322 : vector<16xf32>
        %mul3A_324 = arith.mulf %scan3A_266, %broadcast_in_dim3A_309 : vector<16xf32>
        %get3A_325 = arith.index_cast %scan3A_262 : i32 to index
        %get3A_326 = arith.constant 32 : index
        %get3A_327 = tpu.vector_load %arg7[%get3A_325, %get3A_326] {strides = array<i32>} : memref<128x256xf32, #tpu.memory_space<vmem>>, vector<1x16xf32>,
        %get3A_328 = vector.shape_cast %get3A_327 : vector<1x16xf32> to vector<16xf32>
        %mul3A_329 = arith.mulf %get3A_328, %mul3A_301 : vector<16xf32>
        %add3A_330 = arith.addf %mul3A_324, %mul3A_329 : vector<16xf32>
        %mul3A_331 = arith.mulf %scan3A_267, %broadcast_in_dim3A_309 : vector<16xf32>
        %get3A_332 = arith.index_cast %scan3A_262 : i32 to index
        %get3A_333 = arith.constant 48 : index
        %get3A_334 = tpu.vector_load %arg7[%get3A_332, %get3A_333] {strides = array<i32>} : memref<128x256xf32, #tpu.memory_space<vmem>>, vector<1x16xf32>,
        %get3A_335 = vector.shape_cast %get3A_334 : vector<1x16xf32> to vector<16xf32>
        %mul3A_336 = arith.mulf %get3A_335, %mul3A_301 : vector<16xf32>
        %add3A_337 = arith.addf %mul3A_331, %mul3A_336 : vector<16xf32>
        %mul3A_338 = arith.mulf %scan3A_268, %broadcast_in_dim3A_309 : vector<16xf32>
        %get3A_339 = arith.index_cast %scan3A_262 : i32 to index
        %get3A_340 = arith.constant 64 : index
        %get3A_341 = tpu.vector_load %arg7[%get3A_339, %get3A_340] {strides = array<i32>} : memref<128x256xf32, #tpu.memory_space<vmem>>, vector<1x16xf32>,
        %get3A_342 = vector.shape_cast %get3A_341 : vector<1x16xf32> to vector<16xf32>
        %mul3A_343 = arith.mulf %get3A_342, %mul3A_301 : vector<16xf32>
        %add3A_344 = arith.addf %mul3A_338, %mul3A_343 : vector<16xf32>
        %mul3A_345 = arith.mulf %scan3A_269, %broadcast_in_dim3A_309 : vector<16xf32>
        %get3A_346 = arith.index_cast %scan3A_262 : i32 to index
        %get3A_347 = arith.constant 80 : index
        %get3A_348 = tpu.vector_load %arg7[%get3A_346, %get3A_347] {strides = array<i32>} : memref<128x256xf32, #tpu.memory_space<vmem>>, vector<1x16xf32>,
        %get3A_349 = vector.shape_cast %get3A_348 : vector<1x16xf32> to vector<16xf32>
        %mul3A_350 = arith.mulf %get3A_349, %mul3A_301 : vector<16xf32>
        %add3A_351 = arith.addf %mul3A_345, %mul3A_350 : vector<16xf32>
        %mul3A_352 = arith.mulf %scan3A_270, %broadcast_in_dim3A_309 : vector<16xf32>
        %get3A_353 = arith.index_cast %scan3A_262 : i32 to index
        %get3A_354 = arith.constant 96 : index
        %get3A_355 = tpu.vector_load %arg7[%get3A_353, %get3A_354] {strides = array<i32>} : memref<128x256xf32, #tpu.memory_space<vmem>>, vector<1x16xf32>,
        %get3A_356 = vector.shape_cast %get3A_355 : vector<1x16xf32> to vector<16xf32>
        %mul3A_357 = arith.mulf %get3A_356, %mul3A_301 : vector<16xf32>
        %add3A_358 = arith.addf %mul3A_352, %mul3A_357 : vector<16xf32>
        %mul3A_359 = arith.mulf %scan3A_271, %broadcast_in_dim3A_309 : vector<16xf32>
        %get3A_360 = arith.index_cast %scan3A_262 : i32 to index
        %get3A_361 = arith.constant 112 : index
        %get3A_362 = tpu.vector_load %arg7[%get3A_360, %get3A_361] {strides = array<i32>} : memref<128x256xf32, #tpu.memory_space<vmem>>, vector<1x16xf32>,
        %get3A_363 = vector.shape_cast %get3A_362 : vector<1x16xf32> to vector<16xf32>
        %mul3A_364 = arith.mulf %get3A_363, %mul3A_301 : vector<16xf32>
        %add3A_365 = arith.addf %mul3A_359, %mul3A_364 : vector<16xf32>
        %mul3A_366 = arith.mulf %scan3A_272, %broadcast_in_dim3A_309 : vector<16xf32>
        %get3A_367 = arith.index_cast %scan3A_262 : i32 to index
        %get3A_368 = arith.constant 128 : index
        %get3A_369 = tpu.vector_load %arg7[%get3A_367, %get3A_368] {strides = array<i32>} : memref<128x256xf32, #tpu.memory_space<vmem>>, vector<1x16xf32>,
        %get3A_370 = vector.shape_cast %get3A_369 : vector<1x16xf32> to vector<16xf32>
        %mul3A_371 = arith.mulf %get3A_370, %mul3A_301 : vector<16xf32>
        %add3A_372 = arith.addf %mul3A_366, %mul3A_371 : vector<16xf32>
        %mul3A_373 = arith.mulf %scan3A_273, %broadcast_in_dim3A_309 : vector<16xf32>
        %get3A_374 = arith.index_cast %scan3A_262 : i32 to index
        %get3A_375 = arith.constant 144 : index
        %get3A_376 = tpu.vector_load %arg7[%get3A_374, %get3A_375] {strides = array<i32>} : memref<128x256xf32, #tpu.memory_space<vmem>>, vector<1x16xf32>,
        %get3A_377 = vector.shape_cast %get3A_376 : vector<1x16xf32> to vector<16xf32>
        %mul3A_378 = arith.mulf %get3A_377, %mul3A_301 : vector<16xf32>
        %add3A_379 = arith.addf %mul3A_373, %mul3A_378 : vector<16xf32>
        %mul3A_380 = arith.mulf %scan3A_274, %broadcast_in_dim3A_309 : vector<16xf32>
        %get3A_381 = arith.index_cast %scan3A_262 : i32 to index
        %get3A_382 = arith.constant 160 : index
        %get3A_383 = tpu.vector_load %arg7[%get3A_381, %get3A_382] {strides = array<i32>} : memref<128x256xf32, #tpu.memory_space<vmem>>, vector<1x16xf32>,
        %get3A_384 = vector.shape_cast %get3A_383 : vector<1x16xf32> to vector<16xf32>
        %mul3A_385 = arith.mulf %get3A_384, %mul3A_301 : vector<16xf32>
        %add3A_386 = arith.addf %mul3A_380, %mul3A_385 : vector<16xf32>
        %mul3A_387 = arith.mulf %scan3A_275, %broadcast_in_dim3A_309 : vector<16xf32>
        %get3A_388 = arith.index_cast %scan3A_262 : i32 to index
        %get3A_389 = arith.constant 176 : index
        %get3A_390 = tpu.vector_load %arg7[%get3A_388, %get3A_389] {strides = array<i32>} : memref<128x256xf32, #tpu.memory_space<vmem>>, vector<1x16xf32>,
        %get3A_391 = vector.shape_cast %get3A_390 : vector<1x16xf32> to vector<16xf32>
        %mul3A_392 = arith.mulf %get3A_391, %mul3A_301 : vector<16xf32>
        %add3A_393 = arith.addf %mul3A_387, %mul3A_392 : vector<16xf32>
        %mul3A_394 = arith.mulf %scan3A_276, %broadcast_in_dim3A_309 : vector<16xf32>
        %get3A_395 = arith.index_cast %scan3A_262 : i32 to index
        %get3A_396 = arith.constant 192 : index
        %get3A_397 = tpu.vector_load %arg7[%get3A_395, %get3A_396] {strides = array<i32>} : memref<128x256xf32, #tpu.memory_space<vmem>>, vector<1x16xf32>,
        %get3A_398 = vector.shape_cast %get3A_397 : vector<1x16xf32> to vector<16xf32>
        %mul3A_399 = arith.mulf %get3A_398, %mul3A_301 : vector<16xf32>
        %add3A_400 = arith.addf %mul3A_394, %mul3A_399 : vector<16xf32>
        %mul3A_401 = arith.mulf %scan3A_277, %broadcast_in_dim3A_309 : vector<16xf32>
        %get3A_402 = arith.index_cast %scan3A_262 : i32 to index
        %get3A_403 = arith.constant 208 : index
        %get3A_404 = tpu.vector_load %arg7[%get3A_402, %get3A_403] {strides = array<i32>} : memref<128x256xf32, #tpu.memory_space<vmem>>, vector<1x16xf32>,
        %get3A_405 = vector.shape_cast %get3A_404 : vector<1x16xf32> to vector<16xf32>
        %mul3A_406 = arith.mulf %get3A_405, %mul3A_301 : vector<16xf32>
        %add3A_407 = arith.addf %mul3A_401, %mul3A_406 : vector<16xf32>
        %mul3A_408 = arith.mulf %scan3A_278, %broadcast_in_dim3A_309 : vector<16xf32>
        %get3A_409 = arith.index_cast %scan3A_262 : i32 to index
        %get3A_410 = arith.constant 224 : index
        %get3A_411 = tpu.vector_load %arg7[%get3A_409, %get3A_410] {strides = array<i32>} : memref<128x256xf32, #tpu.memory_space<vmem>>, vector<1x16xf32>,
        %get3A_412 = vector.shape_cast %get3A_411 : vector<1x16xf32> to vector<16xf32>
        %mul3A_413 = arith.mulf %get3A_412, %mul3A_301 : vector<16xf32>
        %add3A_414 = arith.addf %mul3A_408, %mul3A_413 : vector<16xf32>
        %mul3A_415 = arith.mulf %scan3A_279, %broadcast_in_dim3A_309 : vector<16xf32>
        %get3A_416 = arith.index_cast %scan3A_262 : i32 to index
        %get3A_417 = arith.constant 240 : index
        %get3A_418 = tpu.vector_load %arg7[%get3A_416, %get3A_417] {strides = array<i32>} : memref<128x256xf32, #tpu.memory_space<vmem>>, vector<1x16xf32>,
        %get3A_419 = vector.shape_cast %get3A_418 : vector<1x16xf32> to vector<16xf32>
        %mul3A_420 = arith.mulf %get3A_419, %mul3A_301 : vector<16xf32>
        %add3A_421 = arith.addf %mul3A_415, %mul3A_420 : vector<16xf32>
        %mul3A_422 = arith.mulf %scan3A_280, %broadcast_in_dim3A_309 : vector<16xf32>
        %add3A_423 = arith.addf %mul3A_422, %mul3A_301 : vector<16xf32>
        scf.yield %squeeze3A_286, %add3A_316, %add3A_323, %add3A_330, %add3A_337, %add3A_344, %add3A_351, %add3A_358, %add3A_365, %add3A_372, %add3A_379, %add3A_386, %add3A_393, %add3A_400, %add3A_407, %add3A_414, %add3A_421, %add3A_423 : f32, vector<16xf32>, vector<16xf32>, vector<16xf32>, vector<16xf32>, vector<16xf32>, vector<16xf32>, vector<16xf32>, vector<16xf32>, vector<16xf32>, vector<16xf32>, vector<16xf32>, vector<16xf32>, vector<16xf32>, vector<16xf32>, vector<16xf32>, vector<16xf32>, vector<16xf32>
      }
      %scan3A_261 = arith.constant 128 : i32
      scf.yield %scan3A_260#0, %scan3A_260#1, %scan3A_260#2, %scan3A_260#3, %scan3A_260#4, %scan3A_260#5, %scan3A_260#6, %scan3A_260#7, %scan3A_260#8, %scan3A_260#9, %scan3A_260#10, %scan3A_260#11, %scan3A_260#12, %scan3A_260#13, %scan3A_260#14, %scan3A_260#15, %scan3A_260#16, %scan3A_260#17 : f32, vector<16xf32>, vector<16xf32>, vector<16xf32>, vector<16xf32>, vector<16xf32>, vector<16xf32>, vector<16xf32>, vector<16xf32>, vector<16xf32>, vector<16xf32>, vector<16xf32>, vector<16xf32>, vector<16xf32>, vector<16xf32>, vector<16xf32>, vector<16xf32>, vector<16xf32>
    }
    %dma_wait3A = arith.constant 0 : i32
    %dma_wait3A_147 = arith.constant 0 : i32
    %dma_wait3A_148 = tpu.memref_slice %arg2[%dma_wait3A, %dma_wait3A_147] : memref<160000x256xf32, #tpu.memory_space<hbm>> -> memref<128x256xf32, #tpu.memory_space<hbm>>
    %dma_wait3A_149 = arith.constant 0 : i32
    %dma_wait3A_150 = arith.constant 0 : i32
    %dma_wait3A_151 = tpu.memref_slice %arg2[%dma_wait3A_149, %dma_wait3A_150] : memref<160000x256xf32, #tpu.memory_space<hbm>> -> memref<128x256xf32, #tpu.memory_space<hbm>>
    tpu.wait_dma2 semaphore(%arg12 : memref<!tpu.dma_semaphore, #tpu.memory_space<semaphore_mem>>) src(%dma_wait3A_151 : memref<128x256xf32, #tpu.memory_space<hbm>>) dst(%arg6 : memref<128x256xf32, #tpu.memory_space<vmem>>)
    %dma_wait3A_152 = arith.constant 0 : i32
    %dma_wait3A_153 = arith.constant 0 : i32
    %dma_wait3A_154 = tpu.memref_slice %arg3[%dma_wait3A_152, %dma_wait3A_153] : memref<160000x32xf32, #tpu.memory_space<hbm>> -> memref<128x32xf32, #tpu.memory_space<hbm>>
    %dma_wait3A_155 = arith.constant 0 : i32
    %dma_wait3A_156 = arith.constant 0 : i32
    %dma_wait3A_157 = tpu.memref_slice %arg3[%dma_wait3A_155, %dma_wait3A_156] : memref<160000x32xf32, #tpu.memory_space<hbm>> -> memref<128x32xf32, #tpu.memory_space<hbm>>
    tpu.wait_dma2 semaphore(%arg14 : memref<!tpu.dma_semaphore, #tpu.memory_space<semaphore_mem>>) src(%dma_wait3A_157 : memref<128x32xf32, #tpu.memory_space<hbm>>) dst(%arg8 : memref<128x32xf32, #tpu.memory_space<vmem>>)
    %ge3A = arith.cmpf oge, %while3A_146#0, %convert_element_type3A : f32
    %add3A_158 = arith.constant 3.200000e+01 : f32
    %add3A_159 = arith.addf %convert_element_type3A, %add3A_158 : f32
    %lt3A = arith.cmpf olt, %while3A_146#0, %add3A_159 : f32
    %and3A_160 = arith.andi %ge3A, %lt3A : i1
    %convert_element_type3A_161 = arith.extui %and3A_160 : i1 to i32
    %cond3A = arith.constant 0 : i32
    %cond3A_162 = arith.cmpi ne, %convert_element_type3A_161, %cond3A : i32
    scf.if %cond3A_162 {
      %convert_element_type3A_170 = arith.fptosi %while3A_146#0 : f32 to i32
      %sub3A_171 = arith.subi %convert_element_type3A_170, %mul3A_2 : i32
      %jit3A_172 = arith.constant 0 : i32
      %jit3A_173 = arith.constant 31 : i32
      %max3A = arith.maxsi %jit3A_172, %sub3A_171 : i32
      %min3A_174 = arith.minsi %jit3A_173, %max3A : i32
      %get3A_175 = arith.index_cast %min3A_174 : i32 to index
      %get3A_176 = arith.constant 0 : index
      %get3A_177 = tpu.vector_load %arg11[%get3A_175, %get3A_176] {strides = array<i32>} : memref<32x272xf32, #tpu.memory_space<vmem>>, vector<1x16xf32>,
      %get3A_178 = vector.shape_cast %get3A_177 : vector<1x16xf32> to vector<16xf32>
      %add3A_179 = arith.addf %get3A_178, %while3A_146#1 : vector<16xf32>
      %swap3A = arith.index_cast %min3A_174 : i32 to index
      %swap3A_180 = arith.constant 0 : index
      %swap3A_181 = tpu.vector_load %arg11[%swap3A, %swap3A_180] {strides = array<i32>} : memref<32x272xf32, #tpu.memory_space<vmem>>, vector<1x16xf32>,
      %swap3A_182 = vector.shape_cast %swap3A_181 : vector<1x16xf32> to vector<16xf32>
      %swap3A_183 = vector.shape_cast %add3A_179 : vector<16xf32> to vector<1x16xf32>
      tpu.vector_store %arg11[%swap3A, %swap3A_180], %swap3A_183 {strides = array<i32>} : memref<32x272xf32, #tpu.memory_space<vmem>>, vector<1x16xf32>,
      %get3A_184 = arith.index_cast %min3A_174 : i32 to index
      %get3A_185 = arith.constant 16 : index
      %get3A_186 = tpu.vector_load %arg11[%get3A_184, %get3A_185] {strides = array<i32>} : memref<32x272xf32, #tpu.memory_space<vmem>>, vector<1x16xf32>,
      %get3A_187 = vector.shape_cast %get3A_186 : vector<1x16xf32> to vector<16xf32>
      %add3A_188 = arith.addf %get3A_187, %while3A_146#2 : vector<16xf32>
      %swap3A_189 = arith.index_cast %min3A_174 : i32 to index
      %swap3A_190 = arith.constant 16 : index
      %swap3A_191 = tpu.vector_load %arg11[%swap3A_189, %swap3A_190] {strides = array<i32>} : memref<32x272xf32, #tpu.memory_space<vmem>>, vector<1x16xf32>,
      %swap3A_192 = vector.shape_cast %swap3A_191 : vector<1x16xf32> to vector<16xf32>
      %swap3A_193 = vector.shape_cast %add3A_188 : vector<16xf32> to vector<1x16xf32>
      tpu.vector_store %arg11[%swap3A_189, %swap3A_190], %swap3A_193 {strides = array<i32>} : memref<32x272xf32, #tpu.memory_space<vmem>>, vector<1x16xf32>,
      %get3A_194 = arith.index_cast %min3A_174 : i32 to index
      %get3A_195 = arith.constant 32 : index
      %get3A_196 = tpu.vector_load %arg11[%get3A_194, %get3A_195] {strides = array<i32>} : memref<32x272xf32, #tpu.memory_space<vmem>>, vector<1x16xf32>,
      %get3A_197 = vector.shape_cast %get3A_196 : vector<1x16xf32> to vector<16xf32>
      %add3A_198 = arith.addf %get3A_197, %while3A_146#3 : vector<16xf32>
      %swap3A_199 = arith.index_cast %min3A_174 : i32 to index
      %swap3A_200 = arith.constant 32 : index
      %swap3A_201 = tpu.vector_load %arg11[%swap3A_199, %swap3A_200] {strides = array<i32>} : memref<32x272xf32, #tpu.memory_space<vmem>>, vector<1x16xf32>,
      %swap3A_202 = vector.shape_cast %swap3A_201 : vector<1x16xf32> to vector<16xf32>
      %swap3A_203 = vector.shape_cast %add3A_198 : vector<16xf32> to vector<1x16xf32>
      tpu.vector_store %arg11[%swap3A_199, %swap3A_200], %swap3A_203 {strides = array<i32>} : memref<32x272xf32, #tpu.memory_space<vmem>>, vector<1x16xf32>,
      %get3A_204 = arith.index_cast %min3A_174 : i32 to index
      %get3A_205 = arith.constant 48 : index
      %get3A_206 = tpu.vector_load %arg11[%get3A_204, %get3A_205] {strides = array<i32>} : memref<32x272xf32, #tpu.memory_space<vmem>>, vector<1x16xf32>,
      %get3A_207 = vector.shape_cast %get3A_206 : vector<1x16xf32> to vector<16xf32>
      %add3A_208 = arith.addf %get3A_207, %while3A_146#4 : vector<16xf32>
      %swap3A_209 = arith.index_cast %min3A_174 : i32 to index
      %swap3A_210 = arith.constant 48 : index
      %swap3A_211 = tpu.vector_load %arg11[%swap3A_209, %swap3A_210] {strides = array<i32>} : memref<32x272xf32, #tpu.memory_space<vmem>>, vector<1x16xf32>,
      %swap3A_212 = vector.shape_cast %swap3A_211 : vector<1x16xf32> to vector<16xf32>
      %swap3A_213 = vector.shape_cast %add3A_208 : vector<16xf32> to vector<1x16xf32>
      tpu.vector_store %arg11[%swap3A_209, %swap3A_210], %swap3A_213 {strides = array<i32>} : memref<32x272xf32, #tpu.memory_space<vmem>>, vector<1x16xf32>,
      %get3A_214 = arith.index_cast %min3A_174 : i32 to index
      %get3A_215 = arith.constant 64 : index
      %get3A_216 = tpu.vector_load %arg11[%get3A_214, %get3A_215] {strides = array<i32>} : memref<32x272xf32, #tpu.memory_space<vmem>>, vector<1x16xf32>,
      %get3A_217 = vector.shape_cast %get3A_216 : vector<1x16xf32> to vector<16xf32>
      %add3A_218 = arith.addf %get3A_217, %while3A_146#5 : vector<16xf32>
      %swap3A_219 = arith.index_cast %min3A_174 : i32 to index
      %swap3A_220 = arith.constant 64 : index
      %swap3A_221 = tpu.vector_load %arg11[%swap3A_219, %swap3A_220] {strides = array<i32>} : memref<32x272xf32, #tpu.memory_space<vmem>>, vector<1x16xf32>,
      %swap3A_222 = vector.shape_cast %swap3A_221 : vector<1x16xf32> to vector<16xf32>
      %swap3A_223 = vector.shape_cast %add3A_218 : vector<16xf32> to vector<1x16xf32>
      tpu.vector_store %arg11[%swap3A_219, %swap3A_220], %swap3A_223 {strides = array<i32>} : memref<32x272xf32, #tpu.memory_space<vmem>>, vector<1x16xf32>,
      %get3A_224 = arith.index_cast %min3A_174 : i32 to index
      %get3A_225 = arith.constant 80 : index
      %get3A_226 = tpu.vector_load %arg11[%get3A_224, %get3A_225] {strides = array<i32>} : memref<32x272xf32, #tpu.memory_space<vmem>>, vector<1x16xf32>,
      %get3A_227 = vector.shape_cast %get3A_226 : vector<1x16xf32> to vector<16xf32>
      %add3A_228 = arith.addf %get3A_227, %while3A_146#6 : vector<16xf32>
      %swap3A_229 = arith.index_cast %min3A_174 : i32 to index
      %swap3A_230 = arith.constant 80 : index
      %swap3A_231 = tpu.vector_load %arg11[%swap3A_229, %swap3A_230] {strides = array<i32>} : memref<32x272xf32, #tpu.memory_space<vmem>>, vector<1x16xf32>,
      %swap3A_232 = vector.shape_cast %swap3A_231 : vector<1x16xf32> to vector<16xf32>
      %swap3A_233 = vector.shape_cast %add3A_228 : vector<16xf32> to vector<1x16xf32>
      tpu.vector_store %arg11[%swap3A_229, %swap3A_230], %swap3A_233 {strides = array<i32>} : memref<32x272xf32, #tpu.memory_space<vmem>>, vector<1x16xf32>,
      %get3A_234 = arith.index_cast %min3A_174 : i32 to index
      %get3A_235 = arith.constant 96 : index
      %get3A_236 = tpu.vector_load %arg11[%get3A_234, %get3A_235] {strides = array<i32>} : memref<32x272xf32, #tpu.memory_space<vmem>>, vector<1x16xf32>,
      %get3A_237 = vector.shape_cast %get3A_236 : vector<1x16xf32> to vector<16xf32>
      %add3A_238 = arith.addf %get3A_237, %while3A_146#7 : vector<16xf32>
      %swap3A_239 = arith.index_cast %min3A_174 : i32 to index
      %swap3A_240 = arith.constant 96 : index
      %swap3A_241 = tpu.vector_load %arg11[%swap3A_239, %swap3A_240] {strides = array<i32>} : memref<32x272xf32, #tpu.memory_space<vmem>>, vector<1x16xf32>,
      %swap3A_242 = vector.shape_cast %swap3A_241 : vector<1x16xf32> to vector<16xf32>
      %swap3A_243 = vector.shape_cast %add3A_238 : vector<16xf32> to vector<1x16xf32>
      tpu.vector_store %arg11[%swap3A_239, %swap3A_240], %swap3A_243 {strides = array<i32>} : memref<32x272xf32, #tpu.memory_space<vmem>>, vector<1x16xf32>,
      %get3A_244 = arith.index_cast %min3A_174 : i32 to index
      %get3A_245 = arith.constant 112 : index
      %get3A_246 = tpu.vector_load %arg11[%get3A_244, %get3A_245] {strides = array<i32>} : memref<32x272xf32, #tpu.memory_space<vmem>>, vector<1x16xf32>,
      %get3A_247 = vector.shape_cast %get3A_246 : vector<1x16xf32> to vector<16xf32>
      %add3A_248 = arith.addf %get3A_247, %while3A_146#8 : vector<16xf32>
      %swap3A_249 = arith.index_cast %min3A_174 : i32 to index
      %swap3A_250 = arith.constant 112 : index
      %swap3A_251 = tpu.vector_load %arg11[%swap3A_249, %swap3A_250] {strides = array<i32>} : memref<32x272xf32, #tpu.memory_space<vmem>>, vector<1x16xf32>,
      %swap3A_252 = vector.shape_cast %swap3A_251 : vector<1x16xf32> to vector<16xf32>
      %swap3A_253 = vector.shape_cast %add3A_248 : vector<16xf32> to vector<1x16xf32>
      tpu.vector_store %arg11[%swap3A_249, %swap3A_250], %swap3A_253 {strides = array<i32>} : memref<32x272xf32, #tpu.memory_space<vmem>>, vector<1x16xf32>,
      %get3A_254 = arith.index_cast %min3A_174 : i32 to index
      %get3A_255 = arith.constant 128 : index
      %get3A_256 = tpu.vector_load %arg11[%get3A_254, %get3A_255] {strides = array<i32>} : memref<32x272xf32, #tpu.memory_space<vmem>>, vector<1x16xf32>,
      %get3A_257 = vector.shape_cast %get3A_256 : vector<1x16xf32> to vector<16xf32>
      %add3A_258 = arith.addf %get3A_257, %while3A_146#9 : vector<16xf32>
      %swap3A_259 = arith.index_cast %min3A_174 : i32 to index
      %swap3A_260 = arith.constant 128 : index
      %swap3A_261 = tpu.vector_load %arg11[%swap3A_259, %swap3A_260] {strides = array<i32>} : memref<32x272xf32, #tpu.memory_space<vmem>>, vector<1x16xf32>,
      %swap3A_262 = vector.shape_cast %swap3A_261 : vector<1x16xf32> to vector<16xf32>
      %swap3A_263 = vector.shape_cast %add3A_258 : vector<16xf32> to vector<1x16xf32>
      tpu.vector_store %arg11[%swap3A_259, %swap3A_260], %swap3A_263 {strides = array<i32>} : memref<32x272xf32, #tpu.memory_space<vmem>>, vector<1x16xf32>,
      %get3A_264 = arith.index_cast %min3A_174 : i32 to index
      %get3A_265 = arith.constant 144 : index
      %get3A_266 = tpu.vector_load %arg11[%get3A_264, %get3A_265] {strides = array<i32>} : memref<32x272xf32, #tpu.memory_space<vmem>>, vector<1x16xf32>,
      %get3A_267 = vector.shape_cast %get3A_266 : vector<1x16xf32> to vector<16xf32>
      %add3A_268 = arith.addf %get3A_267, %while3A_146#10 : vector<16xf32>
      %swap3A_269 = arith.index_cast %min3A_174 : i32 to index
      %swap3A_270 = arith.constant 144 : index
      %swap3A_271 = tpu.vector_load %arg11[%swap3A_269, %swap3A_270] {strides = array<i32>} : memref<32x272xf32, #tpu.memory_space<vmem>>, vector<1x16xf32>,
      %swap3A_272 = vector.shape_cast %swap3A_271 : vector<1x16xf32> to vector<16xf32>
      %swap3A_273 = vector.shape_cast %add3A_268 : vector<16xf32> to vector<1x16xf32>
      tpu.vector_store %arg11[%swap3A_269, %swap3A_270], %swap3A_273 {strides = array<i32>} : memref<32x272xf32, #tpu.memory_space<vmem>>, vector<1x16xf32>,
      %get3A_274 = arith.index_cast %min3A_174 : i32 to index
      %get3A_275 = arith.constant 160 : index
      %get3A_276 = tpu.vector_load %arg11[%get3A_274, %get3A_275] {strides = array<i32>} : memref<32x272xf32, #tpu.memory_space<vmem>>, vector<1x16xf32>,
      %get3A_277 = vector.shape_cast %get3A_276 : vector<1x16xf32> to vector<16xf32>
      %add3A_278 = arith.addf %get3A_277, %while3A_146#11 : vector<16xf32>
      %swap3A_279 = arith.index_cast %min3A_174 : i32 to index
      %swap3A_280 = arith.constant 160 : index
      %swap3A_281 = tpu.vector_load %arg11[%swap3A_279, %swap3A_280] {strides = array<i32>} : memref<32x272xf32, #tpu.memory_space<vmem>>, vector<1x16xf32>,
      %swap3A_282 = vector.shape_cast %swap3A_281 : vector<1x16xf32> to vector<16xf32>
      %swap3A_283 = vector.shape_cast %add3A_278 : vector<16xf32> to vector<1x16xf32>
      tpu.vector_store %arg11[%swap3A_279, %swap3A_280], %swap3A_283 {strides = array<i32>} : memref<32x272xf32, #tpu.memory_space<vmem>>, vector<1x16xf32>,
      %get3A_284 = arith.index_cast %min3A_174 : i32 to index
      %get3A_285 = arith.constant 176 : index
      %get3A_286 = tpu.vector_load %arg11[%get3A_284, %get3A_285] {strides = array<i32>} : memref<32x272xf32, #tpu.memory_space<vmem>>, vector<1x16xf32>,
      %get3A_287 = vector.shape_cast %get3A_286 : vector<1x16xf32> to vector<16xf32>
      %add3A_288 = arith.addf %get3A_287, %while3A_146#12 : vector<16xf32>
      %swap3A_289 = arith.index_cast %min3A_174 : i32 to index
      %swap3A_290 = arith.constant 176 : index
      %swap3A_291 = tpu.vector_load %arg11[%swap3A_289, %swap3A_290] {strides = array<i32>} : memref<32x272xf32, #tpu.memory_space<vmem>>, vector<1x16xf32>,
      %swap3A_292 = vector.shape_cast %swap3A_291 : vector<1x16xf32> to vector<16xf32>
      %swap3A_293 = vector.shape_cast %add3A_288 : vector<16xf32> to vector<1x16xf32>
      tpu.vector_store %arg11[%swap3A_289, %swap3A_290], %swap3A_293 {strides = array<i32>} : memref<32x272xf32, #tpu.memory_space<vmem>>, vector<1x16xf32>,
      %get3A_294 = arith.index_cast %min3A_174 : i32 to index
      %get3A_295 = arith.constant 192 : index
      %get3A_296 = tpu.vector_load %arg11[%get3A_294, %get3A_295] {strides = array<i32>} : memref<32x272xf32, #tpu.memory_space<vmem>>, vector<1x16xf32>,
      %get3A_297 = vector.shape_cast %get3A_296 : vector<1x16xf32> to vector<16xf32>
      %add3A_298 = arith.addf %get3A_297, %while3A_146#13 : vector<16xf32>
      %swap3A_299 = arith.index_cast %min3A_174 : i32 to index
      %swap3A_300 = arith.constant 192 : index
      %swap3A_301 = tpu.vector_load %arg11[%swap3A_299, %swap3A_300] {strides = array<i32>} : memref<32x272xf32, #tpu.memory_space<vmem>>, vector<1x16xf32>,
      %swap3A_302 = vector.shape_cast %swap3A_301 : vector<1x16xf32> to vector<16xf32>
      %swap3A_303 = vector.shape_cast %add3A_298 : vector<16xf32> to vector<1x16xf32>
      tpu.vector_store %arg11[%swap3A_299, %swap3A_300], %swap3A_303 {strides = array<i32>} : memref<32x272xf32, #tpu.memory_space<vmem>>, vector<1x16xf32>,
      %get3A_304 = arith.index_cast %min3A_174 : i32 to index
      %get3A_305 = arith.constant 208 : index
      %get3A_306 = tpu.vector_load %arg11[%get3A_304, %get3A_305] {strides = array<i32>} : memref<32x272xf32, #tpu.memory_space<vmem>>, vector<1x16xf32>,
      %get3A_307 = vector.shape_cast %get3A_306 : vector<1x16xf32> to vector<16xf32>
      %add3A_308 = arith.addf %get3A_307, %while3A_146#14 : vector<16xf32>
      %swap3A_309 = arith.index_cast %min3A_174 : i32 to index
      %swap3A_310 = arith.constant 208 : index
      %swap3A_311 = tpu.vector_load %arg11[%swap3A_309, %swap3A_310] {strides = array<i32>} : memref<32x272xf32, #tpu.memory_space<vmem>>, vector<1x16xf32>,
      %swap3A_312 = vector.shape_cast %swap3A_311 : vector<1x16xf32> to vector<16xf32>
      %swap3A_313 = vector.shape_cast %add3A_308 : vector<16xf32> to vector<1x16xf32>
      tpu.vector_store %arg11[%swap3A_309, %swap3A_310], %swap3A_313 {strides = array<i32>} : memref<32x272xf32, #tpu.memory_space<vmem>>, vector<1x16xf32>,
      %get3A_314 = arith.index_cast %min3A_174 : i32 to index
      %get3A_315 = arith.constant 224 : index
      %get3A_316 = tpu.vector_load %arg11[%get3A_314, %get3A_315] {strides = array<i32>} : memref<32x272xf32, #tpu.memory_space<vmem>>, vector<1x16xf32>,
      %get3A_317 = vector.shape_cast %get3A_316 : vector<1x16xf32> to vector<16xf32>
      %add3A_318 = arith.addf %get3A_317, %while3A_146#15 : vector<16xf32>
      %swap3A_319 = arith.index_cast %min3A_174 : i32 to index
      %swap3A_320 = arith.constant 224 : index
      %swap3A_321 = tpu.vector_load %arg11[%swap3A_319, %swap3A_320] {strides = array<i32>} : memref<32x272xf32, #tpu.memory_space<vmem>>, vector<1x16xf32>,
      %swap3A_322 = vector.shape_cast %swap3A_321 : vector<1x16xf32> to vector<16xf32>
      %swap3A_323 = vector.shape_cast %add3A_318 : vector<16xf32> to vector<1x16xf32>
      tpu.vector_store %arg11[%swap3A_319, %swap3A_320], %swap3A_323 {strides = array<i32>} : memref<32x272xf32, #tpu.memory_space<vmem>>, vector<1x16xf32>,
      %get3A_324 = arith.index_cast %min3A_174 : i32 to index
      %get3A_325 = arith.constant 240 : index
      %get3A_326 = tpu.vector_load %arg11[%get3A_324, %get3A_325] {strides = array<i32>} : memref<32x272xf32, #tpu.memory_space<vmem>>, vector<1x16xf32>,
      %get3A_327 = vector.shape_cast %get3A_326 : vector<1x16xf32> to vector<16xf32>
      %add3A_328 = arith.addf %get3A_327, %while3A_146#16 : vector<16xf32>
      %swap3A_329 = arith.index_cast %min3A_174 : i32 to index
      %swap3A_330 = arith.constant 240 : index
      %swap3A_331 = tpu.vector_load %arg11[%swap3A_329, %swap3A_330] {strides = array<i32>} : memref<32x272xf32, #tpu.memory_space<vmem>>, vector<1x16xf32>,
      %swap3A_332 = vector.shape_cast %swap3A_331 : vector<1x16xf32> to vector<16xf32>
      %swap3A_333 = vector.shape_cast %add3A_328 : vector<16xf32> to vector<1x16xf32>
      tpu.vector_store %arg11[%swap3A_329, %swap3A_330], %swap3A_333 {strides = array<i32>} : memref<32x272xf32, #tpu.memory_space<vmem>>, vector<1x16xf32>,
      %get3A_334 = arith.index_cast %min3A_174 : i32 to index
      %get3A_335 = arith.constant 256 : index
      %get3A_336 = tpu.vector_load %arg11[%get3A_334, %get3A_335] {strides = array<i32>} : memref<32x272xf32, #tpu.memory_space<vmem>>, vector<1x16xf32>,
      %get3A_337 = vector.shape_cast %get3A_336 : vector<1x16xf32> to vector<16xf32>
      %add3A_338 = arith.addf %get3A_337, %while3A_146#17 : vector<16xf32>
      %swap3A_339 = arith.index_cast %min3A_174 : i32 to index
      %swap3A_340 = arith.constant 256 : index
      %swap3A_341 = tpu.vector_load %arg11[%swap3A_339, %swap3A_340] {strides = array<i32>} : memref<32x272xf32, #tpu.memory_space<vmem>>, vector<1x16xf32>,
      %swap3A_342 = vector.shape_cast %swap3A_341 : vector<1x16xf32> to vector<16xf32>
      %swap3A_343 = vector.shape_cast %add3A_338 : vector<16xf32> to vector<1x16xf32>
      tpu.vector_store %arg11[%swap3A_339, %swap3A_340], %swap3A_343 {strides = array<i32>} : memref<32x272xf32, #tpu.memory_space<vmem>>, vector<1x16xf32>,
    } else {
    }
    %scan3A_163 = arith.constant 0 : i32
    %scan3A_164 = arith.constant 0 : i32
    %scan3A_165 = arith.constant 32 : i32
    %scan3A_166 = arith.addi %scan3A_164, %scan3A_165 : i32
    %scan3A_167 = arith.constant 1 : i32
    %scan3A_168 = scf.for %scan3A_170 = %scan3A_164 to %scan3A_166 step %scan3A_167 iter_args(%scan3A_171 = %scan3A_163) -> (i32)  : i32 {
      %get3A_172 = arith.index_cast %scan3A_170 : i32 to index
      %get3A_173 = arith.constant 256 : index
      %get3A_174 = tpu.vector_load %arg11[%get3A_172, %get3A_173] {strides = array<i32>} : memref<32x272xf32, #tpu.memory_space<vmem>>, vector<1x16xf32>,
      %get3A_175 = vector.shape_cast %get3A_174 : vector<1x16xf32> to vector<16xf32>
      %gt3A = arith.constant 0.000000e+00 : f32
      %gt3A_176 = vector.broadcast %gt3A : f32 to vector<16xf32>
      %gt3A_177 = arith.cmpf ogt, %get3A_175, %gt3A_176 : vector<16xf32>
      %div3A_178 = arith.constant 1.000000e+00 : f32
      %div3A_179 = vector.broadcast %div3A_178 : f32 to vector<16xf32>
      %div3A_180 = arith.divf %div3A_179, %get3A_175 : vector<16xf32>
      %jit3A_181 = arith.constant 0.000000e+00 : f32
      %broadcast_in_dim3A_182 = vector.broadcast %jit3A_181 : f32 to vector<16xf32>
      %select_n3A_183 = arith.select %gt3A_177, %div3A_180, %broadcast_in_dim3A_182 : vector<16xi1>, vector<16xf32>
      %get3A_184 = arith.index_cast %scan3A_170 : i32 to index
      %get3A_185 = arith.constant 0 : index
      %get3A_186 = tpu.vector_load %arg11[%get3A_184, %get3A_185] {strides = array<i32>} : memref<32x272xf32, #tpu.memory_space<vmem>>, vector<1x16xf32>,
      %get3A_187 = vector.shape_cast %get3A_186 : vector<1x16xf32> to vector<16xf32>
      %mul3A_188 = arith.mulf %get3A_187, %select_n3A_183 : vector<16xf32>
      %swap3A = arith.index_cast %scan3A_170 : i32 to index
      %swap3A_189 = arith.constant 0 : index
      %swap3A_190 = tpu.vector_load %arg11[%swap3A, %swap3A_189] {strides = array<i32>} : memref<32x272xf32, #tpu.memory_space<vmem>>, vector<1x16xf32>,
      %swap3A_191 = vector.shape_cast %swap3A_190 : vector<1x16xf32> to vector<16xf32>
      %swap3A_192 = vector.shape_cast %mul3A_188 : vector<16xf32> to vector<1x16xf32>
      tpu.vector_store %arg11[%swap3A, %swap3A_189], %swap3A_192 {strides = array<i32>} : memref<32x272xf32, #tpu.memory_space<vmem>>, vector<1x16xf32>,
      %get3A_193 = arith.index_cast %scan3A_170 : i32 to index
      %get3A_194 = arith.constant 16 : index
      %get3A_195 = tpu.vector_load %arg11[%get3A_193, %get3A_194] {strides = array<i32>} : memref<32x272xf32, #tpu.memory_space<vmem>>, vector<1x16xf32>,
      %get3A_196 = vector.shape_cast %get3A_195 : vector<1x16xf32> to vector<16xf32>
      %mul3A_197 = arith.mulf %get3A_196, %select_n3A_183 : vector<16xf32>
      %swap3A_198 = arith.index_cast %scan3A_170 : i32 to index
      %swap3A_199 = arith.constant 16 : index
      %swap3A_200 = tpu.vector_load %arg11[%swap3A_198, %swap3A_199] {strides = array<i32>} : memref<32x272xf32, #tpu.memory_space<vmem>>, vector<1x16xf32>,
      %swap3A_201 = vector.shape_cast %swap3A_200 : vector<1x16xf32> to vector<16xf32>
      %swap3A_202 = vector.shape_cast %mul3A_197 : vector<16xf32> to vector<1x16xf32>
      tpu.vector_store %arg11[%swap3A_198, %swap3A_199], %swap3A_202 {strides = array<i32>} : memref<32x272xf32, #tpu.memory_space<vmem>>, vector<1x16xf32>,
      %get3A_203 = arith.index_cast %scan3A_170 : i32 to index
      %get3A_204 = arith.constant 32 : index
      %get3A_205 = tpu.vector_load %arg11[%get3A_203, %get3A_204] {strides = array<i32>} : memref<32x272xf32, #tpu.memory_space<vmem>>, vector<1x16xf32>,
      %get3A_206 = vector.shape_cast %get3A_205 : vector<1x16xf32> to vector<16xf32>
      %mul3A_207 = arith.mulf %get3A_206, %select_n3A_183 : vector<16xf32>
      %swap3A_208 = arith.index_cast %scan3A_170 : i32 to index
      %swap3A_209 = arith.constant 32 : index
      %swap3A_210 = tpu.vector_load %arg11[%swap3A_208, %swap3A_209] {strides = array<i32>} : memref<32x272xf32, #tpu.memory_space<vmem>>, vector<1x16xf32>,
      %swap3A_211 = vector.shape_cast %swap3A_210 : vector<1x16xf32> to vector<16xf32>
      %swap3A_212 = vector.shape_cast %mul3A_207 : vector<16xf32> to vector<1x16xf32>
      tpu.vector_store %arg11[%swap3A_208, %swap3A_209], %swap3A_212 {strides = array<i32>} : memref<32x272xf32, #tpu.memory_space<vmem>>, vector<1x16xf32>,
      %get3A_213 = arith.index_cast %scan3A_170 : i32 to index
      %get3A_214 = arith.constant 48 : index
      %get3A_215 = tpu.vector_load %arg11[%get3A_213, %get3A_214] {strides = array<i32>} : memref<32x272xf32, #tpu.memory_space<vmem>>, vector<1x16xf32>,
      %get3A_216 = vector.shape_cast %get3A_215 : vector<1x16xf32> to vector<16xf32>
      %mul3A_217 = arith.mulf %get3A_216, %select_n3A_183 : vector<16xf32>
      %swap3A_218 = arith.index_cast %scan3A_170 : i32 to index
      %swap3A_219 = arith.constant 48 : index
      %swap3A_220 = tpu.vector_load %arg11[%swap3A_218, %swap3A_219] {strides = array<i32>} : memref<32x272xf32, #tpu.memory_space<vmem>>, vector<1x16xf32>,
      %swap3A_221 = vector.shape_cast %swap3A_220 : vector<1x16xf32> to vector<16xf32>
      %swap3A_222 = vector.shape_cast %mul3A_217 : vector<16xf32> to vector<1x16xf32>
      tpu.vector_store %arg11[%swap3A_218, %swap3A_219], %swap3A_222 {strides = array<i32>} : memref<32x272xf32, #tpu.memory_space<vmem>>, vector<1x16xf32>,
      %get3A_223 = arith.index_cast %scan3A_170 : i32 to index
      %get3A_224 = arith.constant 64 : index
      %get3A_225 = tpu.vector_load %arg11[%get3A_223, %get3A_224] {strides = array<i32>} : memref<32x272xf32, #tpu.memory_space<vmem>>, vector<1x16xf32>,
      %get3A_226 = vector.shape_cast %get3A_225 : vector<1x16xf32> to vector<16xf32>
      %mul3A_227 = arith.mulf %get3A_226, %select_n3A_183 : vector<16xf32>
      %swap3A_228 = arith.index_cast %scan3A_170 : i32 to index
      %swap3A_229 = arith.constant 64 : index
      %swap3A_230 = tpu.vector_load %arg11[%swap3A_228, %swap3A_229] {strides = array<i32>} : memref<32x272xf32, #tpu.memory_space<vmem>>, vector<1x16xf32>,
      %swap3A_231 = vector.shape_cast %swap3A_230 : vector<1x16xf32> to vector<16xf32>
      %swap3A_232 = vector.shape_cast %mul3A_227 : vector<16xf32> to vector<1x16xf32>
      tpu.vector_store %arg11[%swap3A_228, %swap3A_229], %swap3A_232 {strides = array<i32>} : memref<32x272xf32, #tpu.memory_space<vmem>>, vector<1x16xf32>,
      %get3A_233 = arith.index_cast %scan3A_170 : i32 to index
      %get3A_234 = arith.constant 80 : index
      %get3A_235 = tpu.vector_load %arg11[%get3A_233, %get3A_234] {strides = array<i32>} : memref<32x272xf32, #tpu.memory_space<vmem>>, vector<1x16xf32>,
      %get3A_236 = vector.shape_cast %get3A_235 : vector<1x16xf32> to vector<16xf32>
      %mul3A_237 = arith.mulf %get3A_236, %select_n3A_183 : vector<16xf32>
      %swap3A_238 = arith.index_cast %scan3A_170 : i32 to index
      %swap3A_239 = arith.constant 80 : index
      %swap3A_240 = tpu.vector_load %arg11[%swap3A_238, %swap3A_239] {strides = array<i32>} : memref<32x272xf32, #tpu.memory_space<vmem>>, vector<1x16xf32>,
      %swap3A_241 = vector.shape_cast %swap3A_240 : vector<1x16xf32> to vector<16xf32>
      %swap3A_242 = vector.shape_cast %mul3A_237 : vector<16xf32> to vector<1x16xf32>
      tpu.vector_store %arg11[%swap3A_238, %swap3A_239], %swap3A_242 {strides = array<i32>} : memref<32x272xf32, #tpu.memory_space<vmem>>, vector<1x16xf32>,
      %get3A_243 = arith.index_cast %scan3A_170 : i32 to index
      %get3A_244 = arith.constant 96 : index
      %get3A_245 = tpu.vector_load %arg11[%get3A_243, %get3A_244] {strides = array<i32>} : memref<32x272xf32, #tpu.memory_space<vmem>>, vector<1x16xf32>,
      %get3A_246 = vector.shape_cast %get3A_245 : vector<1x16xf32> to vector<16xf32>
      %mul3A_247 = arith.mulf %get3A_246, %select_n3A_183 : vector<16xf32>
      %swap3A_248 = arith.index_cast %scan3A_170 : i32 to index
      %swap3A_249 = arith.constant 96 : index
      %swap3A_250 = tpu.vector_load %arg11[%swap3A_248, %swap3A_249] {strides = array<i32>} : memref<32x272xf32, #tpu.memory_space<vmem>>, vector<1x16xf32>,
      %swap3A_251 = vector.shape_cast %swap3A_250 : vector<1x16xf32> to vector<16xf32>
      %swap3A_252 = vector.shape_cast %mul3A_247 : vector<16xf32> to vector<1x16xf32>
      tpu.vector_store %arg11[%swap3A_248, %swap3A_249], %swap3A_252 {strides = array<i32>} : memref<32x272xf32, #tpu.memory_space<vmem>>, vector<1x16xf32>,
      %get3A_253 = arith.index_cast %scan3A_170 : i32 to index
      %get3A_254 = arith.constant 112 : index
      %get3A_255 = tpu.vector_load %arg11[%get3A_253, %get3A_254] {strides = array<i32>} : memref<32x272xf32, #tpu.memory_space<vmem>>, vector<1x16xf32>,
      %get3A_256 = vector.shape_cast %get3A_255 : vector<1x16xf32> to vector<16xf32>
      %mul3A_257 = arith.mulf %get3A_256, %select_n3A_183 : vector<16xf32>
      %swap3A_258 = arith.index_cast %scan3A_170 : i32 to index
      %swap3A_259 = arith.constant 112 : index
      %swap3A_260 = tpu.vector_load %arg11[%swap3A_258, %swap3A_259] {strides = array<i32>} : memref<32x272xf32, #tpu.memory_space<vmem>>, vector<1x16xf32>,
      %swap3A_261 = vector.shape_cast %swap3A_260 : vector<1x16xf32> to vector<16xf32>
      %swap3A_262 = vector.shape_cast %mul3A_257 : vector<16xf32> to vector<1x16xf32>
      tpu.vector_store %arg11[%swap3A_258, %swap3A_259], %swap3A_262 {strides = array<i32>} : memref<32x272xf32, #tpu.memory_space<vmem>>, vector<1x16xf32>,
      %get3A_263 = arith.index_cast %scan3A_170 : i32 to index
      %get3A_264 = arith.constant 128 : index
      %get3A_265 = tpu.vector_load %arg11[%get3A_263, %get3A_264] {strides = array<i32>} : memref<32x272xf32, #tpu.memory_space<vmem>>, vector<1x16xf32>,
      %get3A_266 = vector.shape_cast %get3A_265 : vector<1x16xf32> to vector<16xf32>
      %mul3A_267 = arith.mulf %get3A_266, %select_n3A_183 : vector<16xf32>
      %swap3A_268 = arith.index_cast %scan3A_170 : i32 to index
      %swap3A_269 = arith.constant 128 : index
      %swap3A_270 = tpu.vector_load %arg11[%swap3A_268, %swap3A_269] {strides = array<i32>} : memref<32x272xf32, #tpu.memory_space<vmem>>, vector<1x16xf32>,
      %swap3A_271 = vector.shape_cast %swap3A_270 : vector<1x16xf32> to vector<16xf32>
      %swap3A_272 = vector.shape_cast %mul3A_267 : vector<16xf32> to vector<1x16xf32>
      tpu.vector_store %arg11[%swap3A_268, %swap3A_269], %swap3A_272 {strides = array<i32>} : memref<32x272xf32, #tpu.memory_space<vmem>>, vector<1x16xf32>,
      %get3A_273 = arith.index_cast %scan3A_170 : i32 to index
      %get3A_274 = arith.constant 144 : index
      %get3A_275 = tpu.vector_load %arg11[%get3A_273, %get3A_274] {strides = array<i32>} : memref<32x272xf32, #tpu.memory_space<vmem>>, vector<1x16xf32>,
      %get3A_276 = vector.shape_cast %get3A_275 : vector<1x16xf32> to vector<16xf32>
      %mul3A_277 = arith.mulf %get3A_276, %select_n3A_183 : vector<16xf32>
      %swap3A_278 = arith.index_cast %scan3A_170 : i32 to index
      %swap3A_279 = arith.constant 144 : index
      %swap3A_280 = tpu.vector_load %arg11[%swap3A_278, %swap3A_279] {strides = array<i32>} : memref<32x272xf32, #tpu.memory_space<vmem>>, vector<1x16xf32>,
      %swap3A_281 = vector.shape_cast %swap3A_280 : vector<1x16xf32> to vector<16xf32>
      %swap3A_282 = vector.shape_cast %mul3A_277 : vector<16xf32> to vector<1x16xf32>
      tpu.vector_store %arg11[%swap3A_278, %swap3A_279], %swap3A_282 {strides = array<i32>} : memref<32x272xf32, #tpu.memory_space<vmem>>, vector<1x16xf32>,
      %get3A_283 = arith.index_cast %scan3A_170 : i32 to index
      %get3A_284 = arith.constant 160 : index
      %get3A_285 = tpu.vector_load %arg11[%get3A_283, %get3A_284] {strides = array<i32>} : memref<32x272xf32, #tpu.memory_space<vmem>>, vector<1x16xf32>,
      %get3A_286 = vector.shape_cast %get3A_285 : vector<1x16xf32> to vector<16xf32>
      %mul3A_287 = arith.mulf %get3A_286, %select_n3A_183 : vector<16xf32>
      %swap3A_288 = arith.index_cast %scan3A_170 : i32 to index
      %swap3A_289 = arith.constant 160 : index
      %swap3A_290 = tpu.vector_load %arg11[%swap3A_288, %swap3A_289] {strides = array<i32>} : memref<32x272xf32, #tpu.memory_space<vmem>>, vector<1x16xf32>,
      %swap3A_291 = vector.shape_cast %swap3A_290 : vector<1x16xf32> to vector<16xf32>
      %swap3A_292 = vector.shape_cast %mul3A_287 : vector<16xf32> to vector<1x16xf32>
      tpu.vector_store %arg11[%swap3A_288, %swap3A_289], %swap3A_292 {strides = array<i32>} : memref<32x272xf32, #tpu.memory_space<vmem>>, vector<1x16xf32>,
      %get3A_293 = arith.index_cast %scan3A_170 : i32 to index
      %get3A_294 = arith.constant 176 : index
      %get3A_295 = tpu.vector_load %arg11[%get3A_293, %get3A_294] {strides = array<i32>} : memref<32x272xf32, #tpu.memory_space<vmem>>, vector<1x16xf32>,
      %get3A_296 = vector.shape_cast %get3A_295 : vector<1x16xf32> to vector<16xf32>
      %mul3A_297 = arith.mulf %get3A_296, %select_n3A_183 : vector<16xf32>
      %swap3A_298 = arith.index_cast %scan3A_170 : i32 to index
      %swap3A_299 = arith.constant 176 : index
      %swap3A_300 = tpu.vector_load %arg11[%swap3A_298, %swap3A_299] {strides = array<i32>} : memref<32x272xf32, #tpu.memory_space<vmem>>, vector<1x16xf32>,
      %swap3A_301 = vector.shape_cast %swap3A_300 : vector<1x16xf32> to vector<16xf32>
      %swap3A_302 = vector.shape_cast %mul3A_297 : vector<16xf32> to vector<1x16xf32>
      tpu.vector_store %arg11[%swap3A_298, %swap3A_299], %swap3A_302 {strides = array<i32>} : memref<32x272xf32, #tpu.memory_space<vmem>>, vector<1x16xf32>,
      %get3A_303 = arith.index_cast %scan3A_170 : i32 to index
      %get3A_304 = arith.constant 192 : index
      %get3A_305 = tpu.vector_load %arg11[%get3A_303, %get3A_304] {strides = array<i32>} : memref<32x272xf32, #tpu.memory_space<vmem>>, vector<1x16xf32>,
      %get3A_306 = vector.shape_cast %get3A_305 : vector<1x16xf32> to vector<16xf32>
      %mul3A_307 = arith.mulf %get3A_306, %select_n3A_183 : vector<16xf32>
      %swap3A_308 = arith.index_cast %scan3A_170 : i32 to index
      %swap3A_309 = arith.constant 192 : index
      %swap3A_310 = tpu.vector_load %arg11[%swap3A_308, %swap3A_309] {strides = array<i32>} : memref<32x272xf32, #tpu.memory_space<vmem>>, vector<1x16xf32>,
      %swap3A_311 = vector.shape_cast %swap3A_310 : vector<1x16xf32> to vector<16xf32>
      %swap3A_312 = vector.shape_cast %mul3A_307 : vector<16xf32> to vector<1x16xf32>
      tpu.vector_store %arg11[%swap3A_308, %swap3A_309], %swap3A_312 {strides = array<i32>} : memref<32x272xf32, #tpu.memory_space<vmem>>, vector<1x16xf32>,
      %get3A_313 = arith.index_cast %scan3A_170 : i32 to index
      %get3A_314 = arith.constant 208 : index
      %get3A_315 = tpu.vector_load %arg11[%get3A_313, %get3A_314] {strides = array<i32>} : memref<32x272xf32, #tpu.memory_space<vmem>>, vector<1x16xf32>,
      %get3A_316 = vector.shape_cast %get3A_315 : vector<1x16xf32> to vector<16xf32>
      %mul3A_317 = arith.mulf %get3A_316, %select_n3A_183 : vector<16xf32>
      %swap3A_318 = arith.index_cast %scan3A_170 : i32 to index
      %swap3A_319 = arith.constant 208 : index
      %swap3A_320 = tpu.vector_load %arg11[%swap3A_318, %swap3A_319] {strides = array<i32>} : memref<32x272xf32, #tpu.memory_space<vmem>>, vector<1x16xf32>,
      %swap3A_321 = vector.shape_cast %swap3A_320 : vector<1x16xf32> to vector<16xf32>
      %swap3A_322 = vector.shape_cast %mul3A_317 : vector<16xf32> to vector<1x16xf32>
      tpu.vector_store %arg11[%swap3A_318, %swap3A_319], %swap3A_322 {strides = array<i32>} : memref<32x272xf32, #tpu.memory_space<vmem>>, vector<1x16xf32>,
      %get3A_323 = arith.index_cast %scan3A_170 : i32 to index
      %get3A_324 = arith.constant 224 : index
      %get3A_325 = tpu.vector_load %arg11[%get3A_323, %get3A_324] {strides = array<i32>} : memref<32x272xf32, #tpu.memory_space<vmem>>, vector<1x16xf32>,
      %get3A_326 = vector.shape_cast %get3A_325 : vector<1x16xf32> to vector<16xf32>
      %mul3A_327 = arith.mulf %get3A_326, %select_n3A_183 : vector<16xf32>
      %swap3A_328 = arith.index_cast %scan3A_170 : i32 to index
      %swap3A_329 = arith.constant 224 : index
      %swap3A_330 = tpu.vector_load %arg11[%swap3A_328, %swap3A_329] {strides = array<i32>} : memref<32x272xf32, #tpu.memory_space<vmem>>, vector<1x16xf32>,
      %swap3A_331 = vector.shape_cast %swap3A_330 : vector<1x16xf32> to vector<16xf32>
      %swap3A_332 = vector.shape_cast %mul3A_327 : vector<16xf32> to vector<1x16xf32>
      tpu.vector_store %arg11[%swap3A_328, %swap3A_329], %swap3A_332 {strides = array<i32>} : memref<32x272xf32, #tpu.memory_space<vmem>>, vector<1x16xf32>,
      %get3A_333 = arith.index_cast %scan3A_170 : i32 to index
      %get3A_334 = arith.constant 240 : index
      %get3A_335 = tpu.vector_load %arg11[%get3A_333, %get3A_334] {strides = array<i32>} : memref<32x272xf32, #tpu.memory_space<vmem>>, vector<1x16xf32>,
      %get3A_336 = vector.shape_cast %get3A_335 : vector<1x16xf32> to vector<16xf32>
      %mul3A_337 = arith.mulf %get3A_336, %select_n3A_183 : vector<16xf32>
      %swap3A_338 = arith.index_cast %scan3A_170 : i32 to index
      %swap3A_339 = arith.constant 240 : index
      %swap3A_340 = tpu.vector_load %arg11[%swap3A_338, %swap3A_339] {strides = array<i32>} : memref<32x272xf32, #tpu.memory_space<vmem>>, vector<1x16xf32>,
      %swap3A_341 = vector.shape_cast %swap3A_340 : vector<1x16xf32> to vector<16xf32>
      %swap3A_342 = vector.shape_cast %mul3A_337 : vector<16xf32> to vector<1x16xf32>
      tpu.vector_store %arg11[%swap3A_338, %swap3A_339], %swap3A_342 {strides = array<i32>} : memref<32x272xf32, #tpu.memory_space<vmem>>, vector<1x16xf32>,
      %scan3A_343 = arith.constant 0 : i32
      scf.yield %scan3A_343 : i32
    }
    %scan3A_169 = arith.constant 32 : i32
    "tpu.region"() ({
      %run_scoped3A = tpu.sem_alloc : memref<!tpu.dma_semaphore, #tpu.memory_space<semaphore_mem>>
      %dma_start3A_170 = arith.constant 0 : i32
      %dma_start3A_171 = tpu.memref_slice %arg5[%mul3A_2, %dma_start3A_170] : memref<1024x272xf32, #tpu.memory_space<hbm>> -> memref<32x272xf32, #tpu.memory_space<hbm>>
      %dma_start3A_172 = arith.constant 0 : i32
      %dma_start3A_173 = tpu.memref_slice %arg5[%mul3A_2, %dma_start3A_172] : memref<1024x272xf32, #tpu.memory_space<hbm>> -> memref<32x272xf32, #tpu.memory_space<hbm>>
      tpu.enqueue_dma source(%arg11 : memref<32x272xf32, #tpu.memory_space<vmem>>) target(%dma_start3A_173 : memref<32x272xf32, #tpu.memory_space<hbm>>) target_semaphore(%run_scoped3A : memref<!tpu.dma_semaphore, #tpu.memory_space<semaphore_mem>>)
      %dma_wait3A_174 = arith.constant 0 : i32
      %dma_wait3A_175 = tpu.memref_slice %arg5[%mul3A_2, %dma_wait3A_174] : memref<1024x272xf32, #tpu.memory_space<hbm>> -> memref<32x272xf32, #tpu.memory_space<hbm>>
      %dma_wait3A_176 = arith.constant 0 : i32
      %dma_wait3A_177 = tpu.memref_slice %arg5[%mul3A_2, %dma_wait3A_176] : memref<1024x272xf32, #tpu.memory_space<hbm>> -> memref<32x272xf32, #tpu.memory_space<hbm>>
      tpu.wait_dma2 semaphore(%run_scoped3A : memref<!tpu.dma_semaphore, #tpu.memory_space<semaphore_mem>>) src(%arg11 : memref<32x272xf32, #tpu.memory_space<vmem>>) dst(%dma_wait3A_177 : memref<32x272xf32, #tpu.memory_space<hbm>>)
      tpu.yield
    }) : () -> ()
    return
  }
}

module attributes {stable_mosaic.version = 14 : i64} {
  func.func @_score_body(%arg0: i32, %arg1: memref<1x1x3200xi32, #tpu.memory_space<vmem>>, %arg2: memref<3200x256xf32, #tpu.memory_space<vmem>>, %arg3: memref<256x128xf32, #tpu.memory_space<vmem>>, %arg4: memref<1x128xf32, #tpu.memory_space<vmem>>, %arg5: memref<1x128xf32, #tpu.memory_space<vmem>>, %arg6: memref<1x1xf32, #tpu.memory_space<vmem>>, %arg7: memref<3200x32xf32, #tpu.memory_space<vmem>>, %arg8: memref<64x16xi32, #tpu.memory_space<vmem>>, %arg9: memref<64x128xi32, #tpu.memory_space<vmem>>) attributes {dimension_semantics = [#tpu.dimension_semantics<arbitrary>], iteration_bounds = array<i64: 50>, scalar_prefetch = 0 : i64, scratch_operands = 1 : i64, tpu.core_type = #tpu.core_type<tc>, window_params = [{transform_indices = @transform_0, window_bounds = array<i64: 1, 1, 3200>}, {transform_indices = @transform_1, window_bounds = array<i64: 3200, 256>}, {pipeline_mode = #tpu.pipeline_mode<synchronous>, transform_indices = @transform_2, window_bounds = array<i64: 256, 128>}, {pipeline_mode = #tpu.pipeline_mode<synchronous>, transform_indices = @transform_3, window_bounds = array<i64: 1, 128>}, {pipeline_mode = #tpu.pipeline_mode<synchronous>, transform_indices = @transform_4, window_bounds = array<i64: 1, 128>}, {pipeline_mode = #tpu.pipeline_mode<synchronous>, transform_indices = @transform_5, window_bounds = array<i64: 1, 1>}, {transform_indices = @transform_6, window_bounds = array<i64: 3200, 32>}, {pipeline_mode = #tpu.pipeline_mode<synchronous>, transform_indices = @transform_7, window_bounds = array<i64: 64, 16>}]} {
    %eq3A = arith.constant 0 : i32
    %eq3A_0 = arith.cmpi eq, %arg0, %eq3A : i32
    %convert_element_type3A = arith.extui %eq3A_0 : i1 to i32
    %cond3A = arith.constant 0 : i32
    %cond3A_1 = arith.cmpi ne, %convert_element_type3A, %cond3A : i32
    scf.if %cond3A_1 {
      %broadcast_in_dim3A_65 = arith.constant 0 : i32
      %broadcast_in_dim3A_66 = vector.broadcast %broadcast_in_dim3A_65 : i32 to vector<64x128xi32>
      %swap3A_67 = arith.constant 0 : index
      %swap3A_68 = arith.constant 0 : index
      %swap3A_69 = vector.load %arg9[%swap3A_67, %swap3A_68] : memref<64x128xi32, #tpu.memory_space<vmem>>, vector<64x128xi32>
      tpu.vector_store %arg9[%swap3A_67, %swap3A_68], %broadcast_in_dim3A_66 {strides = array<i32>} : memref<64x128xi32, #tpu.memory_space<vmem>>, vector<64x128xi32>,
    } else {
    }
    %get3A = arith.constant 0 : index
    %get3A_2 = arith.constant 0 : index
    %get3A_3 = vector.load %arg2[%get3A, %get3A_2] : memref<3200x256xf32, #tpu.memory_space<vmem>>, vector<3200x256xf32>
    %get3A_4 = arith.constant 0 : index
    %get3A_5 = arith.constant 0 : index
    %get3A_6 = vector.load %arg3[%get3A_4, %get3A_5] : memref<256x128xf32, #tpu.memory_space<vmem>>, vector<256x128xf32>
    %dot_general3A = arith.constant dense<0.000000e+00> : vector<3200x128xf32>
    %dot_general3A_7 = tpu.matmul %get3A_3, %get3A_6, %dot_general3A {dimension_numbers = #tpu.dot_dimension_numbers<[1], [0], [0], [1], [0, 0, 1, 1], [], []>, transpose_lhs_hint = false} : vector<3200x256xf32>, vector<256x128xf32>, vector<3200x128xf32> -> vector<3200x128xf32>
    %get3A_8 = arith.constant 0 : index
    %get3A_9 = arith.constant 0 : index
    %get3A_10 = vector.load %arg4[%get3A_8, %get3A_9] : memref<1x128xf32, #tpu.memory_space<vmem>>, vector<1x128xf32>
    %add3A = vector.broadcast %get3A_10 : vector<1x128xf32> to vector<3200x128xf32>
    %add3A_11 = arith.addf %dot_general3A_7, %add3A : vector<3200x128xf32>
    %tanh3A = math.tanh %add3A_11 : vector<3200x128xf32>
    %get3A_12 = arith.constant 0 : index
    %get3A_13 = arith.constant 0 : index
    %get3A_14 = vector.load %arg5[%get3A_12, %get3A_13] : memref<1x128xf32, #tpu.memory_space<vmem>>, vector<1x128xf32>
    %mul3A = vector.broadcast %get3A_14 : vector<1x128xf32> to vector<3200x128xf32>
    %mul3A_15 = arith.mulf %tanh3A, %mul3A : vector<3200x128xf32>
    %reduce_sum3A = arith.constant dense<0.000000e+00> : vector<3200xf32>
    %reduce_sum3A_16 = vector.multi_reduction <add>, %mul3A_15, %reduce_sum3A [1] : vector<3200x128xf32> to vector<3200xf32>
    %broadcast_in_dim3A = vector.shape_cast %reduce_sum3A_16 : vector<3200xf32> to vector<3200x1xf32>
    %get3A_17 = arith.constant 0 : index
    %get3A_18 = arith.constant 0 : index
    %get3A_19 = vector.load %arg6[%get3A_17, %get3A_18] : memref<1x1xf32, #tpu.memory_space<vmem>>, vector<1x1xf32>
    %add3A_20 = vector.broadcast %get3A_19 : vector<1x1xf32> to vector<3200x1xf32>
    %add3A_21 = arith.addf %broadcast_in_dim3A, %add3A_20 : vector<3200x1xf32>
    %jit3A = arith.constant -1.000000e+01 : f32
    %jit3A_22 = arith.constant 1.000000e+01 : f32
    %max3A = vector.broadcast %jit3A : f32 to vector<3200x1xf32>
    %max3A_23 = arith.maximumf %max3A, %add3A_21 : vector<3200x1xf32>
    %min3A = vector.broadcast %jit3A_22 : f32 to vector<3200x1xf32>
    %min3A_24 = arith.minimumf %min3A, %max3A_23 : vector<3200x1xf32>
    %exp3A = math.exp %min3A_24 : vector<3200x1xf32>
    %get3A_25 = arith.constant 0 : index
    %get3A_26 = arith.constant 0 : index
    %get3A_27 = arith.constant 0 : index
    %get3A_28 = vector.load %arg1[%get3A_25, %get3A_26, %get3A_27] : memref<1x1x3200xi32, #tpu.memory_space<vmem>>, vector<1x1x3200xi32>
    %get3A_29 = vector.shape_cast %get3A_28 : vector<1x1x3200xi32> to vector<3200xi32>
    %reshape3A = vector.shape_cast %get3A_29 : vector<3200xi32> to vector<3200x1xi32>
    %convert_element_type3A_30 = arith.sitofp %reshape3A : vector<3200x1xi32> to vector<3200x1xf32>
    %broadcast_in_dim3A_31 = vector.shape_cast %exp3A : vector<3200x1xf32> to vector<3200x1xf32>
    %broadcast_in_dim3A_32 = vector.broadcast %broadcast_in_dim3A_31 : vector<3200x1xf32> to vector<3200x16xf32>
    %broadcast_in_dim3A_33 = vector.shape_cast %convert_element_type3A_30 : vector<3200x1xf32> to vector<3200x1xf32>
    %broadcast_in_dim3A_34 = vector.broadcast %broadcast_in_dim3A_33 : vector<3200x1xf32> to vector<3200x16xf32>
    %concatenate3A = tpu.concatenate %broadcast_in_dim3A_32, %broadcast_in_dim3A_34 in 1 : vector<3200x16xf32>, vector<3200x16xf32> -> vector<3200x32xf32>
    %swap3A = arith.constant 0 : index
    %swap3A_35 = arith.constant 0 : index
    %swap3A_36 = vector.load %arg7[%swap3A, %swap3A_35] : memref<3200x32xf32, #tpu.memory_space<vmem>>, vector<3200x32xf32>
    tpu.vector_store %arg7[%swap3A, %swap3A_35], %concatenate3A {strides = array<i32>} : memref<3200x32xf32, #tpu.memory_space<vmem>>, vector<3200x32xf32>,
    %get3A_37 = arith.constant 0 : index
    %get3A_38 = arith.constant 0 : index
    %get3A_39 = arith.constant 0 : index
    %get3A_40 = vector.load %arg1[%get3A_37, %get3A_38, %get3A_39] : memref<1x1x3200xi32, #tpu.memory_space<vmem>>, vector<1x1x3200xi32>
    %get3A_41 = vector.shape_cast %get3A_40 : vector<1x1x3200xi32> to vector<1x3200xi32>
    %iota3A = tpu.iota {dimensions = array<i32: 0>} : vector<64x1xi32>
    %mul3A_42 = arith.constant 32 : i32
    %mul3A_43 = vector.broadcast %mul3A_42 : i32 to vector<64x1xi32>
    %mul3A_44 = arith.muli %iota3A, %mul3A_43 : vector<64x1xi32>
    %lt3A = vector.broadcast %get3A_41 : vector<1x3200xi32> to vector<64x3200xi32>
    %lt3A_45 = vector.broadcast %mul3A_44 : vector<64x1xi32> to vector<64x3200xi32>
    %lt3A_46 = arith.cmpi slt, %lt3A, %lt3A_45 : vector<64x3200xi32>
    %convert_element_type3A_47 = arith.extui %lt3A_46 : vector<64x3200xi1> to vector<64x3200xi32>
    %reduce_sum3A_48 = arith.constant dense<0> : vector<64xi32>
    %reduce_sum3A_49 = vector.multi_reduction <add>, %convert_element_type3A_47, %reduce_sum3A_48 [1] : vector<64x3200xi32> to vector<64xi32>
    %broadcast_in_dim3A_50 = vector.shape_cast %reduce_sum3A_49 : vector<64xi32> to vector<64x1xi32>
    %get3A_51 = arith.constant 0 : index
    %get3A_52 = arith.constant 0 : index
    %get3A_53 = vector.load %arg9[%get3A_51, %get3A_52] : memref<64x128xi32, #tpu.memory_space<vmem>>, vector<64x128xi32>
    %broadcast_in_dim3A_54 = vector.shape_cast %broadcast_in_dim3A_50 : vector<64x1xi32> to vector<64x1xi32>
    %broadcast_in_dim3A_55 = vector.broadcast %broadcast_in_dim3A_54 : vector<64x1xi32> to vector<64x128xi32>
    %add3A_56 = arith.addi %get3A_53, %broadcast_in_dim3A_55 : vector<64x128xi32>
    %swap3A_57 = arith.constant 0 : index
    %swap3A_58 = arith.constant 0 : index
    %swap3A_59 = vector.load %arg9[%swap3A_57, %swap3A_58] : memref<64x128xi32, #tpu.memory_space<vmem>>, vector<64x128xi32>
    tpu.vector_store %arg9[%swap3A_57, %swap3A_58], %add3A_56 {strides = array<i32>} : memref<64x128xi32, #tpu.memory_space<vmem>>, vector<64x128xi32>,
    %eq3A_60 = arith.constant 49 : i32
    %eq3A_61 = arith.cmpi eq, %arg0, %eq3A_60 : i32
    %convert_element_type3A_62 = arith.extui %eq3A_61 : i1 to i32
    %cond3A_63 = arith.constant 0 : i32
    %cond3A_64 = arith.cmpi ne, %convert_element_type3A_62, %cond3A_63 : i32
    scf.if %cond3A_64 {
      %get3A_65 = arith.constant 0 : index
      %get3A_66 = arith.constant 0 : index
      %get3A_67 = vector.load %arg9[%get3A_65, %get3A_66] : memref<64x128xi32, #tpu.memory_space<vmem>>, vector<64x16xi32>
      %swap3A_68 = arith.constant 0 : index
      %swap3A_69 = arith.constant 0 : index
      %swap3A_70 = vector.load %arg8[%swap3A_68, %swap3A_69] : memref<64x16xi32, #tpu.memory_space<vmem>>, vector<64x16xi32>
      tpu.vector_store %arg8[%swap3A_68, %swap3A_69], %get3A_67 {strides = array<i32>} : memref<64x16xi32, #tpu.memory_space<vmem>>, vector<64x16xi32>,
    } else {
    }
    return
  }
  func.func @transform_0(%arg0: i32) -> (i32, i32, i32) {
    %c0_i32 = arith.constant 0 : i32
    %c0_i32_0 = arith.constant 0 : i32
    %c0_i32_1 = arith.constant 0 : i32
    return %arg0, %c0_i32, %c0_i32_0 : i32, i32, i32
  }
  func.func @transform_1(%arg0: i32) -> (i32, i32) {
    %c0_i32 = arith.constant 0 : i32
    %c0_i32_0 = arith.constant 0 : i32
    return %arg0, %c0_i32 : i32, i32
  }
  func.func @transform_2(%arg0: i32) -> (i32, i32) {
    %c0_i32 = arith.constant 0 : i32
    %c0_i32_0 = arith.constant 0 : i32
    %c0_i32_1 = arith.constant 0 : i32
    return %c0_i32, %c0_i32_0 : i32, i32
  }
  func.func @transform_3(%arg0: i32) -> (i32, i32) {
    %c0_i32 = arith.constant 0 : i32
    %c0_i32_0 = arith.constant 0 : i32
    %c0_i32_1 = arith.constant 0 : i32
    return %c0_i32, %c0_i32_0 : i32, i32
  }
  func.func @transform_4(%arg0: i32) -> (i32, i32) {
    %c0_i32 = arith.constant 0 : i32
    %c0_i32_0 = arith.constant 0 : i32
    %c0_i32_1 = arith.constant 0 : i32
    return %c0_i32, %c0_i32_0 : i32, i32
  }
  func.func @transform_5(%arg0: i32) -> (i32, i32) {
    %c0_i32 = arith.constant 0 : i32
    %c0_i32_0 = arith.constant 0 : i32
    %c0_i32_1 = arith.constant 0 : i32
    return %c0_i32, %c0_i32_0 : i32, i32
  }
  func.func @transform_6(%arg0: i32) -> (i32, i32) {
    %c0_i32 = arith.constant 0 : i32
    %c0_i32_0 = arith.constant 0 : i32
    return %arg0, %c0_i32 : i32, i32
  }
  func.func @transform_7(%arg0: i32) -> (i32, i32) {
    %c0_i32 = arith.constant 0 : i32
    %c0_i32_0 = arith.constant 0 : i32
    %c0_i32_1 = arith.constant 0 : i32
    return %c0_i32, %c0_i32_0 : i32, i32
  }
}

</mosaic_0001>

<sc_bundles>
// kernel: kernel.4.cloned.1.call-start
scs
__scs_entry_jumppad:
0x0: {  	(pc) =	sbr.rel $0x88, $3  }
0x1: {  	(tag) =	ssettag $0x0;
	lr =	simm.s32 $0x1  }
0x2: {  	[smem:$0x3F9B] =	sst lr;
	_ =	strace $0xD0000000  }
0x3: {  	_ = 	snop  }
0x4: {  	_ = 	snop  }
0x5: {  	_ = 	snop  }
0x6: {  	_ = 	snop  }
0x7: {  	_ = 	snop  }
__scs_overlays_trampoline_lowered:
0x8: {  	[smem:$0x3FAA] =	sst s0  }
0x9: {  	[smem:$0x3FAB] =	sst s1  }
0xa: {  	[smem:$0x3FAC] =	sst s2  }
0xb: {  	[smem:$0x3FAD] =	sst s3  }
0xc: {  	[smem:$0x3FAE] =	sst s4  }
0xd: {  	[smem:$0x3FAF] =	sst s5  }
0xe: {  	[smem:$0x3FB0] =	sst s6  }
0xf: {  	[smem:$0x3FB1] =	sst s7  }
0x10: {  	[smem:$0x3FB2] =	sst s8  }
0x11: {  	[smem:$0x3FB3] =	sst s9;
	s0 =	simm.s32 @!p0 $0x0  }
0x12: {  	s1 =	sld [smem:$0x3F99];
	s0 =	simm.s32 @p0 $0x1  }
0x13: {  	[smem:$0x3FB4] =	sst s0;
	s0 =	simm.s32 @!p1 $0x0  }
0x14: {  	s2 =	sld [smem:$0x3F98];
	s0 =	simm.s32 @p1 $0x1  }
0x15: {  	[smem:$0x3FB5] =	sst s0;
	s0 =	simm.s32 @!p2 $0x0  }
0x16: {  	s3 =	sld [smem:$0x3FDB];
	s0 =	simm.s32 @p2 $0x1  }
0x17: {  	s4 =	simm.s32 $0x1BF5;
	[smem:$0x3FB7] =	sst s0  }
0x18: {  	s0 =	sld [smem:$0x3F9A];
	_ =	swait.ge [sflag:s4], $0x0  }
0x19: {  	s7 =	sld [smem:$0x3F9B]  }
0x1a: {  	s8 =	sadd.s32 $0xFFFFE003, lr  }
0x1b: {  	s9 =	sadd.s32 $0xFFFFFEF7, lr;
	s5 =	simm.s32 $0xFFFFFFFF;
	p2 =	slt.u32 s8, $0xFFFFF086  }
0x1c: {  	p1 =	slt.u32 s9, $0xF7A;
	s5 =	simm.s32 @!p2 $0x0  }
0x1d: {  	s5 =	simm.s32 @p1 $0x1;
	p0 =	seq.s32 s7, s2  }
0x1e: {  	s7 =	smul.u32 @!p0 $0xF7A, s2;
	p2 =	seq.s32 @!p0 s5, $0x0  }
0x1f: {  	s9 =	smul.u32 $0xF7A, s1;
	s8 =	simm.s32 @!p0 $0x1BF5;
	p2 =	por !p2, p0  }
0x20: {  	[sflag:s8] =	ssyncset.s32 @!p0 $0xFFFFF086;
	s6 =	sadd.s32 @!p0 s3, s7;
	s7 =	simm.s32 @!p0 $0x108  }
0x21: {  	s3 =	sadd.s32 s3, s9;
	s6 =	sadd.s32 @!p0 $0x88, s6;
	s7 =	simm.s32 @p2 $0x1082  }
0x22: {  	[simem:s7], [sflag:s8] =	dma.local @!p0 [hbm:s6], $0xF7A  }
0x23: {  	s9 =	sor.u32 $0xD0000000, s2;
	s6 =	simm.s32 $0x108;
	_ =	swait.ge @!p0 [sflag:s8], $0x0  }
0x24: {  	s3 =	sadd.s32 $0x88, s3;
	s6 =	simm.s32 @!p1 $0x1082;
	[sflag:s4] =	ssyncset.s32 $0xFFFFF086  }
0x25: {  	[simem:s6], [sflag:s4] =	dma.local [hbm:s3], $0xF7A  }
0x26: {  	[smem:$0x3F9B] =	sst s1;
	(tag) =	ssettag s2;
	_ =	strace s9  }
0x27: {  	s1 =	sld [smem:$0x3FAB]  }
0x28: {  	s2 =	sld [smem:$0x3FAC]  }
0x29: {  	s4 =	sld [smem:$0x3FAE]  }
0x2a: {  	p0 =	seq.s32 s5, $0x0;
	s5 =	sld [smem:$0x3FAF]  }
0x2b: {  	s6 =	sld [smem:$0x3FB0]  }
0x2c: {  	s7 =	sld [smem:$0x3FB1]  }
0x2d: {  	s3 =	simm.s32 $0x108;
	s8 =	sld [smem:$0x3FB2]  }
0x2e: {  	s3 =	simm.s32 @!p0 $0x1082;
	s9 =	sld [smem:$0x3FB3]  }
0x2f: {  	lr =	sadd.s32 s0, s3;
	s0 =	sld [smem:$0x3FAA]  }
0x30: {  	s3 =	sld [smem:$0x3FAD]  }
0x31: {  	[smem:$0x3FB6] =	sst s10  }
0x32: {  	s10 =	sld [smem:$0x3FB4];
	_ =	sdelay $0x3  }
0x33: {  	p0 =	seq.s32 s10, $0x1;
	s10 =	sld [smem:$0x3FB6];
	_ =	sdelay $0x3  }
0x34: {  	[smem:$0x3FB6] =	sst s10  }
0x35: {  	s10 =	sld [smem:$0x3FB5];
	_ =	sdelay $0x3  }
0x36: {  	p1 =	seq.s32 s10, $0x1;
	s10 =	sld [smem:$0x3FB6];
	_ =	sdelay $0x3  }
0x37: {  	[smem:$0x3FB6] =	sst s10  }
0x38: {  	s10 =	sld [smem:$0x3FB7]  }
0x39: {  	_ = 	snop;
	(pc) =	sbr.ind lr, $3  }
0x3a: {  	_ = 	snop  }
0x3b: {  	_ = 	snop  }
0x3c: {  	p2 =	seq.s32 s10, $0x1;
	s10 =	sld [smem:$0x3FB6]  }
0x3d: {  	_ =	shalt  }
0x3e: {  	_ =	shalt  }
0x3f: {  	_ =	shalt  }
0x40: {  	_ =	shalt  }
0x41: {  	_ =	shalt  }
0x42: {  	_ =	shalt  }
0x43: {  	_ =	shalt  }
0x44: {  	_ =	shalt  }
0x45: {  	_ =	shalt  }
0x46: {  	_ =	shalt  }
0x47: {  	_ =	shalt  }
0x48: {  	_ =	shalt  }
0x49: {  	_ =	shalt  }
0x4a: {  	_ =	shalt  }
0x4b: {  	_ =	shalt  }
0x4c: {  	_ =	shalt  }
0x4d: {  	_ =	shalt  }
0x4e: {  	_ =	shalt  }
0x4f: {  	_ =	shalt  }
0x50: {  	_ =	shalt  }
0x51: {  	_ =	shalt  }
0x52: {  	_ =	shalt  }
0x53: {  	_ =	shalt  }
0x54: {  	_ =	shalt  }
0x55: {  	_ =	shalt  }
0x56: {  	_ =	shalt  }
0x57: {  	_ =	shalt  }
0x58: {  	_ =	shalt  }
0x59: {  	_ =	shalt  }
0x5a: {  	_ =	shalt  }
0x5b: {  	_ =	shalt  }
0x5c: {  	_ =	shalt  }
0x5d: {  	_ =	shalt  }
0x5e: {  	_ =	shalt  }
0x5f: {  	_ =	shalt  }
0x60: {  	_ =	shalt  }
0x61: {  	_ =	shalt  }
0x62: {  	_ =	shalt  }
0x63: {  	_ =	shalt  }
0x64: {  	_ =	shalt  }
0x65: {  	_ =	shalt  }
0x66: {  	_ =	shalt  }
0x67: {  	_ =	shalt  }
0x68: {  	_ =	shalt  }
0x69: {  	_ =	shalt  }
0x6a: {  	_ =	shalt  }
0x6b: {  	_ =	shalt  }
0x6c: {  	_ =	shalt  }
0x6d: {  	_ =	shalt  }
0x6e: {  	_ =	shalt  }
0x6f: {  	_ =	shalt  }
0x70: {  	_ =	shalt  }
0x71: {  	_ =	shalt  }
0x72: {  	_ =	shalt  }
0x73: {  	_ =	shalt  }
0x74: {  	_ =	shalt  }
0x75: {  	_ =	shalt  }
0x76: {  	_ =	shalt  }
0x77: {  	_ =	shalt  }
0x78: {  	_ =	shalt  }
0x79: {  	_ =	shalt  }
0x7a: {  	_ =	shalt  }
0x7b: {  	_ =	shalt  }
0x7c: {  	_ =	shalt  }
0x7d: {  	_ =	shalt  }
0x7e: {  	_ =	shalt  }
0x7f: {  	_ =	shalt  }
0x80: {  	_ =	shalt  }
0x81: {  	_ =	shalt  }
0x82: {  	_ =	shalt  }
0x83: {  	_ =	shalt  }
0x84: {  	_ =	shalt  }
0x85: {  	_ =	shalt  }
0x86: {  	_ =	shalt  }
0x87: {  	_ =	shalt  }
.Lfunc_end0:
.L_simem_size_0:
called_computation_lowered:
.L_overlay_start_0:
0x88: {  	s2 =	sld [smem:$0x3FD9]  }
0x89: {  	s3 =	sld [smem:$0x3FFE];
	_ =	sdelay $0x1  }
0x8a: {  	s1 =	srdreg.scid  }
0x8b: {  	s0 =	sand.u32 $0x1, s1  }
0x8c: {  	s17 =	sshll.u32 s0, $0xA;
	s2 =	sadd.s32 s3, s2  }
0x8d: {  	s2 =	sadd.s32 s2, s17  }
0x8e: {  	[smem:$0x3FC2] =	sst s2  }
0x8f: {  	_ = 	snop  }
0x90: {  	s2 =	sld [smem:$0x3FC9]  }
0x91: {  	s18 =	sld [smem:$0x3FD0];
	(tm) =	ssettm $0x1  }
0x92: {  	s4 =	sld [smem:$0x3FFB];
	_ =	sdelay $0x3  }
0x93: {  	_ =	strace s4  }
0x94: {  	s4 =	sld [smem:$0x3FFC];
	_ =	sdelay $0x3  }
0x95: {  	_ =	strace s4  }
0x96: {  	s4 =	sld [smem:$0x3FFD];
	_ =	sdelay $0x3  }
0x97: {  	_ =	strace s4  }
0x98: {  	_ =	strace $0x8FFFFFFF  }
0x99: {  	s19 =	sld [smem:$0x3FDB];
	_ =	sdelay $0x1  }
0x9a: {  	s5 =	simm.s32 $_scs_section_size  }
0x9b: {  	s6 =	simm.s32 $_size__tile_overlayer_lowered;
	s7 =	simm.s32 $_tile_overlayer_lowered  }
0x9c: {  	s22 =	simm.s32 $0x1BFF;
	s21 =	sshll.u32 s7, $0x1;
	s4 =	sadd.s32 s5, s19  }
0x9d: {  	s8 =	simm.s32 $0x0;
	s20 =	sshll.u32 s6, $0x1;
	s6 =	sadd.s32 s21, s4  }
0x9e: {  	[timem:s8], [sflag:s22] =	dma.local [hbm:s6], s20  }
0x9f: {  	_ =	swait.ge [sflag:s22], s20  }
0xa0: {  	s5 =	ssub.s32 $0x0, s20;
	[sflag:s22] =	ssyncset.done $0x0  }
0xa1: {  	[sflag:s22] =	ssyncadd.s32 s5;
	_ =	sdelay $0x1  }
0xa2: {  	s23 =	simm.s32 $0x1B8B  }
0xa3: {  	_ =	swait.ge [sflag:s23], $0x1  }
0xa4: {  	[sflag:s23] =	ssyncset.done $0x0  }
0xa5: {  	s25 =	simm.s32 $0x1B8E;
	s24 =	sld [smem:$0x3FFE];
	[sflag:s23] =	ssyncadd.s32 $0xFFFFFFFF  }
0xa6: {  	s26 =	simm.s32 $execute0_lowered;
	[smem:$0x3FD2] =	sst s25  }
0xa7: {  	s6 =	sshll.u32 s26, $0x1;
	_ =	strace $0x80000046;
	[dreg:$0x1] =	wrdreg $0xFFFFFFFF  }
0xa8: {  	s28 =	simm.s32 $_size_execute0_lowered;
	s4 =	sadd.s32 s4, s6;
	[dreg:$0x0] =	wrdreg $0x0  }
0xa9: {  	s6 =	sshll.u32 s28, $0x1;
	[dreg:$0x2] =	wrdreg s4  }
0xaa: {  	[dreg:$0x3] =	wrdreg s6  }
0xab: {  	[dreg:$0x4] =	wrdreg $0xC0  }
0xac: {  	_ =	task [dreg:s8], $0x5FFFF  }
0xad: {  	[dreg:$0x1] =	wrdreg $0xFFFFFFFF  }
0xae: {  	[dreg:$0x0] =	wrdreg $0x60  }
0xaf: {  	[dreg:$0x2] =	wrdreg s2  }
0xb0: {  	[dreg:$0x3] =	wrdreg s24  }
0xb1: {  	[dreg:$0x4] =	wrdreg s18  }
0xb2: {  	[dreg:$0x5] =	wrdreg $0x9  }
0xb3: {  	_ =	task.clear_ibuf [dreg:s8], $0x6FFFF;
	_ =	strace $0x90000046  }
0xb4: {  	s29 =	simm.s32 $0x9;
	_ =	strace $0x80000048  }
0xb5: {  	_ =	swait.ge [sflag:s29], $0x1  }
0xb6: {  	[sflag:s29] =	ssyncadd.s32 $0xFFFFFFFF  }
0xb7: {  	_ =	strace $0x90000048  }
0xb8: {  	_ =	sfence  }
0xb9: {  	s30 =	sld [smem:$0x0];
	_ =	sdelay $0x2  }
0xba: {  	s31 =	sshll.u32 s1, $0xD;
	s1 =	sshrl.u32 s1, $0x2  }
0xbb: {  	s3 =	sand.u32 $0x4000, s31;
	s1 =	sadd.s32 s1, s30  }
0xbc: {  	s0 =	sor.u32 s3, s0;
	s1 =	sshll.u32 s1, $0x11  }
0xbd: {  	s0 =	sor.u32 s1, s0  }
0xbe: {  	s0 =	sadd.s32 $0x8F2B, s0  }
0xbf: {  	[sflag:s0] =	ssyncadd.remote.s32 $0x1  }
0xc0: {  	_ =	sfence.sel $0xFFFF  }
0xc1: {  	[dreg:$0x0] =	wrdreg $0xFFFFFFFF;
	(pc) =	sbr.abs _section_cstart, $3  }
0xc2: {  	[dreg:$0x1] =	wrdreg $0xFFFFFFFF  }
0xc3: {  	_ =	task.clear_ibuf [dreg:s8], $0x2FFFF;
	_ =	strace $0x9FFFFFFF  }
0xc4: {  	(tm) =	ssettm $0x7FFFFFFF  }
0xc5: {  	_ =	shalt  }
tec
execute0_lowered:
.L_overlay_start_1:
0x0: {  	(tag) =	ssettag $0x1  }
0x1: {  	s0 =	rddreg [dreg:$0x0];
	s1 =	srdreg.scid  }
0x2: {  	s2 =	rddreg [dreg:$0x1];
	s5 =	stileid.u32;
	s1 =	sand.u32 $0x1, s1  }
0x3: {  	s4 =	simm.s32 $0x0;
	s13 =	simm.s32 $0x5;
	s3 =	sshll.u32 s1, $0x4  }
0x4: {  	s14 =	simm.s32 $0x1;
	s1 =	ssub.s32 $0x2, s1;
	s3 =	sor.u32 s5, s3  }
0x5: {  	[smem:$0x7FF] =	sst s4;
	s7 =	sshrl.u32 s1, $0x1;
	s6 =	smul.u32 $0x600, s3  }
0x6: {  	s15 =	simm.s32 $0x10000;
	_ =	strace $0x80000047;
	s1 =	ssub.s32 s1, s7  }
0x7: {  	s5 =	sadd.s32 $0xE00, s2;
	s1 =	smax.u32 s1, $0x1;
	s2 =	sadd.s32 s6, s2  }
0x8: {  	s6 =	sshll.u32 s3, $0x5;
	s3 =	sshll.u32 s3, $0x7;
	[dreg:$0x8] =	wrdreg s1  }
0x9: {  	s16 =	simm.s32 $0x8000;
	s17 =	simm.s32 $0x14000;
	[dreg:$0x4] =	wrdreg s3  }
0xa: {  	s29 =	sadd.s32 $0x20, s6;
	s31 =	scvt.s32.f32 s6;
	s2 =	sadd.s32 $0x271E00, s2  }
0xb: {  	s18 =	simm.s32 $0x3;
	s3 =	scvt.s32.f32 s29;
	[dreg:$0x7] =	wrdreg s2  }
0xc: {  	s19 =	simm.s32 $0x2;
	s20 =	simm.s32 $0x4;
	[dreg:$0x5] =	wrdreg s31  }
0xd: {  	v0 =	vimm.f32 $0.0e+00;
	s22 =	simm.s32 $0x0;
	s30 =	simm.s32 $0x0;
	[dreg:$0x6] =	wrdreg s3  }
.LBB2_1:
0xe: {  	s1 =	simm.s32 $0x0  }
0xf: {  	s1 =	smul.u32 $0x3000, s1;
	_ =	sdelay $0x1  }
0x10: {  	s2 =	sand.u32 $0x380, s4;
	s1 =	sshra.s32 s1, $0x2  }
0x11: {  	s1 =	sor.u32 s2, s1  }
0x12: {  	s2 =	sadd.s32 $0x1A000, s1;
	[tilespmem:s1+$0x1A000] =	vst v0  }
0x13: {  	[tilespmem:s2+$0x70] =	vst v0  }
0x14: {  	[tilespmem:s2+$0x60] =	vst v0  }
0x15: {  	[tilespmem:s2+$0x30] =	vst v0  }
0x16: {  	[tilespmem:s2+$0x50] =	vst v0  }
0x17: {  	[tilespmem:s2+$0x20] =	vst v0  }
0x18: {  	[tilespmem:s2+$0x40] =	vst v0  }
0x19: {  	s3 =	sadd.s32 $0x1A400, s1;
	[tilespmem:s2+$0x10] =	vst v0  }
0x1a: {  	[tilespmem:s3+$0x70] =	vst v0  }
0x1b: {  	[tilespmem:s3+$0x60] =	vst v0  }
0x1c: {  	[tilespmem:s3+$0x50] =	vst v0  }
0x1d: {  	s8 =	simm.s32 $0x1;
	s2 =	simm.s32 $0x0;
	[tilespmem:s1+$0x1A400] =	vst v0  }
.LBB2_2:
0x1e: {  	s10 =	smov.u32 s8  }
0x1f: {  	s9 =	sshrl.u32 s8, $0x3;
	[tilespmem:s3+$0x20] =	vst v0;
	s2 =	sadd.s32 $0x80, s2;
	s10 =	sadd.s32 $0x1, s8  }
0x20: {  	p0 =	sne.s32 s8, $0x1F;
	s9 =	smul.u32 $0x3000, s9;
	[tilespmem:s3+$0x10] =	vst v0  }
0x21: {  	[tilespmem:s3+$0x30] =	vst v0  }
0x22: {  	s8 =	sand.u32 $0x380, s2;
	s9 =	sshra.s32 s9, $0x2;
	[tilespmem:s3+$0x40] =	vst v0  }
0x23: {  	[tilespmem:s1+$0x1A800] =	vst v0;
	s1 =	sor.u32 s8, s9  }
0x24: {  	s3 =	sadd.s32 $0x1A000, s1;
	[tilespmem:s1+$0x1A000] =	vst v0  }
0x25: {  	[tilespmem:s3+$0x70] =	vst v0  }
0x26: {  	[tilespmem:s3+$0x60] =	vst v0  }
0x27: {  	[tilespmem:s3+$0x30] =	vst v0  }
0x28: {  	[tilespmem:s3+$0x50] =	vst v0  }
0x29: {  	[tilespmem:s3+$0x20] =	vst v0  }
0x2a: {  	[tilespmem:s3+$0x40] =	vst v0  }
.Ltmp0:
0x2b: {  	[tilespmem:s3+$0x10] =	vst v0;
	s3 =	sadd.s32 $0x1A400, s1;
	(pc) =	sbr.rel @p0 .LBB2_2-.Ltmp0, $4  }
0x2c: {  	[tilespmem:s3+$0x70] =	vst v0  }
0x2d: {  	[tilespmem:s3+$0x60] =	vst v0  }
0x2e: {  	[tilespmem:s3+$0x50] =	vst v0  }
0x2f: {  	s8 =	smov.u32 s10;
	[tilespmem:s1+$0x1A400] =	vst v0  }
0x30: {  	[tilespmem:s3+$0x20] =	vst v0  }
0x31: {  	[tilespmem:s3+$0x10] =	vst v0  }
0x32: {  	[tilespmem:s3+$0x30] =	vst v0  }
0x33: {  	[tilespmem:s3+$0x40] =	vst v0  }
0x34: {  	s3 =	rddreg [dreg:$0x2];
	s2 =	simm.s32 $0x18000;
	[tilespmem:s1+$0x1A800] =	vst v0  }
0x35: {  	[tilespmem:s2], [sflag:$0x5] =	stream.linear.gather [hbm4b:s3+s4], $0x2000, $0x38;
	[tilespmem:$0x1D000] =	vst v63  }
0x36: {  	_ =	swait.ge [sflag:s13], $0x2000  }
0x37: {  	[sflag:s13] =	ssyncset.done $0x0  }
0x38: {  	s7 =	rddreg [dreg:$0x4];
	[sflag:s13] =	ssyncadd.s32 $0xFFFFE000  }
0x39: {  	v1 =	vld [tilespmem:s7+$0x18000];
	_ =	sdelay $0x1  }
0x3a: {  	v2 =	vld [tilespmem:s7+$0x18080];
	_ =	sdelay $0x2  }
0x3b: {  	(v2sf) =	vpush v1, $0x0;
	_ =	sdelay $0x1  }
0x3c: {  	(v2sf) =	vpush v2, $0x0;
	_ =	sdelay $0xc  }
0x3d: {  	s23 =	spop (v2sf)  }
0x3e: {  	s2 =	simm.s32 $0x1;
	s3 =	simm.s32 $0x1;
	s8 =	sshra.s32 s23, $0x1F  }
0x3f: {  	s9 =	sand.u32 $0x7F, s23;
	p0 =	slt.s32 s23, $0x1;
	s24 =	spop (v2sf)  }
0x40: {  	s1 =	sshrl.u32 s8, $0x19;
	p1 =	sne.s32 s9, $0x0;
	s10 =	sadd.s32 $0x7F, s24  }
0x41: {  	s1 =	sadd.s32 s1, s23;
	p0 =	por !p0, !p1;
	s8 =	sshra.s32 s10, $0x1F  }
0x42: {  	s9 =	sand.u32 $0x7F, s10;
	p4 =	slt.s32 s10, $0x1;
	s1 =	sshra.s32 s1, $0x7  }
0x43: {  	p0 =	por !p0, !p0;
	s8 =	sshrl.u32 s8, $0x19;
	p2 =	sne.s32 s9, $0x0  }
0x44: {  	s2 =	simm.s32 @!p0 $0x0;
	s11 =	sadd.s32 s8, s10;
	p1 =	por !p4, !p2  }
0x45: {  	s25 =	ssub.s32 s1, s2;
	s2 =	sshra.s32 s11, $0x7;
	p1 =	por !p1, !p1  }
0x46: {  	s2 =	ssub.s32 s2, s25;
	s3 =	simm.s32 @!p1 $0x0  }
0x47: {  	s2 =	ssub.s32 s2, s3  }
0x48: {  	s12 =	sadd.s32 $0x1, s2  }
0x49: {  	p1 =	slt.s32 s25, $0x4E1;
	s21 =	sand.u32 $0x1, s12  }
0x4a: {  	s3 =	smov.u32 s25;
	p5 =	slt.s32 s2, $0x0;
	p6 =	seq.s32 s21, $0x1  }
0x4b: {  	s3 =	simm.s32 @!p1 $0x4E1;
	s28 =	sshrl.u32 s12, $0x1F;
	p1 =	por !p5, !p6  }
0x4c: {  	s8 =	simm.s32 $0x1;
	s2 =	sadd.s32 s28, s12;
	p1 =	por !p1, !p1  }
0x4d: {  	s26 =	sshll.u32 s3, $0xC;
	s2 =	sshra.s32 s2, $0x1;
	s8 =	simm.s32 @!p1 $0x0  }
0x4e: {  	s9 =	sand.u32 $0x1FFFF000, s26;
	s26 =	ssub.s32 s2, s8  }
0x4f: {  	p1 =	slt.s32 s26, $0x1  }
.Ltmp1:
0x50: {  	s3 =	sshll.u32 s3, $0xB;
	(pc) =	sbr.rel @p1 .LBB2_4-.Ltmp1, $4  }
0x51: {  	s3 =	sand.u32 $0x1FFFF800, s3;
	s29 =	sadd.s32 s0, s9  }
0x52: {  	[tilespmem:s4], [sflag:$0x1] =	stream.linear.gather [hbm4b:s29+s4], $0x8000, $0x38;
	[tilespmem:$0x1D000] =	vst v63  }
0x53: {  	s31 =	sadd.s32 s5, s3  }
0x54: {  	[tilespmem:s15], [sflag:$0x3] =	stream.linear.gather [hbm4b:s31+s4], $0x4000, $0x38;
	[tilespmem:$0x1D000] =	vst v63  }
0x55: {  	v1 =	vimm.f32 $0.0e+00;
	v2 =	vimm.f32 $0.0e+00  }
.Ltmp2:
0x56: {  	s2 =	simm.s32 $0xFFFFFFFF;
	v3 =	vimm.f32 $0.0e+00;
	v4 =	vimm.f32 $0.0e+00;
	v5 =	vimm.f32 $0.0e+00;
	(pc) =	sbr.rel .LBB2_6-.Ltmp2, $4  }
0x57: {  	v6 =	vimm.f32 $0.0e+00;
	v7 =	vimm.f32 $0.0e+00;
	v8 =	vimm.f32 $0.0e+00;
	s2 =	simm.s32 @!p0 $0x0  }
0x58: {  	v9 =	vimm.f32 $0.0e+00;
	v10 =	vimm.f32 $0.0e+00;
	v11 =	vimm.f32 $0.0e+00;
	s1 =	sadd.s32 s2, s1  }
0x59: {  	s21 =	sshll.u32 s25, $0x7;
	v12 =	vimm.f32 $0.0e+00;
	v13 =	vimm.f32 $0.0e+00;
	v14 =	vimm.f32 $0.0e+00;
	s1 =	sshll.u32 s1, $0x7  }
0x5a: {  	v15 =	vimm.f32 $0.0e+00;
	v16 =	vimm.f32 $0.0e+00;
	v17 =	vimm.f32 $0.0e+00;
	s31 =	simm.s32 $0x0;
	s2 =	simm.f32 $-1.000000000e+00;
	s29 =	sadd.s32 $0x80, s1  }
.LBB2_14:
0x5b: {  	s31 =	sadd.s32 $0x1, s31  }
0x5c: {  	p0 =	slt.s32 s31, s26  }
.Ltmp3:
0x5d: {  	_ = 	snop;
	(pc) =	sbr.rel @!p0 .LBB2_15-.Ltmp3, $2  }
0x5e: {  	_ =	sdelay $0x2  }
0x5f: {  	s21 =	sadd.s32 $0x100, s21;
	s29 =	sadd.s32 $0x100, s29  }
.LBB2_6:
0x60: {  	s1 =	sshll.u32 s31, $0x1  }
0x61: {  	s3 =	sadd.s32 s25, s1  }
0x62: {  	s1 =	sadd.s32 $0x1, s3  }
0x63: {  	p0 =	slt.s32 s1, $0x4E1  }
0x64: {  	s1 =	simm.s32 @!p0 $0x4E1  }
0x65: {  	s8 =	sshll.u32 s1, $0xC  }
0x66: {  	s1 =	sshll.u32 s1, $0xB;
	s8 =	sand.u32 $0x1FFFF000, s8  }
0x67: {  	s1 =	sand.u32 $0x1FFFF800, s1;
	s8 =	sadd.s32 s0, s8  }
0x68: {  	[tilespmem:s16], [sflag:$0x2] =	stream.linear.gather [hbm4b:s8+s30], $0x8000, $0x38;
	[tilespmem:$0x1D000] =	vst v63  }
0x69: {  	s1 =	sadd.s32 s5, s1  }
0x6a: {  	[tilespmem:s17], [sflag:$0x4] =	stream.linear.gather [hbm4b:s1+s30], $0x4000, $0x38;
	[tilespmem:$0x1D000] =	vst v63  }
0x6b: {  	_ =	swait.ge [sflag:s14], $0x8000  }
.Ltmp4:
0x6c: {  	[sflag:s14] =	ssyncset.done $0x0;
	(pc) =	sbr.rel .LBB2_7-.Ltmp4, $4  }
0x6d: {  	[sflag:s14] =	ssyncadd.s32 $0xFFFF8000  }
0x6e: {  	_ =	swait.ge [sflag:s18], $0x4000  }
0x6f: {  	s12 =	simm.s32 $0x10010;
	s28 =	smov.u32 s21;
	[sflag:s18] =	ssyncset.done $0x0  }
0x70: {  	s9 =	simm.s32 $0x0;
	s8 =	simm.s32 $0x0;
	[sflag:s18] =	ssyncadd.s32 $0xFFFFC000  }
.LBB2_9:
0x71: {  	s2 =	sand.u32 $0x7800, s9;
	s7 =	sand.u32 $0x380, s8  }
0x72: {  	s2 =	sor.u32 s7, s2  }
0x73: {  	v19 =	vld [tilespmem:s2+$0x0]  }
0x74: {  	v17 =	vmul.f32 s11, v17;
	v20 =	vld [tilespmem:s2+$0x10]  }
0x75: {  	v14 =	vmul.f32 s11, v14;
	v11 =	vmul.f32 s11, v11;
	v21 =	vld [tilespmem:s2+$0x20]  }
0x76: {  	v8 =	vmul.f32 s11, v8;
	v5 =	vmul.f32 s11, v5;
	v22 =	vld [tilespmem:s2+$0x30]  }
0x77: {  	v16 =	vmul.f32 s11, v16;
	v15 =	vmul.f32 s11, v15;
	v23 =	vld [tilespmem:s2+$0x40]  }
0x78: {  	p0 =	slt.s32 s28, s24;
	v13 =	vmul.f32 s11, v13;
	v12 =	vmul.f32 s11, v12;
	v24 =	vld [tilespmem:s2+$0x50]  }
0x79: {  	p1 =	sge.s32 s28, s23;
	s10 =	simm.s32 @!p0 $0x0;
	v10 =	vmul.f32 s11, v10;
	v9 =	vmul.f32 s11, v9;
	v25 =	vld [tilespmem:s2+$0x60]  }
0x7a: {  	v7 =	vmul.f32 s11, v7;
	v6 =	vmul.f32 s11, v6;
	s10 =	simm.s32 @!p1 $0x0;
	v26 =	vld [tilespmem:s2+$0x70]  }
0x7b: {  	v4 =	vmul.f32 s11, v4;
	v48 =	vld [tilespmem:s2+$0x400];
	v18 =	vmul.f32 s10, v18  }
0x7c: {  	v3 =	vmul.f32 s11, v3;
	v2 =	vmul.f32 s11, v2;
	v52 =	vld [tilespmem:s2+$0x420]  }
0x7d: {  	v1 =	vmul.f32 s11, v1;
	v53 =	vld [tilespmem:s2+$0x430];
	v19 =	vmul.f32 v19, v18  }
0x7e: {  	v50 =	vld [tilespmem:s2+$0x410];
	v20 =	vmul.f32 v20, v18;
	v21 =	vmul.f32 v21, v18  }
0x7f: {  	v57 =	vld [tilespmem:s2+$0x450];
	v49 =	vmul.f32 v23, v18;
	v17 =	vadd.f32 v17, v19;
	v19 =	vmul.f32 v22, v18  }
0x80: {  	v55 =	vld [tilespmem:s2+$0x440];
	v51 =	vmul.f32 v24, v18;
	v54 =	vmul.f32 v26, v18  }
0x81: {  	v58 =	vld [tilespmem:s2+$0x460];
	v56 =	vmul.f32 v48, v18;
	v14 =	vadd.f32 v19, v14;
	v19 =	vmul.f32 v25, v18  }
0x82: {  	v60 =	vld [tilespmem:s2+$0x470];
	v1 =	vadd.f32 v1, v18;
	v59 =	vmul.f32 v52, v18;
	v61 =	vmul.f32 v53, v18  }
0x83: {  	s8 =	sadd.s32 $0x80, s8;
	v16 =	vadd.f32 v20, v16;
	v11 =	vadd.f32 v19, v11;
	v19 =	vmul.f32 v50, v18  }
0x84: {  	p0 =	sne.s32 s8, $0x4000;
	v62 =	vmul.f32 v57, v18;
	v15 =	vadd.f32 v21, v15;
	v13 =	vadd.f32 v49, v13  }
.Ltmp5:
0x85: {  	v12 =	vadd.f32 v51, v12;
	v8 =	vadd.f32 v19, v8;
	v19 =	vmul.f32 v55, v18;
	(pc) =	sbr.rel @!p0 .LBB2_10-.Ltmp5, $4  }
0x86: {  	v63 =	vmul.f32 v58, v18;
	v10 =	vadd.f32 v54, v10;
	v9 =	vadd.f32 v56, v9  }
0x87: {  	v7 =	vadd.f32 v59, v7;
	v5 =	vadd.f32 v19, v5;
	v19 =	vmul.f32 v60, v18  }
0x88: {  	s9 =	sadd.s32 $0x100, s9;
	v6 =	vadd.f32 v61, v6;
	v4 =	vadd.f32 v62, v4  }
0x89: {  	s12 =	sadd.s32 $0x80, s12;
	s28 =	sadd.s32 $0x1, s28;
	s2 =	smov.u32 s1;
	v3 =	vadd.f32 v63, v3;
	v2 =	vadd.f32 v19, v2  }
.LBB2_7:
0x8a: {  	v18 =	vld [tilespmem:s12+$0x0];
	_ =	sdelay $0x4  }
0x8b: {  	(v2sf) =	vpush v18, $0x0;
	_ =	sdelay $0xe  }
0x8c: {  	s1 =	spop (v2sf)  }
0x8d: {  	p0 =	slt.f32 s1, s2;
	p1 =	sgt.f32 s1, s2  }
0x8e: {  	_ = 	snop  }
0x8f: {  	p0 =	por p1, p0  }
0x90: {  	p0 =	por !p0, !p0  }
.Ltmp6:
0x91: {  	_ = 	snop;
	(pc) =	sbr.rel @p0 .LBB2_9-.Ltmp6, $2  }
0x92: {  	_ =	sdelay $0x2  }
0x93: {  	s10 =	simm.f32 $1.000000000e+00;
	s11 =	simm.f32 $1.000000000e+00;
	v18 =	vld [tilespmem:s12+$0xFFFFFFF0]  }
0x94: {  	s2 =	scvt.f32.s32 s2;
	_ =	sdelay $0x1  }
0x95: {  	s2 =	ssub.s32 s2, s6  }
0x96: {  	p0 =	sgt.s32 s2, $0x0  }
0x97: {  	s2 =	simm.s32 @!p0 $0x0  }
0x98: {  	s2 =	smin.u32 s2, $0x1F  }
0x99: {  	s11 =	sshrl.u32 s2, $0x3  }
0x9a: {  	s11 =	smul.u32 $0x3000, s11  }
0x9b: {  	s2 =	sshll.u32 s2, $0x7  }
0x9c: {  	s2 =	sand.u32 $0x380, s2;
	s11 =	sshrl.u32 s11, $0x2  }
0x9d: {  	s2 =	sor.u32 s2, s11  }
0x9e: {  	v19 =	vld [tilespmem:s2+$0x1A000];
	_ =	sdelay $0x4  }
0x9f: {  	v19 =	vadd.f32 v19, v17;
	_ =	sdelay $0x1  }
0xa0: {  	s11 =	sadd.s32 $0x1A000, s2;
	[tilespmem:s2+$0x1A000] =	vst v19  }
0xa1: {  	v19 =	vld [tilespmem:s11+$0x10]  }
0xa2: {  	v20 =	vld [tilespmem:s11+$0x20]  }
0xa3: {  	v21 =	vld [tilespmem:s11+$0x30]  }
0xa4: {  	v22 =	vld [tilespmem:s11+$0x40]  }
0xa5: {  	v23 =	vld [tilespmem:s11+$0x50]  }
0xa6: {  	v24 =	vld [tilespmem:s11+$0x60];
	v19 =	vadd.f32 v19, v16  }
0xa7: {  	v25 =	vld [tilespmem:s11+$0x70];
	v20 =	vadd.f32 v20, v15  }
0xa8: {  	[tilespmem:s11+$0x10] =	vst v19;
	v19 =	vadd.f32 v21, v14  }
0xa9: {  	[tilespmem:s11+$0x20] =	vst v20;
	v20 =	vadd.f32 v22, v13  }
0xaa: {  	[tilespmem:s11+$0x30] =	vst v19;
	v19 =	vadd.f32 v23, v12  }
0xab: {  	[tilespmem:s11+$0x40] =	vst v20;
	v20 =	vadd.f32 v24, v11  }
0xac: {  	[tilespmem:s11+$0x50] =	vst v19;
	v19 =	vadd.f32 v25, v10  }
0xad: {  	[tilespmem:s11+$0x60] =	vst v20  }
0xae: {  	[tilespmem:s11+$0x70] =	vst v19  }
0xaf: {  	v19 =	vld [tilespmem:s2+$0x1A400];
	_ =	sdelay $0x4  }
0xb0: {  	v19 =	vadd.f32 v19, v9;
	_ =	sdelay $0x1  }
0xb1: {  	s7 =	sadd.s32 $0x1A400, s2;
	[tilespmem:s2+$0x1A400] =	vst v19  }
0xb2: {  	v19 =	vld [tilespmem:s7+$0x10]  }
0xb3: {  	v20 =	vld [tilespmem:s7+$0x20]  }
0xb4: {  	v59 =	vld [tilespmem:s7+$0x30]  }
0xb5: {  	v60 =	vld [tilespmem:s7+$0x40]  }
0xb6: {  	v61 =	vld [tilespmem:s7+$0x50]  }
0xb7: {  	v62 =	vld [tilespmem:s7+$0x60];
	v19 =	vadd.f32 v19, v8  }
0xb8: {  	v63 =	vld [tilespmem:s7+$0x70];
	v20 =	vadd.f32 v20, v7  }
0xb9: {  	[tilespmem:s7+$0x10] =	vst v19;
	v19 =	vadd.f32 v59, v6  }
0xba: {  	[tilespmem:s7+$0x20] =	vst v20;
	v20 =	vadd.f32 v60, v5  }
0xbb: {  	[tilespmem:s7+$0x30] =	vst v19;
	v19 =	vadd.f32 v61, v4  }
0xbc: {  	[tilespmem:s7+$0x40] =	vst v20;
	v20 =	vadd.f32 v62, v3  }
0xbd: {  	[tilespmem:s7+$0x50] =	vst v19;
	v19 =	vadd.f32 v63, v2  }
0xbe: {  	[tilespmem:s7+$0x60] =	vst v20  }
0xbf: {  	[tilespmem:s7+$0x70] =	vst v19  }
0xc0: {  	v19 =	vld [tilespmem:s2+$0x1A800];
	_ =	sdelay $0x2  }
.Ltmp7:
0xc1: {  	_ = 	snop;
	(pc) =	sbr.rel .LBB2_9-.Ltmp7, $3  }
0xc2: {  	_ = 	snop  }
0xc3: {  	v19 =	vadd.f32 v19, v1;
	_ =	sdelay $0x1  }
0xc4: {  	s11 =	simm.f32 $0.0e+00;
	[tilespmem:s2+$0x1A800] =	vst v19  }
.LBB2_10:
0xc5: {  	p0 =	slt.s32 s3, $0x4DF  }
0xc6: {  	s3 =	simm.s32 @!p0 $0x4DF  }
0xc7: {  	s2 =	sadd.s32 $0x2, s3  }
0xc8: {  	s3 =	sshll.u32 s2, $0xC  }
0xc9: {  	s2 =	sshll.u32 s2, $0xB;
	s3 =	sand.u32 $0x1FFFF000, s3  }
0xca: {  	s2 =	sand.u32 $0x1FFFF800, s2;
	s7 =	sadd.s32 s0, s3;
	s3 =	simm.s32 $0x0  }
0xcb: {  	[tilespmem:s3], [sflag:$0x1] =	stream.linear.gather [hbm4b:s7+s3], $0x8000, $0x38;
	[tilespmem:$0x1D000] =	vst v63  }
0xcc: {  	s2 =	sadd.s32 s5, s2  }
0xcd: {  	[tilespmem:s15], [sflag:$0x3] =	stream.linear.gather [hbm4b:s2+s3], $0x4000, $0x38;
	[tilespmem:$0x1D000] =	vst v63  }
0xce: {  	_ =	swait.ge [sflag:s19], $0x8000  }
.Ltmp8:
0xcf: {  	[sflag:s19] =	ssyncset.done $0x0;
	(pc) =	sbr.rel .LBB2_11-.Ltmp8, $4  }
0xd0: {  	[sflag:s19] =	ssyncadd.s32 $0xFFFF8000  }
0xd1: {  	_ =	swait.ge [sflag:s20], $0x4000  }
0xd2: {  	s12 =	simm.s32 $0x14010;
	[sflag:s20] =	ssyncset.done $0x0  }
0xd3: {  	s9 =	smov.u32 s29;
	s8 =	simm.s32 $0x0;
	[sflag:s20] =	ssyncadd.s32 $0xFFFFC000  }
.LBB2_13:
0xd4: {  	s1 =	sand.u32 $0x7800, s3;
	s7 =	sand.u32 $0x380, s8  }
0xd5: {  	s1 =	sor.u32 s7, s1  }
0xd6: {  	v19 =	vld [tilespmem:s1+$0x8000]  }
0xd7: {  	v17 =	vmul.f32 s11, v17;
	v20 =	vld [tilespmem:s1+$0x8010]  }
0xd8: {  	v14 =	vmul.f32 s11, v14;
	v11 =	vmul.f32 s11, v11;
	v21 =	vld [tilespmem:s1+$0x8020]  }
0xd9: {  	v8 =	vmul.f32 s11, v8;
	v5 =	vmul.f32 s11, v5;
	v22 =	vld [tilespmem:s1+$0x8030]  }
0xda: {  	v16 =	vmul.f32 s11, v16;
	v15 =	vmul.f32 s11, v15;
	v23 =	vld [tilespmem:s1+$0x8040]  }
0xdb: {  	p0 =	slt.s32 s9, s24;
	v13 =	vmul.f32 s11, v13;
	v12 =	vmul.f32 s11, v12;
	v24 =	vld [tilespmem:s1+$0x8050]  }
0xdc: {  	p1 =	sge.s32 s9, s23;
	s10 =	simm.s32 @!p0 $0x0;
	v10 =	vmul.f32 s11, v10;
	v9 =	vmul.f32 s11, v9;
	v25 =	vld [tilespmem:s1+$0x8060]  }
0xdd: {  	v7 =	vmul.f32 s11, v7;
	v6 =	vmul.f32 s11, v6;
	s10 =	simm.s32 @!p1 $0x0;
	v26 =	vld [tilespmem:s1+$0x8070]  }
0xde: {  	v4 =	vmul.f32 s11, v4;
	v48 =	vld [tilespmem:s1+$0x8400];
	v18 =	vmul.f32 s10, v18  }
0xdf: {  	v3 =	vmul.f32 s11, v3;
	v2 =	vmul.f32 s11, v2;
	v52 =	vld [tilespmem:s1+$0x8420]  }
0xe0: {  	v1 =	vmul.f32 s11, v1;
	v53 =	vld [tilespmem:s1+$0x8430];
	v19 =	vmul.f32 v19, v18  }
0xe1: {  	v50 =	vld [tilespmem:s1+$0x8410];
	v20 =	vmul.f32 v20, v18;
	v21 =	vmul.f32 v21, v18  }
0xe2: {  	v57 =	vld [tilespmem:s1+$0x8450];
	v49 =	vmul.f32 v23, v18;
	v17 =	vadd.f32 v17, v19;
	v19 =	vmul.f32 v22, v18  }
0xe3: {  	v55 =	vld [tilespmem:s1+$0x8440];
	v51 =	vmul.f32 v24, v18;
	v54 =	vmul.f32 v26, v18  }
0xe4: {  	v58 =	vld [tilespmem:s1+$0x8460];
	v56 =	vmul.f32 v48, v18;
	v14 =	vadd.f32 v19, v14;
	v19 =	vmul.f32 v25, v18  }
0xe5: {  	v60 =	vld [tilespmem:s1+$0x8470];
	v1 =	vadd.f32 v1, v18;
	v59 =	vmul.f32 v52, v18;
	v61 =	vmul.f32 v53, v18  }
0xe6: {  	s8 =	sadd.s32 $0x80, s8;
	v16 =	vadd.f32 v20, v16;
	v11 =	vadd.f32 v19, v11;
	v19 =	vmul.f32 v50, v18  }
0xe7: {  	p0 =	sne.s32 s8, $0x4000;
	v62 =	vmul.f32 v57, v18;
	v15 =	vadd.f32 v21, v15;
	v13 =	vadd.f32 v49, v13  }
.Ltmp9:
0xe8: {  	v12 =	vadd.f32 v51, v12;
	v8 =	vadd.f32 v19, v8;
	v19 =	vmul.f32 v55, v18;
	(pc) =	sbr.rel @!p0 .LBB2_14-.Ltmp9, $4  }
0xe9: {  	v63 =	vmul.f32 v58, v18;
	v10 =	vadd.f32 v54, v10;
	v9 =	vadd.f32 v56, v9  }
0xea: {  	v7 =	vadd.f32 v59, v7;
	v5 =	vadd.f32 v19, v5;
	v19 =	vmul.f32 v60, v18  }
0xeb: {  	s3 =	sadd.s32 $0x100, s3;
	v6 =	vadd.f32 v61, v6;
	v4 =	vadd.f32 v62, v4  }
0xec: {  	s12 =	sadd.s32 $0x80, s12;
	s9 =	sadd.s32 $0x1, s9;
	s1 =	smov.u32 s2;
	v3 =	vadd.f32 v63, v3;
	v2 =	vadd.f32 v19, v2  }
.LBB2_11:
0xed: {  	v18 =	vld [tilespmem:s12+$0x0];
	_ =	sdelay $0x4  }
0xee: {  	(v2sf) =	vpush v18, $0x0;
	_ =	sdelay $0xe  }
0xef: {  	s2 =	spop (v2sf)  }
0xf0: {  	p0 =	slt.f32 s2, s1;
	p1 =	sgt.f32 s2, s1  }
0xf1: {  	_ = 	snop  }
0xf2: {  	p0 =	por p1, p0  }
0xf3: {  	p0 =	por !p0, !p0  }
.Ltmp10:
0xf4: {  	_ = 	snop;
	(pc) =	sbr.rel @p0 .LBB2_13-.Ltmp10, $2  }
0xf5: {  	_ =	sdelay $0x2  }
0xf6: {  	s10 =	simm.f32 $1.000000000e+00;
	s11 =	simm.f32 $1.000000000e+00;
	v18 =	vld [tilespmem:s12+$0xFFFFFFF0]  }
0xf7: {  	s1 =	scvt.f32.s32 s1;
	_ =	sdelay $0x1  }
0xf8: {  	s1 =	ssub.s32 s1, s6  }
0xf9: {  	p0 =	sgt.s32 s1, $0x0  }
0xfa: {  	s1 =	simm.s32 @!p0 $0x0  }
0xfb: {  	s1 =	smin.u32 s1, $0x1F  }
0xfc: {  	s7 =	sshrl.u32 s1, $0x3  }
0xfd: {  	s7 =	smul.u32 $0x3000, s7  }
0xfe: {  	s1 =	sshll.u32 s1, $0x7  }
0xff: {  	s1 =	sand.u32 $0x380, s1;
	s7 =	sshrl.u32 s7, $0x2  }
0x100: {  	s1 =	sor.u32 s1, s7  }
0x101: {  	v19 =	vld [tilespmem:s1+$0x1A000];
	_ =	sdelay $0x4  }
0x102: {  	v19 =	vadd.f32 v19, v17;
	_ =	sdelay $0x1  }
0x103: {  	s7 =	sadd.s32 $0x1A000, s1;
	[tilespmem:s1+$0x1A000] =	vst v19  }
0x104: {  	v19 =	vld [tilespmem:s7+$0x10]  }
0x105: {  	v20 =	vld [tilespmem:s7+$0x20]  }
0x106: {  	v21 =	vld [tilespmem:s7+$0x30]  }
0x107: {  	v22 =	vld [tilespmem:s7+$0x40]  }
0x108: {  	v23 =	vld [tilespmem:s7+$0x50]  }
0x109: {  	v24 =	vld [tilespmem:s7+$0x60];
	v19 =	vadd.f32 v19, v16  }
0x10a: {  	v25 =	vld [tilespmem:s7+$0x70];
	v20 =	vadd.f32 v20, v15  }
0x10b: {  	[tilespmem:s7+$0x10] =	vst v19;
	v19 =	vadd.f32 v21, v14  }
0x10c: {  	[tilespmem:s7+$0x20] =	vst v20;
	v20 =	vadd.f32 v22, v13  }
0x10d: {  	[tilespmem:s7+$0x30] =	vst v19;
	v19 =	vadd.f32 v23, v12  }
0x10e: {  	[tilespmem:s7+$0x40] =	vst v20;
	v20 =	vadd.f32 v24, v11  }
0x10f: {  	[tilespmem:s7+$0x50] =	vst v19;
	v19 =	vadd.f32 v25, v10  }
0x110: {  	[tilespmem:s7+$0x60] =	vst v20  }
0x111: {  	[tilespmem:s7+$0x70] =	vst v19  }
0x112: {  	v19 =	vld [tilespmem:s1+$0x1A400];
	_ =	sdelay $0x4  }
0x113: {  	v19 =	vadd.f32 v19, v9;
	_ =	sdelay $0x1  }
0x114: {  	s28 =	sadd.s32 $0x1A400, s1;
	[tilespmem:s1+$0x1A400] =	vst v19  }
0x115: {  	v19 =	vld [tilespmem:s28+$0x10]  }
0x116: {  	v20 =	vld [tilespmem:s28+$0x20]  }
0x117: {  	v59 =	vld [tilespmem:s28+$0x30]  }
0x118: {  	v60 =	vld [tilespmem:s28+$0x40]  }
0x119: {  	v61 =	vld [tilespmem:s28+$0x50]  }
0x11a: {  	v62 =	vld [tilespmem:s28+$0x60];
	v19 =	vadd.f32 v19, v8  }
0x11b: {  	v63 =	vld [tilespmem:s28+$0x70];
	v20 =	vadd.f32 v20, v7  }
0x11c: {  	[tilespmem:s28+$0x10] =	vst v19;
	v19 =	vadd.f32 v59, v6  }
0x11d: {  	[tilespmem:s28+$0x20] =	vst v20;
	v20 =	vadd.f32 v60, v5  }
0x11e: {  	[tilespmem:s28+$0x30] =	vst v19;
	v19 =	vadd.f32 v61, v4  }
0x11f: {  	[tilespmem:s28+$0x40] =	vst v20;
	v20 =	vadd.f32 v62, v3  }
0x120: {  	[tilespmem:s28+$0x50] =	vst v19;
	v19 =	vadd.f32 v63, v2  }
0x121: {  	[tilespmem:s28+$0x60] =	vst v20  }
0x122: {  	[tilespmem:s28+$0x70] =	vst v19  }
0x123: {  	v19 =	vld [tilespmem:s1+$0x1A800];
	_ =	sdelay $0x2  }
.Ltmp11:
0x124: {  	_ = 	snop;
	(pc) =	sbr.rel .LBB2_13-.Ltmp11, $3  }
0x125: {  	_ = 	snop  }
0x126: {  	v19 =	vadd.f32 v19, v1;
	_ =	sdelay $0x1  }
0x127: {  	s11 =	simm.f32 $0.0e+00;
	[tilespmem:s1+$0x1A800] =	vst v19  }
.LBB2_4:
0x128: {  	v17 =	vimm.f32 $0.0e+00;
	v16 =	vimm.f32 $0.0e+00  }
0x129: {  	v15 =	vimm.f32 $0.0e+00;
	v14 =	vimm.f32 $0.0e+00;
	v13 =	vimm.f32 $0.0e+00  }
0x12a: {  	v12 =	vimm.f32 $0.0e+00;
	v11 =	vimm.f32 $0.0e+00;
	v10 =	vimm.f32 $0.0e+00  }
0x12b: {  	v9 =	vimm.f32 $0.0e+00;
	v8 =	vimm.f32 $0.0e+00;
	v7 =	vimm.f32 $0.0e+00  }
0x12c: {  	v6 =	vimm.f32 $0.0e+00;
	v5 =	vimm.f32 $0.0e+00;
	v4 =	vimm.f32 $0.0e+00  }
0x12d: {  	s2 =	simm.f32 $-1.000000000e+00;
	v3 =	vimm.f32 $0.0e+00;
	v2 =	vimm.f32 $0.0e+00;
	v1 =	vimm.f32 $0.0e+00  }
.LBB2_15:
0x12e: {  	_ =	swait.ge [sflag:s14], $0x8000  }
0x12f: {  	[sflag:s14] =	ssyncset.done $0x0  }
0x130: {  	[sflag:s14] =	ssyncadd.s32 $0xFFFF8000  }
0x131: {  	_ =	swait.ge [sflag:s18], $0x4000  }
0x132: {  	s1 =	rddreg [dreg:$0x5]  }
0x133: {  	p0 =	sge.f32 s2, s1  }
.Ltmp12:
0x134: {  	_ = 	snop;
	(pc) =	sbr.rel @!p0 .LBB2_17-.Ltmp12, $3  }
0x135: {  	_ =	sdelay $0x1  }
0x136: {  	[sflag:s18] =	ssyncset.done $0x0  }
0x137: {  	[sflag:s18] =	ssyncadd.s32 $0xFFFFC000  }
0x138: {  	s1 =	rddreg [dreg:$0x6]  }
0x139: {  	p0 =	slt.f32 s2, s1;
	_ =	sdelay $0x1  }
0x13a: {  	s1 =	scvt.f32.s32 @p0 s2;
	_ =	sdelay $0x1  }
0x13b: {  	s1 =	ssub.s32 @p0 s1, s6  }
0x13c: {  	p1 =	sgt.s32 @p0 s1, $0x0  }
0x13d: {  	p1 =	por !p1, !p0  }
0x13e: {  	s1 =	simm.s32 @p1 $0x0  }
0x13f: {  	s1 =	smin.u32 @p0 s1, $0x1F  }
0x140: {  	s2 =	sshrl.u32 @p0 s1, $0x3  }
0x141: {  	s2 =	smul.u32 @p0 $0x3000, s2  }
0x142: {  	s1 =	sshll.u32 @p0 s1, $0x7  }
0x143: {  	s1 =	sand.u32 @p0 $0x380, s1;
	s2 =	sshrl.u32 @p0 s2, $0x2  }
0x144: {  	s1 =	sor.u32 @p0 s1, s2  }
0x145: {  	v18 =	vld @p0 [tilespmem:s1+$0x1A000];
	_ =	sdelay $0x4  }
0x146: {  	s2 =	sadd.s32 @p0 $0x1A000, s1;
	v17 =	vadd.f32 @p0 v18, v17  }
0x147: {  	v20 =	vld @p0 [tilespmem:s2+$0x40]  }
0x148: {  	v21 =	vld @p0 [tilespmem:s2+$0x50];
	[tilespmem:s1+$0x1A000] =	vst @p0 v17  }
0x149: {  	v17 =	vld @p0 [tilespmem:s2+$0x10]  }
0x14a: {  	v18 =	vld @p0 [tilespmem:s2+$0x20];
	_ =	sdelay $0x2  }
0x14b: {  	v19 =	vld @p0 [tilespmem:s2+$0x30]  }
0x14c: {  	v13 =	vadd.f32 @p0 v20, v13;
	v16 =	vadd.f32 @p0 v17, v16;
	v17 =	vld @p0 [tilespmem:s2+$0x60]  }
0x14d: {  	v12 =	vadd.f32 @p0 v21, v12;
	v15 =	vadd.f32 @p0 v18, v15;
	v18 =	vld @p0 [tilespmem:s2+$0x70]  }
0x14e: {  	[tilespmem:s2+$0x40] =	vst @p0 v13  }
0x14f: {  	[tilespmem:s2+$0x50] =	vst @p0 v12  }
0x150: {  	v14 =	vadd.f32 @p0 v19, v14;
	[tilespmem:s2+$0x10] =	vst @p0 v16  }
0x151: {  	[tilespmem:s2+$0x20] =	vst @p0 v15;
	v11 =	vadd.f32 @p0 v17, v11  }
0x152: {  	[tilespmem:s2+$0x30] =	vst @p0 v14;
	v10 =	vadd.f32 @p0 v18, v10  }
0x153: {  	[tilespmem:s2+$0x60] =	vst @p0 v11  }
0x154: {  	[tilespmem:s2+$0x70] =	vst @p0 v10  }
0x155: {  	v10 =	vld @p0 [tilespmem:s1+$0x1A400];
	_ =	sdelay $0x4  }
0x156: {  	s2 =	sadd.s32 @p0 $0x1A400, s1;
	v9 =	vadd.f32 @p0 v10, v9  }
0x157: {  	v12 =	vld @p0 [tilespmem:s2+$0x40]  }
0x158: {  	v13 =	vld @p0 [tilespmem:s2+$0x50];
	[tilespmem:s1+$0x1A400] =	vst @p0 v9  }
0x159: {  	v9 =	vld @p0 [tilespmem:s2+$0x10]  }
0x15a: {  	v10 =	vld @p0 [tilespmem:s2+$0x20];
	_ =	sdelay $0x2  }
0x15b: {  	v11 =	vld @p0 [tilespmem:s2+$0x30]  }
0x15c: {  	v5 =	vadd.f32 @p0 v12, v5;
	v8 =	vadd.f32 @p0 v9, v8;
	v9 =	vld @p0 [tilespmem:s2+$0x60]  }
0x15d: {  	v4 =	vadd.f32 @p0 v13, v4;
	v7 =	vadd.f32 @p0 v10, v7;
	v10 =	vld @p0 [tilespmem:s2+$0x70]  }
0x15e: {  	[tilespmem:s2+$0x40] =	vst @p0 v5  }
0x15f: {  	[tilespmem:s2+$0x50] =	vst @p0 v4  }
0x160: {  	v6 =	vadd.f32 @p0 v11, v6;
	[tilespmem:s2+$0x10] =	vst @p0 v8  }
0x161: {  	[tilespmem:s2+$0x20] =	vst @p0 v7;
	v3 =	vadd.f32 @p0 v9, v3  }
0x162: {  	[tilespmem:s2+$0x30] =	vst @p0 v6;
	v2 =	vadd.f32 @p0 v10, v2  }
0x163: {  	[tilespmem:s2+$0x60] =	vst @p0 v3  }
0x164: {  	[tilespmem:s2+$0x70] =	vst @p0 v2  }
0x165: {  	v2 =	vld @p0 [tilespmem:s1+$0x1A800];
	_ =	sdelay $0x4  }
0x166: {  	v1 =	vadd.f32 @p0 v2, v1;
	_ =	sdelay $0x1  }
0x167: {  	[tilespmem:s1+$0x1A800] =	vst @p0 v1  }
.LBB2_17:
0x168: {  	s1 =	simm.s32 $0x0  }
0x169: {  	s2 =	smul.u32 $0x3000, s1  }
0x16a: {  	s1 =	simm.s32 $0x0  }
0x16b: {  	s3 =	sand.u32 $0x380, s1;
	s2 =	sshra.s32 s2, $0x2  }
0x16c: {  	s2 =	sor.u32 s3, s2  }
0x16d: {  	v1 =	vld [tilespmem:s2+$0x1A800];
	_ =	sdelay $0x4  }
0x16e: {  	(erf) = vrcp.f32 v1;
	_ =	sdelay $0x5  }
0x16f: {  	v2 =	vld [tilespmem:s2+$0x1A000];
	_ =	sdelay $0x2  }
0x170: {  	s3 =	sadd.s32 $0x1A000, s2;
	vm0 =	vgt.f32 v1, $0.0e+00;
	v1 =	vpop (erf)  }
0x171: {  	v3 =	vld [tilespmem:s3+$0x60];
	v1 =	vnsel vm0, $0x0, v1  }
0x172: {  	v4 =	vld [tilespmem:s3+$0x70];
	v2 =	vmul.f32 v1, v2  }
0x173: {  	v5 =	vld [tilespmem:s3+$0x50]  }
0x174: {  	[tilespmem:s2+$0x1A000] =	vst v2;
	v2 =	vld [tilespmem:s3+$0x40]  }
0x175: {  	v6 =	vld [tilespmem:s3+$0x30]  }
0x176: {  	v3 =	vmul.f32 v3, v1;
	v7 =	vld [tilespmem:s3+$0x10]  }
0x177: {  	v4 =	vmul.f32 v4, v1;
	v8 =	vld [tilespmem:s3+$0x20]  }
0x178: {  	v5 =	vmul.f32 v5, v1;
	[tilespmem:s3+$0x60] =	vst v3  }
0x179: {  	[tilespmem:s3+$0x70] =	vst v4;
	v2 =	vmul.f32 v2, v1  }
0x17a: {  	[tilespmem:s3+$0x50] =	vst v5;
	v3 =	vmul.f32 v6, v1  }
0x17b: {  	v4 =	vmul.f32 v7, v1;
	[tilespmem:s3+$0x40] =	vst v2  }
0x17c: {  	v2 =	vmul.f32 v8, v1;
	[tilespmem:s3+$0x30] =	vst v3  }
0x17d: {  	[tilespmem:s3+$0x10] =	vst v4  }
0x17e: {  	[tilespmem:s3+$0x20] =	vst v2  }
0x17f: {  	s8 =	sadd.s32 $0x1A400, s2;
	v2 =	vld [tilespmem:s2+$0x1A400]  }
0x180: {  	v3 =	vld [tilespmem:s8+$0x40]  }
0x181: {  	v4 =	vld [tilespmem:s8+$0x50]  }
0x182: {  	v5 =	vld [tilespmem:s8+$0x60]  }
0x183: {  	v6 =	vld [tilespmem:s8+$0x70]  }
0x184: {  	v2 =	vmul.f32 v2, v1  }
0x185: {  	v3 =	vmul.f32 v3, v1  }
0x186: {  	v4 =	vmul.f32 v4, v1;
	[tilespmem:s2+$0x1A400] =	vst v2  }
0x187: {  	v5 =	vmul.f32 v5, v1;
	[tilespmem:s8+$0x40] =	vst v3  }
0x188: {  	v6 =	vmul.f32 v6, v1;
	[tilespmem:s8+$0x50] =	vst v4;
	v2 =	vld [tilespmem:s8+$0x10]  }
0x189: {  	[tilespmem:s8+$0x60] =	vst v5;
	v3 =	vld [tilespmem:s8+$0x20]  }
0x18a: {  	s9 =	simm.s32 $0x2;
	s2 =	simm.s32 $0x1;
	[tilespmem:s8+$0x70] =	vst v6;
	v4 =	vld [tilespmem:s8+$0x30]  }
.LBB2_18:
0x18b: {  	s7 =	sshrl.u32 s2, $0x3  }
0x18c: {  	s1 =	sadd.s32 $0x80, s1;
	s2 =	smov.u32 s9;
	s3 =	sadd.s32 $0x1, s9  }
0x18d: {  	p0 =	sne.s32 s9, $0x1F;
	s7 =	smul.u32 $0x3000, s7;
	v2 =	vmul.f32 v2, v1  }
0x18e: {  	v3 =	vmul.f32 v3, v1  }
0x18f: {  	s9 =	sand.u32 $0x380, s1;
	s7 =	sshra.s32 s7, $0x2;
	[tilespmem:s8+$0x10] =	vst v2;
	v1 =	vmul.f32 v4, v1  }
0x190: {  	s9 =	sor.u32 s9, s7;
	[tilespmem:s8+$0x20] =	vst v3  }
0x191: {  	[tilespmem:s8+$0x30] =	vst v1  }
0x192: {  	v1 =	vld [tilespmem:s9+$0x1A800];
	_ =	sdelay $0x4  }
0x193: {  	(erf) = vrcp.f32 v1;
	_ =	sdelay $0x4  }
0x194: {  	s7 =	sadd.s32 $0x1A000, s9;
	v2 =	vld [tilespmem:s9+$0x1A000]  }
0x195: {  	v3 =	vld [tilespmem:s7+$0x70]  }
0x196: {  	v4 =	vld [tilespmem:s7+$0x60]  }
0x197: {  	v5 =	vld [tilespmem:s7+$0x50]  }
0x198: {  	vm0 =	vgt.f32 v1, $0.0e+00;
	v1 =	vpop (erf)  }
0x199: {  	v1 =	vnsel vm0, $0x0, v1  }
0x19a: {  	v2 =	vmul.f32 v1, v2  }
0x19b: {  	v4 =	vmul.f32 v4, v1  }
0x19c: {  	v3 =	vmul.f32 v3, v1;
	[tilespmem:s9+$0x1A000] =	vst v2;
	v2 =	vld [tilespmem:s7+$0x40];
	v5 =	vmul.f32 v5, v1  }
0x19d: {  	v6 =	vld [tilespmem:s7+$0x30]  }
0x19e: {  	v7 =	vld [tilespmem:s7+$0x10]  }
0x19f: {  	v8 =	vld [tilespmem:s7+$0x20]  }
0x1a0: {  	[tilespmem:s7+$0x60] =	vst v4  }
0x1a1: {  	v2 =	vmul.f32 v2, v1;
	[tilespmem:s7+$0x70] =	vst v3  }
0x1a2: {  	v3 =	vmul.f32 v6, v1;
	[tilespmem:s7+$0x50] =	vst v5  }
0x1a3: {  	v4 =	vmul.f32 v7, v1;
	[tilespmem:s7+$0x40] =	vst v2  }
0x1a4: {  	v2 =	vmul.f32 v8, v1;
	[tilespmem:s7+$0x30] =	vst v3  }
0x1a5: {  	[tilespmem:s7+$0x10] =	vst v4  }
0x1a6: {  	[tilespmem:s7+$0x20] =	vst v2  }
0x1a7: {  	s8 =	sadd.s32 $0x1A400, s9;
	v2 =	vld [tilespmem:s9+$0x1A400]  }
0x1a8: {  	v3 =	vld [tilespmem:s8+$0x40]  }
0x1a9: {  	v4 =	vld [tilespmem:s8+$0x50]  }
0x1aa: {  	v5 =	vld [tilespmem:s8+$0x60]  }
0x1ab: {  	v6 =	vld [tilespmem:s8+$0x70]  }
0x1ac: {  	v2 =	vmul.f32 v2, v1  }
0x1ad: {  	v3 =	vmul.f32 v3, v1  }
.Ltmp13:
0x1ae: {  	[tilespmem:s9+$0x1A400] =	vst v2;
	v4 =	vmul.f32 v4, v1;
	(pc) =	sbr.rel @p0 .LBB2_18-.Ltmp13, $4  }
0x1af: {  	v2 =	vld [tilespmem:s8+$0x10];
	[tilespmem:s8+$0x40] =	vst v3;
	v5 =	vmul.f32 v5, v1  }
0x1b0: {  	v3 =	vld [tilespmem:s8+$0x20];
	[tilespmem:s8+$0x50] =	vst v4;
	v6 =	vmul.f32 v6, v1  }
0x1b1: {  	v4 =	vld [tilespmem:s8+$0x30];
	[tilespmem:s8+$0x60] =	vst v5  }
0x1b2: {  	s9 =	smov.u32 s3;
	[tilespmem:s8+$0x70] =	vst v6  }
0x1b3: {  	_ = 	snop  }
0x1b4: {  	s2 =	sshrl.u32 s2, $0x3;
	v2 =	vmul.f32 v2, v1  }
0x1b5: {  	s2 =	smul.u32 $0x3000, s2;
	v3 =	vmul.f32 v3, v1  }
0x1b6: {  	s1 =	sadd.s32 $0x80, s1;
	[tilespmem:s8+$0x10] =	vst v2;
	v1 =	vmul.f32 v4, v1  }
0x1b7: {  	s1 =	sand.u32 $0x380, s1;
	s2 =	sshra.s32 s2, $0x2;
	[tilespmem:s8+$0x20] =	vst v3  }
0x1b8: {  	s1 =	sor.u32 s1, s2;
	[tilespmem:s8+$0x30] =	vst v1  }
0x1b9: {  	v1 =	vld [tilespmem:s1+$0x1A800];
	_ =	sdelay $0x4  }
0x1ba: {  	(erf) = vrcp.f32 v1;
	_ =	sdelay $0x5  }
0x1bb: {  	v2 =	vld [tilespmem:s1+$0x1A000];
	_ =	sdelay $0x2  }
0x1bc: {  	s2 =	sadd.s32 $0x1A000, s1;
	vm0 =	vgt.f32 v1, $0.0e+00;
	v1 =	vpop (erf)  }
0x1bd: {  	v3 =	vld [tilespmem:s2+$0x60];
	v1 =	vnsel vm0, $0x0, v1  }
0x1be: {  	v58 =	vld [tilespmem:s2+$0x70];
	v2 =	vmul.f32 v1, v2  }
0x1bf: {  	v5 =	vld [tilespmem:s2+$0x50]  }
0x1c0: {  	[tilespmem:s1+$0x1A000] =	vst v2;
	v2 =	vld [tilespmem:s2+$0x40]  }
0x1c1: {  	v6 =	vld [tilespmem:s2+$0x30]  }
0x1c2: {  	v3 =	vmul.f32 v3, v1;
	v7 =	vld [tilespmem:s2+$0x10]  }
0x1c3: {  	v4 =	vmul.f32 v58, v1;
	v8 =	vld [tilespmem:s2+$0x20]  }
0x1c4: {  	v5 =	vmul.f32 v5, v1;
	[tilespmem:s2+$0x60] =	vst v3  }
0x1c5: {  	[tilespmem:s2+$0x70] =	vst v4;
	v2 =	vmul.f32 v2, v1  }
0x1c6: {  	[tilespmem:s2+$0x50] =	vst v5;
	v3 =	vmul.f32 v6, v1  }
0x1c7: {  	v59 =	vmul.f32 v7, v1;
	[tilespmem:s2+$0x40] =	vst v2  }
0x1c8: {  	v2 =	vmul.f32 v8, v1;
	[tilespmem:s2+$0x30] =	vst v3  }
0x1c9: {  	[tilespmem:s2+$0x10] =	vst v59  }
0x1ca: {  	[tilespmem:s2+$0x20] =	vst v2  }
0x1cb: {  	v2 =	vld [tilespmem:s1+$0x1A400];
	_ =	sdelay $0x2  }
0x1cc: {  	s26 =	sadd.s32 $0x1A400, s1  }
0x1cd: {  	v3 =	vld [tilespmem:s26+$0x40]  }
0x1ce: {  	v4 =	vld [tilespmem:s26+$0x50];
	v2 =	vmul.f32 v2, v1  }
0x1cf: {  	v60 =	vld [tilespmem:s26+$0x70]  }
0x1d0: {  	v5 =	vld [tilespmem:s26+$0x60];
	[tilespmem:s1+$0x1A400] =	vst v2  }
0x1d1: {  	v2 =	vld [tilespmem:s26+$0x10]  }
0x1d2: {  	v3 =	vmul.f32 v3, v1;
	v61 =	vld [tilespmem:s26+$0x20]  }
0x1d3: {  	v4 =	vmul.f32 v4, v1;
	v62 =	vld [tilespmem:s26+$0x30]  }
0x1d4: {  	v63 =	vmul.f32 v60, v1;
	[tilespmem:s26+$0x40] =	vst v3  }
0x1d5: {  	v3 =	vmul.f32 v5, v1;
	[tilespmem:s26+$0x50] =	vst v4  }
0x1d6: {  	[tilespmem:s26+$0x70] =	vst v63;
	v2 =	vmul.f32 v2, v1  }
0x1d7: {  	[tilespmem:s26+$0x60] =	vst v3;
	v3 =	vmul.f32 v61, v1  }
0x1d8: {  	v1 =	vmul.f32 v62, v1;
	[tilespmem:s26+$0x10] =	vst v2  }
0x1d9: {  	[tilespmem:s26+$0x20] =	vst v3  }
0x1da: {  	s28 =	rddreg [dreg:$0x7];
	s29 =	simm.s32 $0x1A000;
	[tilespmem:s26+$0x30] =	vst v1  }
0x1db: {  	[hbm4b:s28+s4] =	stream.linear.scatter [tilespmem:s29], [sflag:$0x5], $0x3000, $0x38;
	[tilespmem:$0x1D000] =	vst v63  }
0x1dc: {  	_ =	swait.ge [sflag:s13], $0x3000  }
0x1dd: {  	s22 =	sadd.s32 $0x1, s22;
	s31 =	rddreg [dreg:$0x8]  }
0x1de: {  	p0 =	sne.s32 s22, s31  }
.Ltmp14:
0x1df: {  	_ = 	snop;
	(pc) =	sbr.rel @p0 .LBB2_1-.Ltmp14, $3  }
0x1e0: {  	_ =	sdelay $0x1  }
0x1e1: {  	[sflag:s13] =	ssyncset.done $0x0  }
0x1e2: {  	[sflag:s13] =	ssyncadd.s32 $0xFFFFD000  }
0x1e3: {  	_ =	sfence.sel $0x180000  }
0x1e4: {  	[bflag:$0x0] =	sbarrier.arrive $0xFFFF  }
0x1e5: {  	_ =	strace $0x90000047  }
0x1e6: {  	s0 =	stileid.u32;
	[bflag:$0x2] =	sbarrier.arrive $0xFFFF  }
0x1e7: {  	p0 =	sne.s32 s0, $0x0;
	s0 =	rddreg [dreg:$0x3]  }
0x1e8: {  	s0 =	sadd.s32 @!p0 $0x100000, s0  }
0x1e9: {  	[sflag:s0] =	ssyncadd.tile.s32 @!p0 $0x1;
	_ =	shalt  }
.Lfunc_end2:
_tile_overlayer_lowered:
.L_overlay_start_2:
0x1ea: {  	(tag) =	ssettag $0x2  }
0x1eb: {  	s0 =	rddreg [dreg:$0x0];
	s2 =	stileid.u32  }
0x1ec: {  	s1 =	rddreg [dreg:$0x1];
	p0 =	sne.s32 s2, $0x0  }
0x1ed: {  	s3 =	rddreg [dreg:$0x2];
	[bflag:$0x3] =	sbarrier.arrive $0xFFFF;
	s2 =	simm.s32 @!p0 $0x1C05  }
0x1ee: {  	[timem:s3], [sflag:s2] =	dma.local @!p0 [hbm:s0], s1  }
0x1ef: {  	s0 =	simm.s32 @!p0 $0x5  }
0x1f0: {  	_ =	swait.ge @!p0 [sflag:s0], s1  }
0x1f1: {  	s1 =	ssub.s32 @!p0 $0x0, s1;
	[sflag:s0] =	ssyncset.done @!p0 $0x0  }
0x1f2: {  	[sflag:s0] =	ssyncadd.s32 @!p0 s1  }
0x1f3: {  	[bflag:$0x3] =	sbarrier.arrive $0xFFFF  }
0x1f4: {  	_ =	shalt  }

</sc_bundles>
